<compile_context>
chip_gen: v7x
topology: tpu7x:2x2x1
jax: 0.10.2.dev20260603
libtpu: 0.0.44.dev20260713+nightly
codegen_flags: <defaults>
</compile_context>

<pallas_src>
import functools

import jax
import jax.numpy as jnp
from jax import lax
from jax.experimental import pallas as pl
from jax.experimental.pallas import tpu as pltpu
from jax.experimental.pallas import tpu_sc as plsc

_BN_EPS = 1e-5



def _make_sc_agg(n, h, e):
    ncores, nsub = 2, 16
    nw = ncores * nsub
    epw = e // nw
    ch = 80
    nch = epw // ch
    npad = -(-n // 128) * 128
    rpt = npad // nsub

    mesh = plsc.VectorSubcoreMesh(core_axis_name="c", subcore_axis_name="s")

    @functools.partial(
        pl.kernel,
        out_type=jax.ShapeDtypeStruct((ncores, npad, h), jnp.float32),
        mesh=mesh,
        scratch_types=[
            pltpu.VMEM((ch,), jnp.int32),
            pltpu.VMEM((ch,), jnp.int32),
            pltpu.VMEM((ch, h), jnp.float32),
            pltpu.VMEM((8, h), jnp.float32),
            pltpu.VMEM_SHARED((npad, h), jnp.float32),
            pltpu.SemaphoreType.DMA,
        ],
    )
    def agg_kernel(h_hbm, src_hbm, dst_hbm, out_hbm, src_v, dst_v, rows_v,
                   zbuf, acc, sem):
        cid = lax.axis_index("c")
        sid = lax.axis_index("s")

        for i in range(8):
            for j in range(h // 16):
                zbuf[i, pl.ds(j * 16, 16)] = jnp.zeros((16,), jnp.float32)

        def zcopy(k, carry):
            pltpu.sync_copy(zbuf, acc.at[pl.ds(sid * rpt + k * 8, 8)])
            return carry

        lax.fori_loop(0, rpt // 8, zcopy, 0)
        plsc.subcore_barrier()

        base = (cid * nsub + sid) * epw

        def chunk(i, carry):
            st = base + i * ch
            pltpu.sync_copy(src_hbm.at[pl.ds(st, ch)], src_v)
            pltpu.sync_copy(dst_hbm.at[pl.ds(st, ch)], dst_v)
            pltpu.async_copy(h_hbm.at[src_v], rows_v, sem).wait()
            pltpu.sync_copy(rows_v, acc.at[dst_v], add=True)
            return carry

        lax.fori_loop(0, nch, chunk, 0)
        plsc.subcore_barrier()
        pltpu.sync_copy(acc.at[pl.ds(sid * rpt, rpt)],
                        out_hbm.at[cid, pl.ds(sid * rpt, rpt)])

    return agg_kernel



def _mm_in_body(nblk, x_ref, w_ref, b_ref, t_ref, s_ref, acc):
    j = pl.program_id(0)
    t = jnp.dot(x_ref[...], w_ref[...], preferred_element_type=jnp.float32)
    t = t + b_ref[...]
    t_ref[...] = t
    blk = jnp.concatenate([jnp.sum(t, axis=0, keepdims=True),
                           jnp.sum(t * t, axis=0, keepdims=True)], axis=0)

    @pl.when(j == 0)
    def _():
        acc[...] = jnp.zeros_like(acc)

    acc[...] += blk

    @pl.when(j == nblk - 1)
    def _():
        s_ref[...] = acc[...]


def _mm_gin_body(nblk, h_ref, agg_ref, eps_ref, w_ref, b_ref, t_ref, s_ref,
                 acc):
    j = pl.program_id(0)
    a = agg_ref[...]
    pre = (1.0 + eps_ref[0, 0]) * h_ref[...] + a[0] + a[1]
    t = jnp.dot(pre, w_ref[...], preferred_element_type=jnp.float32)
    t = t + b_ref[...]
    t_ref[...] = t
    blk = jnp.concatenate([jnp.sum(t, axis=0, keepdims=True),
                           jnp.sum(t * t, axis=0, keepdims=True)], axis=0)

    @pl.when(j == 0)
    def _():
        acc[...] = jnp.zeros_like(acc)

    acc[...] += blk

    @pl.when(j == nblk - 1)
    def _():
        s_ref[...] = acc[...]


def _bn_scale_shift(s, g, be, n_total):
    m = s[0:1, :] / n_total
    v = s[1:2, :] / n_total - m * m
    scale = g * lax.rsqrt(v + _BN_EPS)
    shift = be - m * scale
    return scale, shift


def _bn_mm_body(nblk, n_total, t1_ref, s1_ref, g_ref, be_ref, w_ref, b_ref,
                t2_ref, s2_ref, acc):
    j = pl.program_id(0)
    scale, shift = _bn_scale_shift(s1_ref[...], g_ref[...], be_ref[...],
                                   n_total)
    u = jnp.maximum(t1_ref[...] * scale + shift, 0.0)
    t2 = jnp.dot(u, w_ref[...], preferred_element_type=jnp.float32)
    t2 = t2 + b_ref[...]
    t2_ref[...] = t2
    blk = jnp.concatenate([jnp.sum(t2, axis=0, keepdims=True),
                           jnp.sum(t2 * t2, axis=0, keepdims=True)], axis=0)

    @pl.when(j == 0)
    def _():
        acc[...] = jnp.zeros_like(acc)

    acc[...] += blk

    @pl.when(j == nblk - 1)
    def _():
        s2_ref[...] = acc[...]


def _bn_relu_body(n_total, t_ref, s_ref, g_ref, be_ref, h_ref):
    scale, shift = _bn_scale_shift(s_ref[...], g_ref[...], be_ref[...],
                                   n_total)
    h_ref[...] = jnp.maximum(t_ref[...] * scale + shift, 0.0)


def _bn_relu_res_body(n_total, t_ref, s_ref, g_ref, be_ref, prev_ref, h_ref):
    scale, shift = _bn_scale_shift(s_ref[...], g_ref[...], be_ref[...],
                                   n_total)
    h_ref[...] = jnp.maximum(t_ref[...] * scale + shift, 0.0) + prev_ref[...]


def _pool_body(nblk, g_seg, h_ref, b3_ref, wc1_ref, bc1_ref, wc2_ref, bc2_ref,
               wcf_ref, bcf_ref, logits_ref, conf_ref, sums_acc, cnts_acc):
    j = pl.program_id(0)
    bvec = b3_ref[0, 0, :]
    onehot = (bvec[:, None] == lax.broadcasted_iota(jnp.int32, (1, 128), 1))
    onehot = onehot.astype(jnp.float32)
    hb = h_ref[...]
    part = lax.dot_general(onehot, hb, (((0,), (0,)), ((), ())),
                           preferred_element_type=jnp.float32)
    cnt = lax.dot_general(onehot, jnp.ones_like(hb), (((0,), (0,)), ((), ())),
                          preferred_element_type=jnp.float32)

    @pl.when(j == 0)
    def _():
        sums_acc[...] = jnp.zeros_like(sums_acc)
        cnts_acc[...] = jnp.zeros_like(cnts_acc)

    sums_acc[...] += part
    cnts_acc[...] += cnt

    @pl.when(j == nblk - 1)
    def _():
        sums = sums_acc[0:g_seg, :]
        cnts = jnp.maximum(cnts_acc[0:g_seg, :], 1.0)
        mean = sums / cnts
        emb = jnp.concatenate([mean, sums], axis=1)
        hm = jnp.dot(emb, wc1_ref[...], preferred_element_type=jnp.float32)
        hm = jnp.maximum(hm + bc1_ref[...], 0.0)
        logits_ref[...] = jnp.dot(
            hm, wc2_ref[...], preferred_element_type=jnp.float32) + bc2_ref[...]
        cf = jnp.dot(emb, wcf_ref[...], preferred_element_type=jnp.float32)
        conf_ref[...] = jax.nn.sigmoid(cf + bcf_ref[...])



def _row_spec(blk, width):
    return pl.BlockSpec((blk, width), lambda j: (j, 0))


def _full_spec(shape):
    nd = len(shape)
    return pl.BlockSpec(shape, lambda j: (0,) * nd)


def _mm_in(x, w, b, blk):
    n, _ = x.shape
    k = w.shape[1]
    nblk = n // blk
    return pl.pallas_call(
        functools.partial(_mm_in_body, nblk),
        grid=(nblk,),
        in_specs=[_row_spec(blk, x.shape[1]), _full_spec(w.shape),
                  _full_spec((1, k))],
        out_specs=[_row_spec(blk, k), _full_spec((2, k))],
        out_shape=[jax.ShapeDtypeStruct((n, k), jnp.float32),
                   jax.ShapeDtypeStruct((2, k), jnp.float32)],
        scratch_shapes=[pltpu.VMEM((2, k), jnp.float32)],
    )(x, w, b.reshape(1, k))


def _mm_gin(hcur, aggp, eps, w, b, blk):
    n, hdim = hcur.shape
    k = w.shape[1]
    nblk = n // blk
    return pl.pallas_call(
        functools.partial(_mm_gin_body, nblk),
        grid=(nblk,),
        in_specs=[_row_spec(blk, hdim),
                  pl.BlockSpec((2, blk, hdim), lambda j: (0, j, 0)),
                  pl.BlockSpec(memory_space=pltpu.SMEM),
                  _full_spec(w.shape), _full_spec((1, k))],
        out_specs=[_row_spec(blk, k), _full_spec((2, k))],
        out_shape=[jax.ShapeDtypeStruct((n, k), jnp.float32),
                   jax.ShapeDtypeStruct((2, k), jnp.float32)],
        scratch_shapes=[pltpu.VMEM((2, k), jnp.float32)],
    )(hcur, aggp, eps.reshape(1, 1), w, b.reshape(1, k))


def _bn_mm(t1, s1, g, be, w, b, blk):
    n, k1 = t1.shape
    k2 = w.shape[1]
    nblk = n // blk
    return pl.pallas_call(
        functools.partial(_bn_mm_body, nblk, float(n)),
        grid=(nblk,),
        in_specs=[_row_spec(blk, k1), _full_spec((2, k1)),
                  _full_spec((1, k1)), _full_spec((1, k1)),
                  _full_spec(w.shape), _full_spec((1, k2))],
        out_specs=[_row_spec(blk, k2), _full_spec((2, k2))],
        out_shape=[jax.ShapeDtypeStruct((n, k2), jnp.float32),
                   jax.ShapeDtypeStruct((2, k2), jnp.float32)],
        scratch_shapes=[pltpu.VMEM((2, k2), jnp.float32)],
    )(t1, s1, g.reshape(1, k1), be.reshape(1, k1), w, b.reshape(1, k2))


def _bn_relu(t, s, g, be, blk):
    n, k = t.shape
    nblk = n // blk
    return pl.pallas_call(
        functools.partial(_bn_relu_body, float(n)),
        grid=(nblk,),
        in_specs=[_row_spec(blk, k), _full_spec((2, k)),
                  _full_spec((1, k)), _full_spec((1, k))],
        out_specs=_row_spec(blk, k),
        out_shape=jax.ShapeDtypeStruct((n, k), jnp.float32),
    )(t, s, g.reshape(1, k), be.reshape(1, k))


def _bn_relu_res(t, s, g, be, prev, blk):
    n, k = t.shape
    nblk = n // blk
    return pl.pallas_call(
        functools.partial(_bn_relu_res_body, float(n)),
        grid=(nblk,),
        in_specs=[_row_spec(blk, k), _full_spec((2, k)),
                  _full_spec((1, k)), _full_spec((1, k)),
                  _row_spec(blk, k)],
        out_specs=_row_spec(blk, k),
        out_shape=jax.ShapeDtypeStruct((n, k), jnp.float32),
    )(t, s, g.reshape(1, k), be.reshape(1, k), prev)


def _pool_cls(hcur, batch, g_seg, wc1, bc1, wc2p, bc2p, wcfp, bcfp, blk):
    n, hdim = hcur.shape
    nblk = n // blk
    b3 = batch.reshape(nblk, 1, blk)
    return pl.pallas_call(
        functools.partial(_pool_body, nblk, g_seg),
        grid=(nblk,),
        in_specs=[_row_spec(blk, hdim),
                  pl.BlockSpec((1, 1, blk), lambda j: (j, 0, 0)),
                  _full_spec(wc1.shape), _full_spec((1, wc1.shape[1])),
                  _full_spec(wc2p.shape), _full_spec((1, wc2p.shape[1])),
                  _full_spec(wcfp.shape), _full_spec((1, wcfp.shape[1]))],
        out_specs=[_full_spec((g_seg, wc2p.shape[1])),
                   _full_spec((g_seg, wcfp.shape[1]))],
        out_shape=[jax.ShapeDtypeStruct((g_seg, wc2p.shape[1]), jnp.float32),
                   jax.ShapeDtypeStruct((g_seg, wcfp.shape[1]), jnp.float32)],
        scratch_shapes=[pltpu.VMEM((128, hdim), jnp.float32),
                        pltpu.VMEM((128, hdim), jnp.float32)],
    )(hcur, b3, wc1, bc1.reshape(1, -1), wc2p, bc2p.reshape(1, -1),
      wcfp, bcfp.reshape(1, -1))



def kernel(x, edge_index, batch, params):
    p = params
    n, _ = x.shape
    e = edge_index.shape[1]
    hdim = p['W_in'].shape[1]
    g_seg = 64
    blk = 1000

    src = edge_index[0]
    dst = edge_index[1]

    sc_agg = _make_sc_agg(n, hdim, e)

    t0, s0 = _mm_in(x, p['W_in'], p['b_in'], blk)
    hcur = _bn_relu(t0, s0, p['g_bn_in'], p['be_bn_in'], blk)

    for l in range(3):
        aggp = sc_agg(hcur, src, dst)
        t1, s1 = _mm_gin(hcur, aggp, p['eps_%d' % l], p['W1_%d' % l],
                         p['b1_%d' % l], blk)
        t2, s2 = _bn_mm(t1, s1, p['g_mid_%d' % l], p['be_mid_%d' % l],
                        p['W2_%d' % l], p['b2_%d' % l], blk)
        hcur = _bn_relu_res(t2, s2, p['g_bn_%d' % l], p['be_bn_%d' % l],
                            hcur, blk)

    wc2p = jnp.pad(p['W_c2'], ((0, 0), (0, 128 - p['W_c2'].shape[1])))
    bc2p = jnp.pad(p['b_c2'], (0, 128 - p['b_c2'].shape[0]))
    wcfp = jnp.pad(p['W_conf'], ((0, 0), (0, 128 - p['W_conf'].shape[1])))
    bcfp = jnp.pad(p['b_conf'], (0, 128 - p['b_conf'].shape[0]))

    logits_pad, conf_pad = _pool_cls(hcur, batch, g_seg, p['W_c1'], p['b_c1'],
                                     wc2p, bc2p, wcfp, bcfp, blk)
    return logits_pad[:, :2], conf_pad[:, :1]

# --- scband reference (transcript-rebuilt; emitter-appended) ---
"""Pipeline reference for scband-mini-ginv3-58188216926530 (READ-ONLY COPY).

The authoritative reference and input builder live on the scoring server;
editing this copy changes nothing except your own understanding.
"""

import jax, jax.numpy as jnp
import numpy as np

N = 10000
E = 320000
D = 128
H = 128
G = 64

def _init_params(key):
    ks = jax.random.split(key, 32)
    def w(k, shape):
        return jax.random.normal(k, shape, dtype=jnp.float32) * (1.0 / np.sqrt(shape[0]))
    p = {}
    p['W_in'] = w(ks[0], (D, H)); p['b_in'] = jnp.zeros((H,), jnp.float32)
    p['g_bn_in'] = jnp.ones((H,), jnp.float32); p['be_bn_in'] = jnp.zeros((H,), jnp.float32)
    for l in range(3):
        p['W1_%d' % l] = w(ks[1 + 5 * l], (H, 2 * H)); p['b1_%d' % l] = jnp.zeros((2 * H,), jnp.float32)
        p['g_mid_%d' % l] = jnp.ones((2 * H,), jnp.float32); p['be_mid_%d' % l] = jnp.zeros((2 * H,), jnp.float32)
        p['W2_%d' % l] = w(ks[2 + 5 * l], (2 * H, H)); p['b2_%d' % l] = jnp.zeros((H,), jnp.float32)
        p['eps_%d' % l] = jnp.zeros((), jnp.float32)
        p['g_bn_%d' % l] = jnp.ones((H,), jnp.float32); p['be_bn_%d' % l] = jnp.zeros((H,), jnp.float32)
    p['W_c1'] = w(ks[20], (2 * H, H)); p['b_c1'] = jnp.zeros((H,), jnp.float32)
    p['W_c2'] = w(ks[21], (H, 2)); p['b_c2'] = jnp.zeros((2,), jnp.float32)
    p['W_conf'] = w(ks[22], (2 * H, 1)); p['b_conf'] = jnp.zeros((1,), jnp.float32)
    return p

def setup_inputs(seed: int = 0):
    key = jax.random.key(seed)
    k1, k2, k3, k4 = jax.random.split(key, 4)
    x = jax.random.normal(k1, (N, D), dtype=jnp.float32)
    edge_index = jax.random.randint(k2, (2, E), 0, N, dtype=jnp.int32)
    batch = jnp.sort(jax.random.randint(k3, (N,), 0, G, dtype=jnp.int32))
    params = _init_params(k4)
    return {'x': x, 'edge_index': edge_index, 'batch': batch, 'params': params}

def _bn(x, g, b, eps=1e-5):
    m = jnp.mean(x, axis=0)
    v = jnp.var(x, axis=0)
    return (x - m) / jnp.sqrt(v + eps) * g + b

def _forward(x, edge_index, batch, p):
    h = jax.nn.relu(_bn(x @ p['W_in'] + p['b_in'], p['g_bn_in'], p['be_bn_in']))
    prev = h
    src = edge_index[0]
    dst = edge_index[1]
    for l in range(3):
        agg = jnp.zeros_like(h).at[dst].add(h[src])
        z = (1.0 + p['eps_%d' % l]) * h + agg
        z = z @ p['W1_%d' % l] + p['b1_%d' % l]
        z = jax.nn.relu(_bn(z, p['g_mid_%d' % l], p['be_mid_%d' % l]))
        z = z @ p['W2_%d' % l] + p['b2_%d' % l]
        h_new = jax.nn.relu(_bn(z, p['g_bn_%d' % l], p['be_bn_%d' % l]))
        h = h_new + prev
        prev = h
    sums = jax.ops.segment_sum(h, batch, num_segments=G)
    counts = jax.ops.segment_sum(jnp.ones((h.shape[0], 1), jnp.float32), batch, num_segments=G)
    mean = sums / jnp.maximum(counts, 1.0)
    emb = jnp.concatenate([mean, sums], axis=-1)
    logits = jax.nn.relu(emb @ p['W_c1'] + p['b_c1']) @ p['W_c2'] + p['b_c2']
    conf = jax.nn.sigmoid(emb @ p['W_conf'] + p['b_conf'])
    return logits, conf

def reference(x, edge_index, batch, params):
    return _forward(x, edge_index, batch, params)

if __name__ == "__main__":
    import jax
    _d = setup_inputs()
    print(jax.jit(kernel)(*tuple(_d.values())))

</pallas_src>

<mosaic_0001>
#map = affine_map<(d0, d1) -> (0, 0)>
#map1 = affine_map<(d0, d1) -> (0)>
#map2 = affine_map<(d0, d1) -> (0, 0, 0)>
module attributes {stable_mosaic.version = 14 : i64} {
  func.func @agg_kernel(%arg0: i32, %arg1: i32, %arg2: memref<10000x128xf32, #tpu.memory_space<hbm>>, %arg3: memref<320000xi32, #tpu.memory_space<hbm>>, %arg4: memref<320000xi32, #tpu.memory_space<hbm>>, %arg5: memref<2x10112x128xf32, #tpu.memory_space<hbm>>, %arg6: memref<80xi32, #tpu.memory_space<vmem>>, %arg7: memref<80xi32, #tpu.memory_space<vmem>>, %arg8: memref<80x128xf32, #tpu.memory_space<vmem>>, %arg9: memref<8x128xf32, #tpu.memory_space<vmem>>, %arg10: memref<10112x128xf32, #tpu.memory_space<vmem_shared>>, %arg11: memref<!tpu.dma_semaphore, #tpu.memory_space<semaphore_mem>>) attributes {dimension_semantics = [#tpu.dimension_semantics<core_parallel>, #tpu.dimension_semantics<subcore_parallel>], iteration_bounds = array<i64: 2, 16>, scalar_prefetch = 0 : i64, scratch_operands = 6 : i64, tpu.core_type = #tpu.core_type<sc_vector_subcore>, window_params = [{transform_indices = #map}, {transform_indices = #map1}, {transform_indices = #map1}, {transform_indices = #map2}]} {
    %broadcast_in_dim3A = arith.constant 0.000000e+00 : f32
    %broadcast_in_dim3A_0 = vector.broadcast %broadcast_in_dim3A : f32 to vector<16xf32>
    %swap3A = arith.constant 0 : i32
    %swap3A_1 = arith.index_cast %swap3A : i32 to index
    %swap3A_2 = arith.constant 0 : index
    %swap3A_3 = tpu.vector_load %arg9[%swap3A_1, %swap3A_2] {strides = array<i32>} : memref<8x128xf32, #tpu.memory_space<vmem>>, vector<1x16xf32>,
    %swap3A_4 = vector.shape_cast %swap3A_3 : vector<1x16xf32> to vector<16xf32>
    %swap3A_5 = vector.shape_cast %broadcast_in_dim3A_0 : vector<16xf32> to vector<1x16xf32>
    tpu.vector_store %arg9[%swap3A_1, %swap3A_2], %swap3A_5 {strides = array<i32>} : memref<8x128xf32, #tpu.memory_space<vmem>>, vector<1x16xf32>,
    %broadcast_in_dim3A_6 = arith.constant 0.000000e+00 : f32
    %broadcast_in_dim3A_7 = vector.broadcast %broadcast_in_dim3A_6 : f32 to vector<16xf32>
    %swap3A_8 = arith.constant 0 : i32
    %swap3A_9 = arith.index_cast %swap3A_8 : i32 to index
    %swap3A_10 = arith.constant 16 : index
    %swap3A_11 = tpu.vector_load %arg9[%swap3A_9, %swap3A_10] {strides = array<i32>} : memref<8x128xf32, #tpu.memory_space<vmem>>, vector<1x16xf32>,
    %swap3A_12 = vector.shape_cast %swap3A_11 : vector<1x16xf32> to vector<16xf32>
    %swap3A_13 = vector.shape_cast %broadcast_in_dim3A_7 : vector<16xf32> to vector<1x16xf32>
    tpu.vector_store %arg9[%swap3A_9, %swap3A_10], %swap3A_13 {strides = array<i32>} : memref<8x128xf32, #tpu.memory_space<vmem>>, vector<1x16xf32>,
    %broadcast_in_dim3A_14 = arith.constant 0.000000e+00 : f32
    %broadcast_in_dim3A_15 = vector.broadcast %broadcast_in_dim3A_14 : f32 to vector<16xf32>
    %swap3A_16 = arith.constant 0 : i32
    %swap3A_17 = arith.index_cast %swap3A_16 : i32 to index
    %swap3A_18 = arith.constant 32 : index
    %swap3A_19 = tpu.vector_load %arg9[%swap3A_17, %swap3A_18] {strides = array<i32>} : memref<8x128xf32, #tpu.memory_space<vmem>>, vector<1x16xf32>,
    %swap3A_20 = vector.shape_cast %swap3A_19 : vector<1x16xf32> to vector<16xf32>
    %swap3A_21 = vector.shape_cast %broadcast_in_dim3A_15 : vector<16xf32> to vector<1x16xf32>
    tpu.vector_store %arg9[%swap3A_17, %swap3A_18], %swap3A_21 {strides = array<i32>} : memref<8x128xf32, #tpu.memory_space<vmem>>, vector<1x16xf32>,
    %broadcast_in_dim3A_22 = arith.constant 0.000000e+00 : f32
    %broadcast_in_dim3A_23 = vector.broadcast %broadcast_in_dim3A_22 : f32 to vector<16xf32>
    %swap3A_24 = arith.constant 0 : i32
    %swap3A_25 = arith.index_cast %swap3A_24 : i32 to index
    %swap3A_26 = arith.constant 48 : index
    %swap3A_27 = tpu.vector_load %arg9[%swap3A_25, %swap3A_26] {strides = array<i32>} : memref<8x128xf32, #tpu.memory_space<vmem>>, vector<1x16xf32>,
    %swap3A_28 = vector.shape_cast %swap3A_27 : vector<1x16xf32> to vector<16xf32>
    %swap3A_29 = vector.shape_cast %broadcast_in_dim3A_23 : vector<16xf32> to vector<1x16xf32>
    tpu.vector_store %arg9[%swap3A_25, %swap3A_26], %swap3A_29 {strides = array<i32>} : memref<8x128xf32, #tpu.memory_space<vmem>>, vector<1x16xf32>,
    %broadcast_in_dim3A_30 = arith.constant 0.000000e+00 : f32
    %broadcast_in_dim3A_31 = vector.broadcast %broadcast_in_dim3A_30 : f32 to vector<16xf32>
    %swap3A_32 = arith.constant 0 : i32
    %swap3A_33 = arith.index_cast %swap3A_32 : i32 to index
    %swap3A_34 = arith.constant 64 : index
    %swap3A_35 = tpu.vector_load %arg9[%swap3A_33, %swap3A_34] {strides = array<i32>} : memref<8x128xf32, #tpu.memory_space<vmem>>, vector<1x16xf32>,
    %swap3A_36 = vector.shape_cast %swap3A_35 : vector<1x16xf32> to vector<16xf32>
    %swap3A_37 = vector.shape_cast %broadcast_in_dim3A_31 : vector<16xf32> to vector<1x16xf32>
    tpu.vector_store %arg9[%swap3A_33, %swap3A_34], %swap3A_37 {strides = array<i32>} : memref<8x128xf32, #tpu.memory_space<vmem>>, vector<1x16xf32>,
    %broadcast_in_dim3A_38 = arith.constant 0.000000e+00 : f32
    %broadcast_in_dim3A_39 = vector.broadcast %broadcast_in_dim3A_38 : f32 to vector<16xf32>
    %swap3A_40 = arith.constant 0 : i32
    %swap3A_41 = arith.index_cast %swap3A_40 : i32 to index
    %swap3A_42 = arith.constant 80 : index
    %swap3A_43 = tpu.vector_load %arg9[%swap3A_41, %swap3A_42] {strides = array<i32>} : memref<8x128xf32, #tpu.memory_space<vmem>>, vector<1x16xf32>,
    %swap3A_44 = vector.shape_cast %swap3A_43 : vector<1x16xf32> to vector<16xf32>
    %swap3A_45 = vector.shape_cast %broadcast_in_dim3A_39 : vector<16xf32> to vector<1x16xf32>
    tpu.vector_store %arg9[%swap3A_41, %swap3A_42], %swap3A_45 {strides = array<i32>} : memref<8x128xf32, #tpu.memory_space<vmem>>, vector<1x16xf32>,
    %broadcast_in_dim3A_46 = arith.constant 0.000000e+00 : f32
    %broadcast_in_dim3A_47 = vector.broadcast %broadcast_in_dim3A_46 : f32 to vector<16xf32>
    %swap3A_48 = arith.constant 0 : i32
    %swap3A_49 = arith.index_cast %swap3A_48 : i32 to index
    %swap3A_50 = arith.constant 96 : index
    %swap3A_51 = tpu.vector_load %arg9[%swap3A_49, %swap3A_50] {strides = array<i32>} : memref<8x128xf32, #tpu.memory_space<vmem>>, vector<1x16xf32>,
    %swap3A_52 = vector.shape_cast %swap3A_51 : vector<1x16xf32> to vector<16xf32>
    %swap3A_53 = vector.shape_cast %broadcast_in_dim3A_47 : vector<16xf32> to vector<1x16xf32>
    tpu.vector_store %arg9[%swap3A_49, %swap3A_50], %swap3A_53 {strides = array<i32>} : memref<8x128xf32, #tpu.memory_space<vmem>>, vector<1x16xf32>,
    %broadcast_in_dim3A_54 = arith.constant 0.000000e+00 : f32
    %broadcast_in_dim3A_55 = vector.broadcast %broadcast_in_dim3A_54 : f32 to vector<16xf32>
    %swap3A_56 = arith.constant 0 : i32
    %swap3A_57 = arith.index_cast %swap3A_56 : i32 to index
    %swap3A_58 = arith.constant 112 : index
    %swap3A_59 = tpu.vector_load %arg9[%swap3A_57, %swap3A_58] {strides = array<i32>} : memref<8x128xf32, #tpu.memory_space<vmem>>, vector<1x16xf32>,
    %swap3A_60 = vector.shape_cast %swap3A_59 : vector<1x16xf32> to vector<16xf32>
    %swap3A_61 = vector.shape_cast %broadcast_in_dim3A_55 : vector<16xf32> to vector<1x16xf32>
    tpu.vector_store %arg9[%swap3A_57, %swap3A_58], %swap3A_61 {strides = array<i32>} : memref<8x128xf32, #tpu.memory_space<vmem>>, vector<1x16xf32>,
    %broadcast_in_dim3A_62 = arith.constant 0.000000e+00 : f32
    %broadcast_in_dim3A_63 = vector.broadcast %broadcast_in_dim3A_62 : f32 to vector<16xf32>
    %swap3A_64 = arith.constant 1 : i32
    %swap3A_65 = arith.index_cast %swap3A_64 : i32 to index
    %swap3A_66 = arith.constant 0 : index
    %swap3A_67 = tpu.vector_load %arg9[%swap3A_65, %swap3A_66] {strides = array<i32>} : memref<8x128xf32, #tpu.memory_space<vmem>>, vector<1x16xf32>,
    %swap3A_68 = vector.shape_cast %swap3A_67 : vector<1x16xf32> to vector<16xf32>
    %swap3A_69 = vector.shape_cast %broadcast_in_dim3A_63 : vector<16xf32> to vector<1x16xf32>
    tpu.vector_store %arg9[%swap3A_65, %swap3A_66], %swap3A_69 {strides = array<i32>} : memref<8x128xf32, #tpu.memory_space<vmem>>, vector<1x16xf32>,
    %broadcast_in_dim3A_70 = arith.constant 0.000000e+00 : f32
    %broadcast_in_dim3A_71 = vector.broadcast %broadcast_in_dim3A_70 : f32 to vector<16xf32>
    %swap3A_72 = arith.constant 1 : i32
    %swap3A_73 = arith.index_cast %swap3A_72 : i32 to index
    %swap3A_74 = arith.constant 16 : index
    %swap3A_75 = tpu.vector_load %arg9[%swap3A_73, %swap3A_74] {strides = array<i32>} : memref<8x128xf32, #tpu.memory_space<vmem>>, vector<1x16xf32>,
    %swap3A_76 = vector.shape_cast %swap3A_75 : vector<1x16xf32> to vector<16xf32>
    %swap3A_77 = vector.shape_cast %broadcast_in_dim3A_71 : vector<16xf32> to vector<1x16xf32>
    tpu.vector_store %arg9[%swap3A_73, %swap3A_74], %swap3A_77 {strides = array<i32>} : memref<8x128xf32, #tpu.memory_space<vmem>>, vector<1x16xf32>,
    %broadcast_in_dim3A_78 = arith.constant 0.000000e+00 : f32
    %broadcast_in_dim3A_79 = vector.broadcast %broadcast_in_dim3A_78 : f32 to vector<16xf32>
    %swap3A_80 = arith.constant 1 : i32
    %swap3A_81 = arith.index_cast %swap3A_80 : i32 to index
    %swap3A_82 = arith.constant 32 : index
    %swap3A_83 = tpu.vector_load %arg9[%swap3A_81, %swap3A_82] {strides = array<i32>} : memref<8x128xf32, #tpu.memory_space<vmem>>, vector<1x16xf32>,
    %swap3A_84 = vector.shape_cast %swap3A_83 : vector<1x16xf32> to vector<16xf32>
    %swap3A_85 = vector.shape_cast %broadcast_in_dim3A_79 : vector<16xf32> to vector<1x16xf32>
    tpu.vector_store %arg9[%swap3A_81, %swap3A_82], %swap3A_85 {strides = array<i32>} : memref<8x128xf32, #tpu.memory_space<vmem>>, vector<1x16xf32>,
    %broadcast_in_dim3A_86 = arith.constant 0.000000e+00 : f32
    %broadcast_in_dim3A_87 = vector.broadcast %broadcast_in_dim3A_86 : f32 to vector<16xf32>
    %swap3A_88 = arith.constant 1 : i32
    %swap3A_89 = arith.index_cast %swap3A_88 : i32 to index
    %swap3A_90 = arith.constant 48 : index
    %swap3A_91 = tpu.vector_load %arg9[%swap3A_89, %swap3A_90] {strides = array<i32>} : memref<8x128xf32, #tpu.memory_space<vmem>>, vector<1x16xf32>,
    %swap3A_92 = vector.shape_cast %swap3A_91 : vector<1x16xf32> to vector<16xf32>
    %swap3A_93 = vector.shape_cast %broadcast_in_dim3A_87 : vector<16xf32> to vector<1x16xf32>
    tpu.vector_store %arg9[%swap3A_89, %swap3A_90], %swap3A_93 {strides = array<i32>} : memref<8x128xf32, #tpu.memory_space<vmem>>, vector<1x16xf32>,
    %broadcast_in_dim3A_94 = arith.constant 0.000000e+00 : f32
    %broadcast_in_dim3A_95 = vector.broadcast %broadcast_in_dim3A_94 : f32 to vector<16xf32>
    %swap3A_96 = arith.constant 1 : i32
    %swap3A_97 = arith.index_cast %swap3A_96 : i32 to index
    %swap3A_98 = arith.constant 64 : index
    %swap3A_99 = tpu.vector_load %arg9[%swap3A_97, %swap3A_98] {strides = array<i32>} : memref<8x128xf32, #tpu.memory_space<vmem>>, vector<1x16xf32>,
    %swap3A_100 = vector.shape_cast %swap3A_99 : vector<1x16xf32> to vector<16xf32>
    %swap3A_101 = vector.shape_cast %broadcast_in_dim3A_95 : vector<16xf32> to vector<1x16xf32>
    tpu.vector_store %arg9[%swap3A_97, %swap3A_98], %swap3A_101 {strides = array<i32>} : memref<8x128xf32, #tpu.memory_space<vmem>>, vector<1x16xf32>,
    %broadcast_in_dim3A_102 = arith.constant 0.000000e+00 : f32
    %broadcast_in_dim3A_103 = vector.broadcast %broadcast_in_dim3A_102 : f32 to vector<16xf32>
    %swap3A_104 = arith.constant 1 : i32
    %swap3A_105 = arith.index_cast %swap3A_104 : i32 to index
    %swap3A_106 = arith.constant 80 : index
    %swap3A_107 = tpu.vector_load %arg9[%swap3A_105, %swap3A_106] {strides = array<i32>} : memref<8x128xf32, #tpu.memory_space<vmem>>, vector<1x16xf32>,
    %swap3A_108 = vector.shape_cast %swap3A_107 : vector<1x16xf32> to vector<16xf32>
    %swap3A_109 = vector.shape_cast %broadcast_in_dim3A_103 : vector<16xf32> to vector<1x16xf32>
    tpu.vector_store %arg9[%swap3A_105, %swap3A_106], %swap3A_109 {strides = array<i32>} : memref<8x128xf32, #tpu.memory_space<vmem>>, vector<1x16xf32>,
    %broadcast_in_dim3A_110 = arith.constant 0.000000e+00 : f32
    %broadcast_in_dim3A_111 = vector.broadcast %broadcast_in_dim3A_110 : f32 to vector<16xf32>
    %swap3A_112 = arith.constant 1 : i32
    %swap3A_113 = arith.index_cast %swap3A_112 : i32 to index
    %swap3A_114 = arith.constant 96 : index
    %swap3A_115 = tpu.vector_load %arg9[%swap3A_113, %swap3A_114] {strides = array<i32>} : memref<8x128xf32, #tpu.memory_space<vmem>>, vector<1x16xf32>,
    %swap3A_116 = vector.shape_cast %swap3A_115 : vector<1x16xf32> to vector<16xf32>
    %swap3A_117 = vector.shape_cast %broadcast_in_dim3A_111 : vector<16xf32> to vector<1x16xf32>
    tpu.vector_store %arg9[%swap3A_113, %swap3A_114], %swap3A_117 {strides = array<i32>} : memref<8x128xf32, #tpu.memory_space<vmem>>, vector<1x16xf32>,
    %broadcast_in_dim3A_118 = arith.constant 0.000000e+00 : f32
    %broadcast_in_dim3A_119 = vector.broadcast %broadcast_in_dim3A_118 : f32 to vector<16xf32>
    %swap3A_120 = arith.constant 1 : i32
    %swap3A_121 = arith.index_cast %swap3A_120 : i32 to index
    %swap3A_122 = arith.constant 112 : index
    %swap3A_123 = tpu.vector_load %arg9[%swap3A_121, %swap3A_122] {strides = array<i32>} : memref<8x128xf32, #tpu.memory_space<vmem>>, vector<1x16xf32>,
    %swap3A_124 = vector.shape_cast %swap3A_123 : vector<1x16xf32> to vector<16xf32>
    %swap3A_125 = vector.shape_cast %broadcast_in_dim3A_119 : vector<16xf32> to vector<1x16xf32>
    tpu.vector_store %arg9[%swap3A_121, %swap3A_122], %swap3A_125 {strides = array<i32>} : memref<8x128xf32, #tpu.memory_space<vmem>>, vector<1x16xf32>,
    %broadcast_in_dim3A_126 = arith.constant 0.000000e+00 : f32
    %broadcast_in_dim3A_127 = vector.broadcast %broadcast_in_dim3A_126 : f32 to vector<16xf32>
    %swap3A_128 = arith.constant 2 : i32
    %swap3A_129 = arith.index_cast %swap3A_128 : i32 to index
    %swap3A_130 = arith.constant 0 : index
    %swap3A_131 = tpu.vector_load %arg9[%swap3A_129, %swap3A_130] {strides = array<i32>} : memref<8x128xf32, #tpu.memory_space<vmem>>, vector<1x16xf32>,
    %swap3A_132 = vector.shape_cast %swap3A_131 : vector<1x16xf32> to vector<16xf32>
    %swap3A_133 = vector.shape_cast %broadcast_in_dim3A_127 : vector<16xf32> to vector<1x16xf32>
    tpu.vector_store %arg9[%swap3A_129, %swap3A_130], %swap3A_133 {strides = array<i32>} : memref<8x128xf32, #tpu.memory_space<vmem>>, vector<1x16xf32>,
    %broadcast_in_dim3A_134 = arith.constant 0.000000e+00 : f32
    %broadcast_in_dim3A_135 = vector.broadcast %broadcast_in_dim3A_134 : f32 to vector<16xf32>
    %swap3A_136 = arith.constant 2 : i32
    %swap3A_137 = arith.index_cast %swap3A_136 : i32 to index
    %swap3A_138 = arith.constant 16 : index
    %swap3A_139 = tpu.vector_load %arg9[%swap3A_137, %swap3A_138] {strides = array<i32>} : memref<8x128xf32, #tpu.memory_space<vmem>>, vector<1x16xf32>,
    %swap3A_140 = vector.shape_cast %swap3A_139 : vector<1x16xf32> to vector<16xf32>
    %swap3A_141 = vector.shape_cast %broadcast_in_dim3A_135 : vector<16xf32> to vector<1x16xf32>
    tpu.vector_store %arg9[%swap3A_137, %swap3A_138], %swap3A_141 {strides = array<i32>} : memref<8x128xf32, #tpu.memory_space<vmem>>, vector<1x16xf32>,
    %broadcast_in_dim3A_142 = arith.constant 0.000000e+00 : f32
    %broadcast_in_dim3A_143 = vector.broadcast %broadcast_in_dim3A_142 : f32 to vector<16xf32>
    %swap3A_144 = arith.constant 2 : i32
    %swap3A_145 = arith.index_cast %swap3A_144 : i32 to index
    %swap3A_146 = arith.constant 32 : index
    %swap3A_147 = tpu.vector_load %arg9[%swap3A_145, %swap3A_146] {strides = array<i32>} : memref<8x128xf32, #tpu.memory_space<vmem>>, vector<1x16xf32>,
    %swap3A_148 = vector.shape_cast %swap3A_147 : vector<1x16xf32> to vector<16xf32>
    %swap3A_149 = vector.shape_cast %broadcast_in_dim3A_143 : vector<16xf32> to vector<1x16xf32>
    tpu.vector_store %arg9[%swap3A_145, %swap3A_146], %swap3A_149 {strides = array<i32>} : memref<8x128xf32, #tpu.memory_space<vmem>>, vector<1x16xf32>,
    %broadcast_in_dim3A_150 = arith.constant 0.000000e+00 : f32
    %broadcast_in_dim3A_151 = vector.broadcast %broadcast_in_dim3A_150 : f32 to vector<16xf32>
    %swap3A_152 = arith.constant 2 : i32
    %swap3A_153 = arith.index_cast %swap3A_152 : i32 to index
    %swap3A_154 = arith.constant 48 : index
    %swap3A_155 = tpu.vector_load %arg9[%swap3A_153, %swap3A_154] {strides = array<i32>} : memref<8x128xf32, #tpu.memory_space<vmem>>, vector<1x16xf32>,
    %swap3A_156 = vector.shape_cast %swap3A_155 : vector<1x16xf32> to vector<16xf32>
    %swap3A_157 = vector.shape_cast %broadcast_in_dim3A_151 : vector<16xf32> to vector<1x16xf32>
    tpu.vector_store %arg9[%swap3A_153, %swap3A_154], %swap3A_157 {strides = array<i32>} : memref<8x128xf32, #tpu.memory_space<vmem>>, vector<1x16xf32>,
    %broadcast_in_dim3A_158 = arith.constant 0.000000e+00 : f32
    %broadcast_in_dim3A_159 = vector.broadcast %broadcast_in_dim3A_158 : f32 to vector<16xf32>
    %swap3A_160 = arith.constant 2 : i32
    %swap3A_161 = arith.index_cast %swap3A_160 : i32 to index
    %swap3A_162 = arith.constant 64 : index
    %swap3A_163 = tpu.vector_load %arg9[%swap3A_161, %swap3A_162] {strides = array<i32>} : memref<8x128xf32, #tpu.memory_space<vmem>>, vector<1x16xf32>,
    %swap3A_164 = vector.shape_cast %swap3A_163 : vector<1x16xf32> to vector<16xf32>
    %swap3A_165 = vector.shape_cast %broadcast_in_dim3A_159 : vector<16xf32> to vector<1x16xf32>
    tpu.vector_store %arg9[%swap3A_161, %swap3A_162], %swap3A_165 {strides = array<i32>} : memref<8x128xf32, #tpu.memory_space<vmem>>, vector<1x16xf32>,
    %broadcast_in_dim3A_166 = arith.constant 0.000000e+00 : f32
    %broadcast_in_dim3A_167 = vector.broadcast %broadcast_in_dim3A_166 : f32 to vector<16xf32>
    %swap3A_168 = arith.constant 2 : i32
    %swap3A_169 = arith.index_cast %swap3A_168 : i32 to index
    %swap3A_170 = arith.constant 80 : index
    %swap3A_171 = tpu.vector_load %arg9[%swap3A_169, %swap3A_170] {strides = array<i32>} : memref<8x128xf32, #tpu.memory_space<vmem>>, vector<1x16xf32>,
    %swap3A_172 = vector.shape_cast %swap3A_171 : vector<1x16xf32> to vector<16xf32>
    %swap3A_173 = vector.shape_cast %broadcast_in_dim3A_167 : vector<16xf32> to vector<1x16xf32>
    tpu.vector_store %arg9[%swap3A_169, %swap3A_170], %swap3A_173 {strides = array<i32>} : memref<8x128xf32, #tpu.memory_space<vmem>>, vector<1x16xf32>,
    %broadcast_in_dim3A_174 = arith.constant 0.000000e+00 : f32
    %broadcast_in_dim3A_175 = vector.broadcast %broadcast_in_dim3A_174 : f32 to vector<16xf32>
    %swap3A_176 = arith.constant 2 : i32
    %swap3A_177 = arith.index_cast %swap3A_176 : i32 to index
    %swap3A_178 = arith.constant 96 : index
    %swap3A_179 = tpu.vector_load %arg9[%swap3A_177, %swap3A_178] {strides = array<i32>} : memref<8x128xf32, #tpu.memory_space<vmem>>, vector<1x16xf32>,
    %swap3A_180 = vector.shape_cast %swap3A_179 : vector<1x16xf32> to vector<16xf32>
    %swap3A_181 = vector.shape_cast %broadcast_in_dim3A_175 : vector<16xf32> to vector<1x16xf32>
    tpu.vector_store %arg9[%swap3A_177, %swap3A_178], %swap3A_181 {strides = array<i32>} : memref<8x128xf32, #tpu.memory_space<vmem>>, vector<1x16xf32>,
    %broadcast_in_dim3A_182 = arith.constant 0.000000e+00 : f32
    %broadcast_in_dim3A_183 = vector.broadcast %broadcast_in_dim3A_182 : f32 to vector<16xf32>
    %swap3A_184 = arith.constant 2 : i32
    %swap3A_185 = arith.index_cast %swap3A_184 : i32 to index
    %swap3A_186 = arith.constant 112 : index
    %swap3A_187 = tpu.vector_load %arg9[%swap3A_185, %swap3A_186] {strides = array<i32>} : memref<8x128xf32, #tpu.memory_space<vmem>>, vector<1x16xf32>,
    %swap3A_188 = vector.shape_cast %swap3A_187 : vector<1x16xf32> to vector<16xf32>
    %swap3A_189 = vector.shape_cast %broadcast_in_dim3A_183 : vector<16xf32> to vector<1x16xf32>
    tpu.vector_store %arg9[%swap3A_185, %swap3A_186], %swap3A_189 {strides = array<i32>} : memref<8x128xf32, #tpu.memory_space<vmem>>, vector<1x16xf32>,
    %broadcast_in_dim3A_190 = arith.constant 0.000000e+00 : f32
    %broadcast_in_dim3A_191 = vector.broadcast %broadcast_in_dim3A_190 : f32 to vector<16xf32>
    %swap3A_192 = arith.constant 3 : i32
    %swap3A_193 = arith.index_cast %swap3A_192 : i32 to index
    %swap3A_194 = arith.constant 0 : index
    %swap3A_195 = tpu.vector_load %arg9[%swap3A_193, %swap3A_194] {strides = array<i32>} : memref<8x128xf32, #tpu.memory_space<vmem>>, vector<1x16xf32>,
    %swap3A_196 = vector.shape_cast %swap3A_195 : vector<1x16xf32> to vector<16xf32>
    %swap3A_197 = vector.shape_cast %broadcast_in_dim3A_191 : vector<16xf32> to vector<1x16xf32>
    tpu.vector_store %arg9[%swap3A_193, %swap3A_194], %swap3A_197 {strides = array<i32>} : memref<8x128xf32, #tpu.memory_space<vmem>>, vector<1x16xf32>,
    %broadcast_in_dim3A_198 = arith.constant 0.000000e+00 : f32
    %broadcast_in_dim3A_199 = vector.broadcast %broadcast_in_dim3A_198 : f32 to vector<16xf32>
    %swap3A_200 = arith.constant 3 : i32
    %swap3A_201 = arith.index_cast %swap3A_200 : i32 to index
    %swap3A_202 = arith.constant 16 : index
    %swap3A_203 = tpu.vector_load %arg9[%swap3A_201, %swap3A_202] {strides = array<i32>} : memref<8x128xf32, #tpu.memory_space<vmem>>, vector<1x16xf32>,
    %swap3A_204 = vector.shape_cast %swap3A_203 : vector<1x16xf32> to vector<16xf32>
    %swap3A_205 = vector.shape_cast %broadcast_in_dim3A_199 : vector<16xf32> to vector<1x16xf32>
    tpu.vector_store %arg9[%swap3A_201, %swap3A_202], %swap3A_205 {strides = array<i32>} : memref<8x128xf32, #tpu.memory_space<vmem>>, vector<1x16xf32>,
    %broadcast_in_dim3A_206 = arith.constant 0.000000e+00 : f32
    %broadcast_in_dim3A_207 = vector.broadcast %broadcast_in_dim3A_206 : f32 to vector<16xf32>
    %swap3A_208 = arith.constant 3 : i32
    %swap3A_209 = arith.index_cast %swap3A_208 : i32 to index
    %swap3A_210 = arith.constant 32 : index
    %swap3A_211 = tpu.vector_load %arg9[%swap3A_209, %swap3A_210] {strides = array<i32>} : memref<8x128xf32, #tpu.memory_space<vmem>>, vector<1x16xf32>,
    %swap3A_212 = vector.shape_cast %swap3A_211 : vector<1x16xf32> to vector<16xf32>
    %swap3A_213 = vector.shape_cast %broadcast_in_dim3A_207 : vector<16xf32> to vector<1x16xf32>
    tpu.vector_store %arg9[%swap3A_209, %swap3A_210], %swap3A_213 {strides = array<i32>} : memref<8x128xf32, #tpu.memory_space<vmem>>, vector<1x16xf32>,
    %broadcast_in_dim3A_214 = arith.constant 0.000000e+00 : f32
    %broadcast_in_dim3A_215 = vector.broadcast %broadcast_in_dim3A_214 : f32 to vector<16xf32>
    %swap3A_216 = arith.constant 3 : i32
    %swap3A_217 = arith.index_cast %swap3A_216 : i32 to index
    %swap3A_218 = arith.constant 48 : index
    %swap3A_219 = tpu.vector_load %arg9[%swap3A_217, %swap3A_218] {strides = array<i32>} : memref<8x128xf32, #tpu.memory_space<vmem>>, vector<1x16xf32>,
    %swap3A_220 = vector.shape_cast %swap3A_219 : vector<1x16xf32> to vector<16xf32>
    %swap3A_221 = vector.shape_cast %broadcast_in_dim3A_215 : vector<16xf32> to vector<1x16xf32>
    tpu.vector_store %arg9[%swap3A_217, %swap3A_218], %swap3A_221 {strides = array<i32>} : memref<8x128xf32, #tpu.memory_space<vmem>>, vector<1x16xf32>,
    %broadcast_in_dim3A_222 = arith.constant 0.000000e+00 : f32
    %broadcast_in_dim3A_223 = vector.broadcast %broadcast_in_dim3A_222 : f32 to vector<16xf32>
    %swap3A_224 = arith.constant 3 : i32
    %swap3A_225 = arith.index_cast %swap3A_224 : i32 to index
    %swap3A_226 = arith.constant 64 : index
    %swap3A_227 = tpu.vector_load %arg9[%swap3A_225, %swap3A_226] {strides = array<i32>} : memref<8x128xf32, #tpu.memory_space<vmem>>, vector<1x16xf32>,
    %swap3A_228 = vector.shape_cast %swap3A_227 : vector<1x16xf32> to vector<16xf32>
    %swap3A_229 = vector.shape_cast %broadcast_in_dim3A_223 : vector<16xf32> to vector<1x16xf32>
    tpu.vector_store %arg9[%swap3A_225, %swap3A_226], %swap3A_229 {strides = array<i32>} : memref<8x128xf32, #tpu.memory_space<vmem>>, vector<1x16xf32>,
    %broadcast_in_dim3A_230 = arith.constant 0.000000e+00 : f32
    %broadcast_in_dim3A_231 = vector.broadcast %broadcast_in_dim3A_230 : f32 to vector<16xf32>
    %swap3A_232 = arith.constant 3 : i32
    %swap3A_233 = arith.index_cast %swap3A_232 : i32 to index
    %swap3A_234 = arith.constant 80 : index
    %swap3A_235 = tpu.vector_load %arg9[%swap3A_233, %swap3A_234] {strides = array<i32>} : memref<8x128xf32, #tpu.memory_space<vmem>>, vector<1x16xf32>,
    %swap3A_236 = vector.shape_cast %swap3A_235 : vector<1x16xf32> to vector<16xf32>
    %swap3A_237 = vector.shape_cast %broadcast_in_dim3A_231 : vector<16xf32> to vector<1x16xf32>
    tpu.vector_store %arg9[%swap3A_233, %swap3A_234], %swap3A_237 {strides = array<i32>} : memref<8x128xf32, #tpu.memory_space<vmem>>, vector<1x16xf32>,
    %broadcast_in_dim3A_238 = arith.constant 0.000000e+00 : f32
    %broadcast_in_dim3A_239 = vector.broadcast %broadcast_in_dim3A_238 : f32 to vector<16xf32>
    %swap3A_240 = arith.constant 3 : i32
    %swap3A_241 = arith.index_cast %swap3A_240 : i32 to index
    %swap3A_242 = arith.constant 96 : index
    %swap3A_243 = tpu.vector_load %arg9[%swap3A_241, %swap3A_242] {strides = array<i32>} : memref<8x128xf32, #tpu.memory_space<vmem>>, vector<1x16xf32>,
    %swap3A_244 = vector.shape_cast %swap3A_243 : vector<1x16xf32> to vector<16xf32>
    %swap3A_245 = vector.shape_cast %broadcast_in_dim3A_239 : vector<16xf32> to vector<1x16xf32>
    tpu.vector_store %arg9[%swap3A_241, %swap3A_242], %swap3A_245 {strides = array<i32>} : memref<8x128xf32, #tpu.memory_space<vmem>>, vector<1x16xf32>,
    %broadcast_in_dim3A_246 = arith.constant 0.000000e+00 : f32
    %broadcast_in_dim3A_247 = vector.broadcast %broadcast_in_dim3A_246 : f32 to vector<16xf32>
    %swap3A_248 = arith.constant 3 : i32
    %swap3A_249 = arith.index_cast %swap3A_248 : i32 to index
    %swap3A_250 = arith.constant 112 : index
    %swap3A_251 = tpu.vector_load %arg9[%swap3A_249, %swap3A_250] {strides = array<i32>} : memref<8x128xf32, #tpu.memory_space<vmem>>, vector<1x16xf32>,
    %swap3A_252 = vector.shape_cast %swap3A_251 : vector<1x16xf32> to vector<16xf32>
    %swap3A_253 = vector.shape_cast %broadcast_in_dim3A_247 : vector<16xf32> to vector<1x16xf32>
    tpu.vector_store %arg9[%swap3A_249, %swap3A_250], %swap3A_253 {strides = array<i32>} : memref<8x128xf32, #tpu.memory_space<vmem>>, vector<1x16xf32>,
    %broadcast_in_dim3A_254 = arith.constant 0.000000e+00 : f32
    %broadcast_in_dim3A_255 = vector.broadcast %broadcast_in_dim3A_254 : f32 to vector<16xf32>
    %swap3A_256 = arith.constant 4 : i32
    %swap3A_257 = arith.index_cast %swap3A_256 : i32 to index
    %swap3A_258 = arith.constant 0 : index
    %swap3A_259 = tpu.vector_load %arg9[%swap3A_257, %swap3A_258] {strides = array<i32>} : memref<8x128xf32, #tpu.memory_space<vmem>>, vector<1x16xf32>,
    %swap3A_260 = vector.shape_cast %swap3A_259 : vector<1x16xf32> to vector<16xf32>
    %swap3A_261 = vector.shape_cast %broadcast_in_dim3A_255 : vector<16xf32> to vector<1x16xf32>
    tpu.vector_store %arg9[%swap3A_257, %swap3A_258], %swap3A_261 {strides = array<i32>} : memref<8x128xf32, #tpu.memory_space<vmem>>, vector<1x16xf32>,
    %broadcast_in_dim3A_262 = arith.constant 0.000000e+00 : f32
    %broadcast_in_dim3A_263 = vector.broadcast %broadcast_in_dim3A_262 : f32 to vector<16xf32>
    %swap3A_264 = arith.constant 4 : i32
    %swap3A_265 = arith.index_cast %swap3A_264 : i32 to index
    %swap3A_266 = arith.constant 16 : index
    %swap3A_267 = tpu.vector_load %arg9[%swap3A_265, %swap3A_266] {strides = array<i32>} : memref<8x128xf32, #tpu.memory_space<vmem>>, vector<1x16xf32>,
    %swap3A_268 = vector.shape_cast %swap3A_267 : vector<1x16xf32> to vector<16xf32>
    %swap3A_269 = vector.shape_cast %broadcast_in_dim3A_263 : vector<16xf32> to vector<1x16xf32>
    tpu.vector_store %arg9[%swap3A_265, %swap3A_266], %swap3A_269 {strides = array<i32>} : memref<8x128xf32, #tpu.memory_space<vmem>>, vector<1x16xf32>,
    %broadcast_in_dim3A_270 = arith.constant 0.000000e+00 : f32
    %broadcast_in_dim3A_271 = vector.broadcast %broadcast_in_dim3A_270 : f32 to vector<16xf32>
    %swap3A_272 = arith.constant 4 : i32
    %swap3A_273 = arith.index_cast %swap3A_272 : i32 to index
    %swap3A_274 = arith.constant 32 : index
    %swap3A_275 = tpu.vector_load %arg9[%swap3A_273, %swap3A_274] {strides = array<i32>} : memref<8x128xf32, #tpu.memory_space<vmem>>, vector<1x16xf32>,
    %swap3A_276 = vector.shape_cast %swap3A_275 : vector<1x16xf32> to vector<16xf32>
    %swap3A_277 = vector.shape_cast %broadcast_in_dim3A_271 : vector<16xf32> to vector<1x16xf32>
    tpu.vector_store %arg9[%swap3A_273, %swap3A_274], %swap3A_277 {strides = array<i32>} : memref<8x128xf32, #tpu.memory_space<vmem>>, vector<1x16xf32>,
    %broadcast_in_dim3A_278 = arith.constant 0.000000e+00 : f32
    %broadcast_in_dim3A_279 = vector.broadcast %broadcast_in_dim3A_278 : f32 to vector<16xf32>
    %swap3A_280 = arith.constant 4 : i32
    %swap3A_281 = arith.index_cast %swap3A_280 : i32 to index
    %swap3A_282 = arith.constant 48 : index
    %swap3A_283 = tpu.vector_load %arg9[%swap3A_281, %swap3A_282] {strides = array<i32>} : memref<8x128xf32, #tpu.memory_space<vmem>>, vector<1x16xf32>,
    %swap3A_284 = vector.shape_cast %swap3A_283 : vector<1x16xf32> to vector<16xf32>
    %swap3A_285 = vector.shape_cast %broadcast_in_dim3A_279 : vector<16xf32> to vector<1x16xf32>
    tpu.vector_store %arg9[%swap3A_281, %swap3A_282], %swap3A_285 {strides = array<i32>} : memref<8x128xf32, #tpu.memory_space<vmem>>, vector<1x16xf32>,
    %broadcast_in_dim3A_286 = arith.constant 0.000000e+00 : f32
    %broadcast_in_dim3A_287 = vector.broadcast %broadcast_in_dim3A_286 : f32 to vector<16xf32>
    %swap3A_288 = arith.constant 4 : i32
    %swap3A_289 = arith.index_cast %swap3A_288 : i32 to index
    %swap3A_290 = arith.constant 64 : index
    %swap3A_291 = tpu.vector_load %arg9[%swap3A_289, %swap3A_290] {strides = array<i32>} : memref<8x128xf32, #tpu.memory_space<vmem>>, vector<1x16xf32>,
    %swap3A_292 = vector.shape_cast %swap3A_291 : vector<1x16xf32> to vector<16xf32>
    %swap3A_293 = vector.shape_cast %broadcast_in_dim3A_287 : vector<16xf32> to vector<1x16xf32>
    tpu.vector_store %arg9[%swap3A_289, %swap3A_290], %swap3A_293 {strides = array<i32>} : memref<8x128xf32, #tpu.memory_space<vmem>>, vector<1x16xf32>,
    %broadcast_in_dim3A_294 = arith.constant 0.000000e+00 : f32
    %broadcast_in_dim3A_295 = vector.broadcast %broadcast_in_dim3A_294 : f32 to vector<16xf32>
    %swap3A_296 = arith.constant 4 : i32
    %swap3A_297 = arith.index_cast %swap3A_296 : i32 to index
    %swap3A_298 = arith.constant 80 : index
    %swap3A_299 = tpu.vector_load %arg9[%swap3A_297, %swap3A_298] {strides = array<i32>} : memref<8x128xf32, #tpu.memory_space<vmem>>, vector<1x16xf32>,
    %swap3A_300 = vector.shape_cast %swap3A_299 : vector<1x16xf32> to vector<16xf32>
    %swap3A_301 = vector.shape_cast %broadcast_in_dim3A_295 : vector<16xf32> to vector<1x16xf32>
    tpu.vector_store %arg9[%swap3A_297, %swap3A_298], %swap3A_301 {strides = array<i32>} : memref<8x128xf32, #tpu.memory_space<vmem>>, vector<1x16xf32>,
    %broadcast_in_dim3A_302 = arith.constant 0.000000e+00 : f32
    %broadcast_in_dim3A_303 = vector.broadcast %broadcast_in_dim3A_302 : f32 to vector<16xf32>
    %swap3A_304 = arith.constant 4 : i32
    %swap3A_305 = arith.index_cast %swap3A_304 : i32 to index
    %swap3A_306 = arith.constant 96 : index
    %swap3A_307 = tpu.vector_load %arg9[%swap3A_305, %swap3A_306] {strides = array<i32>} : memref<8x128xf32, #tpu.memory_space<vmem>>, vector<1x16xf32>,
    %swap3A_308 = vector.shape_cast %swap3A_307 : vector<1x16xf32> to vector<16xf32>
    %swap3A_309 = vector.shape_cast %broadcast_in_dim3A_303 : vector<16xf32> to vector<1x16xf32>
    tpu.vector_store %arg9[%swap3A_305, %swap3A_306], %swap3A_309 {strides = array<i32>} : memref<8x128xf32, #tpu.memory_space<vmem>>, vector<1x16xf32>,
    %broadcast_in_dim3A_310 = arith.constant 0.000000e+00 : f32
    %broadcast_in_dim3A_311 = vector.broadcast %broadcast_in_dim3A_310 : f32 to vector<16xf32>
    %swap3A_312 = arith.constant 4 : i32
    %swap3A_313 = arith.index_cast %swap3A_312 : i32 to index
    %swap3A_314 = arith.constant 112 : index
    %swap3A_315 = tpu.vector_load %arg9[%swap3A_313, %swap3A_314] {strides = array<i32>} : memref<8x128xf32, #tpu.memory_space<vmem>>, vector<1x16xf32>,
    %swap3A_316 = vector.shape_cast %swap3A_315 : vector<1x16xf32> to vector<16xf32>
    %swap3A_317 = vector.shape_cast %broadcast_in_dim3A_311 : vector<16xf32> to vector<1x16xf32>
    tpu.vector_store %arg9[%swap3A_313, %swap3A_314], %swap3A_317 {strides = array<i32>} : memref<8x128xf32, #tpu.memory_space<vmem>>, vector<1x16xf32>,
    %broadcast_in_dim3A_318 = arith.constant 0.000000e+00 : f32
    %broadcast_in_dim3A_319 = vector.broadcast %broadcast_in_dim3A_318 : f32 to vector<16xf32>
    %swap3A_320 = arith.constant 5 : i32
    %swap3A_321 = arith.index_cast %swap3A_320 : i32 to index
    %swap3A_322 = arith.constant 0 : index
    %swap3A_323 = tpu.vector_load %arg9[%swap3A_321, %swap3A_322] {strides = array<i32>} : memref<8x128xf32, #tpu.memory_space<vmem>>, vector<1x16xf32>,
    %swap3A_324 = vector.shape_cast %swap3A_323 : vector<1x16xf32> to vector<16xf32>
    %swap3A_325 = vector.shape_cast %broadcast_in_dim3A_319 : vector<16xf32> to vector<1x16xf32>
    tpu.vector_store %arg9[%swap3A_321, %swap3A_322], %swap3A_325 {strides = array<i32>} : memref<8x128xf32, #tpu.memory_space<vmem>>, vector<1x16xf32>,
    %broadcast_in_dim3A_326 = arith.constant 0.000000e+00 : f32
    %broadcast_in_dim3A_327 = vector.broadcast %broadcast_in_dim3A_326 : f32 to vector<16xf32>
    %swap3A_328 = arith.constant 5 : i32
    %swap3A_329 = arith.index_cast %swap3A_328 : i32 to index
    %swap3A_330 = arith.constant 16 : index
    %swap3A_331 = tpu.vector_load %arg9[%swap3A_329, %swap3A_330] {strides = array<i32>} : memref<8x128xf32, #tpu.memory_space<vmem>>, vector<1x16xf32>,
    %swap3A_332 = vector.shape_cast %swap3A_331 : vector<1x16xf32> to vector<16xf32>
    %swap3A_333 = vector.shape_cast %broadcast_in_dim3A_327 : vector<16xf32> to vector<1x16xf32>
    tpu.vector_store %arg9[%swap3A_329, %swap3A_330], %swap3A_333 {strides = array<i32>} : memref<8x128xf32, #tpu.memory_space<vmem>>, vector<1x16xf32>,
    %broadcast_in_dim3A_334 = arith.constant 0.000000e+00 : f32
    %broadcast_in_dim3A_335 = vector.broadcast %broadcast_in_dim3A_334 : f32 to vector<16xf32>
    %swap3A_336 = arith.constant 5 : i32
    %swap3A_337 = arith.index_cast %swap3A_336 : i32 to index
    %swap3A_338 = arith.constant 32 : index
    %swap3A_339 = tpu.vector_load %arg9[%swap3A_337, %swap3A_338] {strides = array<i32>} : memref<8x128xf32, #tpu.memory_space<vmem>>, vector<1x16xf32>,
    %swap3A_340 = vector.shape_cast %swap3A_339 : vector<1x16xf32> to vector<16xf32>
    %swap3A_341 = vector.shape_cast %broadcast_in_dim3A_335 : vector<16xf32> to vector<1x16xf32>
    tpu.vector_store %arg9[%swap3A_337, %swap3A_338], %swap3A_341 {strides = array<i32>} : memref<8x128xf32, #tpu.memory_space<vmem>>, vector<1x16xf32>,
    %broadcast_in_dim3A_342 = arith.constant 0.000000e+00 : f32
    %broadcast_in_dim3A_343 = vector.broadcast %broadcast_in_dim3A_342 : f32 to vector<16xf32>
    %swap3A_344 = arith.constant 5 : i32
    %swap3A_345 = arith.index_cast %swap3A_344 : i32 to index
    %swap3A_346 = arith.constant 48 : index
    %swap3A_347 = tpu.vector_load %arg9[%swap3A_345, %swap3A_346] {strides = array<i32>} : memref<8x128xf32, #tpu.memory_space<vmem>>, vector<1x16xf32>,
    %swap3A_348 = vector.shape_cast %swap3A_347 : vector<1x16xf32> to vector<16xf32>
    %swap3A_349 = vector.shape_cast %broadcast_in_dim3A_343 : vector<16xf32> to vector<1x16xf32>
    tpu.vector_store %arg9[%swap3A_345, %swap3A_346], %swap3A_349 {strides = array<i32>} : memref<8x128xf32, #tpu.memory_space<vmem>>, vector<1x16xf32>,
    %broadcast_in_dim3A_350 = arith.constant 0.000000e+00 : f32
    %broadcast_in_dim3A_351 = vector.broadcast %broadcast_in_dim3A_350 : f32 to vector<16xf32>
    %swap3A_352 = arith.constant 5 : i32
    %swap3A_353 = arith.index_cast %swap3A_352 : i32 to index
    %swap3A_354 = arith.constant 64 : index
    %swap3A_355 = tpu.vector_load %arg9[%swap3A_353, %swap3A_354] {strides = array<i32>} : memref<8x128xf32, #tpu.memory_space<vmem>>, vector<1x16xf32>,
    %swap3A_356 = vector.shape_cast %swap3A_355 : vector<1x16xf32> to vector<16xf32>
    %swap3A_357 = vector.shape_cast %broadcast_in_dim3A_351 : vector<16xf32> to vector<1x16xf32>
    tpu.vector_store %arg9[%swap3A_353, %swap3A_354], %swap3A_357 {strides = array<i32>} : memref<8x128xf32, #tpu.memory_space<vmem>>, vector<1x16xf32>,
    %broadcast_in_dim3A_358 = arith.constant 0.000000e+00 : f32
    %broadcast_in_dim3A_359 = vector.broadcast %broadcast_in_dim3A_358 : f32 to vector<16xf32>
    %swap3A_360 = arith.constant 5 : i32
    %swap3A_361 = arith.index_cast %swap3A_360 : i32 to index
    %swap3A_362 = arith.constant 80 : index
    %swap3A_363 = tpu.vector_load %arg9[%swap3A_361, %swap3A_362] {strides = array<i32>} : memref<8x128xf32, #tpu.memory_space<vmem>>, vector<1x16xf32>,
    %swap3A_364 = vector.shape_cast %swap3A_363 : vector<1x16xf32> to vector<16xf32>
    %swap3A_365 = vector.shape_cast %broadcast_in_dim3A_359 : vector<16xf32> to vector<1x16xf32>
    tpu.vector_store %arg9[%swap3A_361, %swap3A_362], %swap3A_365 {strides = array<i32>} : memref<8x128xf32, #tpu.memory_space<vmem>>, vector<1x16xf32>,
    %broadcast_in_dim3A_366 = arith.constant 0.000000e+00 : f32
    %broadcast_in_dim3A_367 = vector.broadcast %broadcast_in_dim3A_366 : f32 to vector<16xf32>
    %swap3A_368 = arith.constant 5 : i32
    %swap3A_369 = arith.index_cast %swap3A_368 : i32 to index
    %swap3A_370 = arith.constant 96 : index
    %swap3A_371 = tpu.vector_load %arg9[%swap3A_369, %swap3A_370] {strides = array<i32>} : memref<8x128xf32, #tpu.memory_space<vmem>>, vector<1x16xf32>,
    %swap3A_372 = vector.shape_cast %swap3A_371 : vector<1x16xf32> to vector<16xf32>
    %swap3A_373 = vector.shape_cast %broadcast_in_dim3A_367 : vector<16xf32> to vector<1x16xf32>
    tpu.vector_store %arg9[%swap3A_369, %swap3A_370], %swap3A_373 {strides = array<i32>} : memref<8x128xf32, #tpu.memory_space<vmem>>, vector<1x16xf32>,
    %broadcast_in_dim3A_374 = arith.constant 0.000000e+00 : f32
    %broadcast_in_dim3A_375 = vector.broadcast %broadcast_in_dim3A_374 : f32 to vector<16xf32>
    %swap3A_376 = arith.constant 5 : i32
    %swap3A_377 = arith.index_cast %swap3A_376 : i32 to index
    %swap3A_378 = arith.constant 112 : index
    %swap3A_379 = tpu.vector_load %arg9[%swap3A_377, %swap3A_378] {strides = array<i32>} : memref<8x128xf32, #tpu.memory_space<vmem>>, vector<1x16xf32>,
    %swap3A_380 = vector.shape_cast %swap3A_379 : vector<1x16xf32> to vector<16xf32>
    %swap3A_381 = vector.shape_cast %broadcast_in_dim3A_375 : vector<16xf32> to vector<1x16xf32>
    tpu.vector_store %arg9[%swap3A_377, %swap3A_378], %swap3A_381 {strides = array<i32>} : memref<8x128xf32, #tpu.memory_space<vmem>>, vector<1x16xf32>,
    %broadcast_in_dim3A_382 = arith.constant 0.000000e+00 : f32
    %broadcast_in_dim3A_383 = vector.broadcast %broadcast_in_dim3A_382 : f32 to vector<16xf32>
    %swap3A_384 = arith.constant 6 : i32
    %swap3A_385 = arith.index_cast %swap3A_384 : i32 to index
    %swap3A_386 = arith.constant 0 : index
    %swap3A_387 = tpu.vector_load %arg9[%swap3A_385, %swap3A_386] {strides = array<i32>} : memref<8x128xf32, #tpu.memory_space<vmem>>, vector<1x16xf32>,
    %swap3A_388 = vector.shape_cast %swap3A_387 : vector<1x16xf32> to vector<16xf32>
    %swap3A_389 = vector.shape_cast %broadcast_in_dim3A_383 : vector<16xf32> to vector<1x16xf32>
    tpu.vector_store %arg9[%swap3A_385, %swap3A_386], %swap3A_389 {strides = array<i32>} : memref<8x128xf32, #tpu.memory_space<vmem>>, vector<1x16xf32>,
    %broadcast_in_dim3A_390 = arith.constant 0.000000e+00 : f32
    %broadcast_in_dim3A_391 = vector.broadcast %broadcast_in_dim3A_390 : f32 to vector<16xf32>
    %swap3A_392 = arith.constant 6 : i32
    %swap3A_393 = arith.index_cast %swap3A_392 : i32 to index
    %swap3A_394 = arith.constant 16 : index
    %swap3A_395 = tpu.vector_load %arg9[%swap3A_393, %swap3A_394] {strides = array<i32>} : memref<8x128xf32, #tpu.memory_space<vmem>>, vector<1x16xf32>,
    %swap3A_396 = vector.shape_cast %swap3A_395 : vector<1x16xf32> to vector<16xf32>
    %swap3A_397 = vector.shape_cast %broadcast_in_dim3A_391 : vector<16xf32> to vector<1x16xf32>
    tpu.vector_store %arg9[%swap3A_393, %swap3A_394], %swap3A_397 {strides = array<i32>} : memref<8x128xf32, #tpu.memory_space<vmem>>, vector<1x16xf32>,
    %broadcast_in_dim3A_398 = arith.constant 0.000000e+00 : f32
    %broadcast_in_dim3A_399 = vector.broadcast %broadcast_in_dim3A_398 : f32 to vector<16xf32>
    %swap3A_400 = arith.constant 6 : i32
    %swap3A_401 = arith.index_cast %swap3A_400 : i32 to index
    %swap3A_402 = arith.constant 32 : index
    %swap3A_403 = tpu.vector_load %arg9[%swap3A_401, %swap3A_402] {strides = array<i32>} : memref<8x128xf32, #tpu.memory_space<vmem>>, vector<1x16xf32>,
    %swap3A_404 = vector.shape_cast %swap3A_403 : vector<1x16xf32> to vector<16xf32>
    %swap3A_405 = vector.shape_cast %broadcast_in_dim3A_399 : vector<16xf32> to vector<1x16xf32>
    tpu.vector_store %arg9[%swap3A_401, %swap3A_402], %swap3A_405 {strides = array<i32>} : memref<8x128xf32, #tpu.memory_space<vmem>>, vector<1x16xf32>,
    %broadcast_in_dim3A_406 = arith.constant 0.000000e+00 : f32
    %broadcast_in_dim3A_407 = vector.broadcast %broadcast_in_dim3A_406 : f32 to vector<16xf32>
    %swap3A_408 = arith.constant 6 : i32
    %swap3A_409 = arith.index_cast %swap3A_408 : i32 to index
    %swap3A_410 = arith.constant 48 : index
    %swap3A_411 = tpu.vector_load %arg9[%swap3A_409, %swap3A_410] {strides = array<i32>} : memref<8x128xf32, #tpu.memory_space<vmem>>, vector<1x16xf32>,
    %swap3A_412 = vector.shape_cast %swap3A_411 : vector<1x16xf32> to vector<16xf32>
    %swap3A_413 = vector.shape_cast %broadcast_in_dim3A_407 : vector<16xf32> to vector<1x16xf32>
    tpu.vector_store %arg9[%swap3A_409, %swap3A_410], %swap3A_413 {strides = array<i32>} : memref<8x128xf32, #tpu.memory_space<vmem>>, vector<1x16xf32>,
    %broadcast_in_dim3A_414 = arith.constant 0.000000e+00 : f32
    %broadcast_in_dim3A_415 = vector.broadcast %broadcast_in_dim3A_414 : f32 to vector<16xf32>
    %swap3A_416 = arith.constant 6 : i32
    %swap3A_417 = arith.index_cast %swap3A_416 : i32 to index
    %swap3A_418 = arith.constant 64 : index
    %swap3A_419 = tpu.vector_load %arg9[%swap3A_417, %swap3A_418] {strides = array<i32>} : memref<8x128xf32, #tpu.memory_space<vmem>>, vector<1x16xf32>,
    %swap3A_420 = vector.shape_cast %swap3A_419 : vector<1x16xf32> to vector<16xf32>
    %swap3A_421 = vector.shape_cast %broadcast_in_dim3A_415 : vector<16xf32> to vector<1x16xf32>
    tpu.vector_store %arg9[%swap3A_417, %swap3A_418], %swap3A_421 {strides = array<i32>} : memref<8x128xf32, #tpu.memory_space<vmem>>, vector<1x16xf32>,
    %broadcast_in_dim3A_422 = arith.constant 0.000000e+00 : f32
    %broadcast_in_dim3A_423 = vector.broadcast %broadcast_in_dim3A_422 : f32 to vector<16xf32>
    %swap3A_424 = arith.constant 6 : i32
    %swap3A_425 = arith.index_cast %swap3A_424 : i32 to index
    %swap3A_426 = arith.constant 80 : index
    %swap3A_427 = tpu.vector_load %arg9[%swap3A_425, %swap3A_426] {strides = array<i32>} : memref<8x128xf32, #tpu.memory_space<vmem>>, vector<1x16xf32>,
    %swap3A_428 = vector.shape_cast %swap3A_427 : vector<1x16xf32> to vector<16xf32>
    %swap3A_429 = vector.shape_cast %broadcast_in_dim3A_423 : vector<16xf32> to vector<1x16xf32>
    tpu.vector_store %arg9[%swap3A_425, %swap3A_426], %swap3A_429 {strides = array<i32>} : memref<8x128xf32, #tpu.memory_space<vmem>>, vector<1x16xf32>,
    %broadcast_in_dim3A_430 = arith.constant 0.000000e+00 : f32
    %broadcast_in_dim3A_431 = vector.broadcast %broadcast_in_dim3A_430 : f32 to vector<16xf32>
    %swap3A_432 = arith.constant 6 : i32
    %swap3A_433 = arith.index_cast %swap3A_432 : i32 to index
    %swap3A_434 = arith.constant 96 : index
    %swap3A_435 = tpu.vector_load %arg9[%swap3A_433, %swap3A_434] {strides = array<i32>} : memref<8x128xf32, #tpu.memory_space<vmem>>, vector<1x16xf32>,
    %swap3A_436 = vector.shape_cast %swap3A_435 : vector<1x16xf32> to vector<16xf32>
    %swap3A_437 = vector.shape_cast %broadcast_in_dim3A_431 : vector<16xf32> to vector<1x16xf32>
    tpu.vector_store %arg9[%swap3A_433, %swap3A_434], %swap3A_437 {strides = array<i32>} : memref<8x128xf32, #tpu.memory_space<vmem>>, vector<1x16xf32>,
    %broadcast_in_dim3A_438 = arith.constant 0.000000e+00 : f32
    %broadcast_in_dim3A_439 = vector.broadcast %broadcast_in_dim3A_438 : f32 to vector<16xf32>
    %swap3A_440 = arith.constant 6 : i32
    %swap3A_441 = arith.index_cast %swap3A_440 : i32 to index
    %swap3A_442 = arith.constant 112 : index
    %swap3A_443 = tpu.vector_load %arg9[%swap3A_441, %swap3A_442] {strides = array<i32>} : memref<8x128xf32, #tpu.memory_space<vmem>>, vector<1x16xf32>,
    %swap3A_444 = vector.shape_cast %swap3A_443 : vector<1x16xf32> to vector<16xf32>
    %swap3A_445 = vector.shape_cast %broadcast_in_dim3A_439 : vector<16xf32> to vector<1x16xf32>
    tpu.vector_store %arg9[%swap3A_441, %swap3A_442], %swap3A_445 {strides = array<i32>} : memref<8x128xf32, #tpu.memory_space<vmem>>, vector<1x16xf32>,
    %broadcast_in_dim3A_446 = arith.constant 0.000000e+00 : f32
    %broadcast_in_dim3A_447 = vector.broadcast %broadcast_in_dim3A_446 : f32 to vector<16xf32>
    %swap3A_448 = arith.constant 7 : i32
    %swap3A_449 = arith.index_cast %swap3A_448 : i32 to index
    %swap3A_450 = arith.constant 0 : index
    %swap3A_451 = tpu.vector_load %arg9[%swap3A_449, %swap3A_450] {strides = array<i32>} : memref<8x128xf32, #tpu.memory_space<vmem>>, vector<1x16xf32>,
    %swap3A_452 = vector.shape_cast %swap3A_451 : vector<1x16xf32> to vector<16xf32>
    %swap3A_453 = vector.shape_cast %broadcast_in_dim3A_447 : vector<16xf32> to vector<1x16xf32>
    tpu.vector_store %arg9[%swap3A_449, %swap3A_450], %swap3A_453 {strides = array<i32>} : memref<8x128xf32, #tpu.memory_space<vmem>>, vector<1x16xf32>,
    %broadcast_in_dim3A_454 = arith.constant 0.000000e+00 : f32
    %broadcast_in_dim3A_455 = vector.broadcast %broadcast_in_dim3A_454 : f32 to vector<16xf32>
    %swap3A_456 = arith.constant 7 : i32
    %swap3A_457 = arith.index_cast %swap3A_456 : i32 to index
    %swap3A_458 = arith.constant 16 : index
    %swap3A_459 = tpu.vector_load %arg9[%swap3A_457, %swap3A_458] {strides = array<i32>} : memref<8x128xf32, #tpu.memory_space<vmem>>, vector<1x16xf32>,
    %swap3A_460 = vector.shape_cast %swap3A_459 : vector<1x16xf32> to vector<16xf32>
    %swap3A_461 = vector.shape_cast %broadcast_in_dim3A_455 : vector<16xf32> to vector<1x16xf32>
    tpu.vector_store %arg9[%swap3A_457, %swap3A_458], %swap3A_461 {strides = array<i32>} : memref<8x128xf32, #tpu.memory_space<vmem>>, vector<1x16xf32>,
    %broadcast_in_dim3A_462 = arith.constant 0.000000e+00 : f32
    %broadcast_in_dim3A_463 = vector.broadcast %broadcast_in_dim3A_462 : f32 to vector<16xf32>
    %swap3A_464 = arith.constant 7 : i32
    %swap3A_465 = arith.index_cast %swap3A_464 : i32 to index
    %swap3A_466 = arith.constant 32 : index
    %swap3A_467 = tpu.vector_load %arg9[%swap3A_465, %swap3A_466] {strides = array<i32>} : memref<8x128xf32, #tpu.memory_space<vmem>>, vector<1x16xf32>,
    %swap3A_468 = vector.shape_cast %swap3A_467 : vector<1x16xf32> to vector<16xf32>
    %swap3A_469 = vector.shape_cast %broadcast_in_dim3A_463 : vector<16xf32> to vector<1x16xf32>
    tpu.vector_store %arg9[%swap3A_465, %swap3A_466], %swap3A_469 {strides = array<i32>} : memref<8x128xf32, #tpu.memory_space<vmem>>, vector<1x16xf32>,
    %broadcast_in_dim3A_470 = arith.constant 0.000000e+00 : f32
    %broadcast_in_dim3A_471 = vector.broadcast %broadcast_in_dim3A_470 : f32 to vector<16xf32>
    %swap3A_472 = arith.constant 7 : i32
    %swap3A_473 = arith.index_cast %swap3A_472 : i32 to index
    %swap3A_474 = arith.constant 48 : index
    %swap3A_475 = tpu.vector_load %arg9[%swap3A_473, %swap3A_474] {strides = array<i32>} : memref<8x128xf32, #tpu.memory_space<vmem>>, vector<1x16xf32>,
    %swap3A_476 = vector.shape_cast %swap3A_475 : vector<1x16xf32> to vector<16xf32>
    %swap3A_477 = vector.shape_cast %broadcast_in_dim3A_471 : vector<16xf32> to vector<1x16xf32>
    tpu.vector_store %arg9[%swap3A_473, %swap3A_474], %swap3A_477 {strides = array<i32>} : memref<8x128xf32, #tpu.memory_space<vmem>>, vector<1x16xf32>,
    %broadcast_in_dim3A_478 = arith.constant 0.000000e+00 : f32
    %broadcast_in_dim3A_479 = vector.broadcast %broadcast_in_dim3A_478 : f32 to vector<16xf32>
    %swap3A_480 = arith.constant 7 : i32
    %swap3A_481 = arith.index_cast %swap3A_480 : i32 to index
    %swap3A_482 = arith.constant 64 : index
    %swap3A_483 = tpu.vector_load %arg9[%swap3A_481, %swap3A_482] {strides = array<i32>} : memref<8x128xf32, #tpu.memory_space<vmem>>, vector<1x16xf32>,
    %swap3A_484 = vector.shape_cast %swap3A_483 : vector<1x16xf32> to vector<16xf32>
    %swap3A_485 = vector.shape_cast %broadcast_in_dim3A_479 : vector<16xf32> to vector<1x16xf32>
    tpu.vector_store %arg9[%swap3A_481, %swap3A_482], %swap3A_485 {strides = array<i32>} : memref<8x128xf32, #tpu.memory_space<vmem>>, vector<1x16xf32>,
    %broadcast_in_dim3A_486 = arith.constant 0.000000e+00 : f32
    %broadcast_in_dim3A_487 = vector.broadcast %broadcast_in_dim3A_486 : f32 to vector<16xf32>
    %swap3A_488 = arith.constant 7 : i32
    %swap3A_489 = arith.index_cast %swap3A_488 : i32 to index
    %swap3A_490 = arith.constant 80 : index
    %swap3A_491 = tpu.vector_load %arg9[%swap3A_489, %swap3A_490] {strides = array<i32>} : memref<8x128xf32, #tpu.memory_space<vmem>>, vector<1x16xf32>,
    %swap3A_492 = vector.shape_cast %swap3A_491 : vector<1x16xf32> to vector<16xf32>
    %swap3A_493 = vector.shape_cast %broadcast_in_dim3A_487 : vector<16xf32> to vector<1x16xf32>
    tpu.vector_store %arg9[%swap3A_489, %swap3A_490], %swap3A_493 {strides = array<i32>} : memref<8x128xf32, #tpu.memory_space<vmem>>, vector<1x16xf32>,
    %broadcast_in_dim3A_494 = arith.constant 0.000000e+00 : f32
    %broadcast_in_dim3A_495 = vector.broadcast %broadcast_in_dim3A_494 : f32 to vector<16xf32>
    %swap3A_496 = arith.constant 7 : i32
    %swap3A_497 = arith.index_cast %swap3A_496 : i32 to index
    %swap3A_498 = arith.constant 96 : index
    %swap3A_499 = tpu.vector_load %arg9[%swap3A_497, %swap3A_498] {strides = array<i32>} : memref<8x128xf32, #tpu.memory_space<vmem>>, vector<1x16xf32>,
    %swap3A_500 = vector.shape_cast %swap3A_499 : vector<1x16xf32> to vector<16xf32>
    %swap3A_501 = vector.shape_cast %broadcast_in_dim3A_495 : vector<16xf32> to vector<1x16xf32>
    tpu.vector_store %arg9[%swap3A_497, %swap3A_498], %swap3A_501 {strides = array<i32>} : memref<8x128xf32, #tpu.memory_space<vmem>>, vector<1x16xf32>,
    %broadcast_in_dim3A_502 = arith.constant 0.000000e+00 : f32
    %broadcast_in_dim3A_503 = vector.broadcast %broadcast_in_dim3A_502 : f32 to vector<16xf32>
    %swap3A_504 = arith.constant 7 : i32
    %swap3A_505 = arith.index_cast %swap3A_504 : i32 to index
    %swap3A_506 = arith.constant 112 : index
    %swap3A_507 = tpu.vector_load %arg9[%swap3A_505, %swap3A_506] {strides = array<i32>} : memref<8x128xf32, #tpu.memory_space<vmem>>, vector<1x16xf32>,
    %swap3A_508 = vector.shape_cast %swap3A_507 : vector<1x16xf32> to vector<16xf32>
    %swap3A_509 = vector.shape_cast %broadcast_in_dim3A_503 : vector<16xf32> to vector<1x16xf32>
    tpu.vector_store %arg9[%swap3A_505, %swap3A_506], %swap3A_509 {strides = array<i32>} : memref<8x128xf32, #tpu.memory_space<vmem>>, vector<1x16xf32>,
    %scan3A = arith.constant 0 : i32
    %scan3A_510 = arith.constant 0 : i32
    %scan3A_511 = arith.constant 79 : i32
    %scan3A_512 = arith.addi %scan3A_510, %scan3A_511 : i32
    %scan3A_513 = arith.constant 1 : i32
    scf.for %scan3A_529 = %scan3A_510 to %scan3A_512 step %scan3A_513  : i32 {
      %mul3A_530 = arith.constant 632 : i32
      %mul3A_531 = arith.muli %arg1, %mul3A_530 : i32
      %mul3A_532 = arith.constant 8 : i32
      %mul3A_533 = arith.muli %scan3A_529, %mul3A_532 : i32
      %add3A_534 = arith.addi %mul3A_531, %mul3A_533 : i32
      "tpu.region"() ({
        %run_scoped3A = tpu.sem_alloc : memref<!tpu.dma_semaphore, #tpu.memory_space<semaphore_mem>>
        %dma_start3A = arith.constant 0 : i32
        %dma_start3A_535 = tpu.memref_slice %arg10[%add3A_534, %dma_start3A] : memref<10112x128xf32, #tpu.memory_space<vmem_shared>> -> memref<8x128xf32, #tpu.memory_space<vmem_shared>>
        %dma_start3A_536 = arith.constant 0 : i32
        %dma_start3A_537 = tpu.memref_slice %arg10[%add3A_534, %dma_start3A_536] : memref<10112x128xf32, #tpu.memory_space<vmem_shared>> -> memref<8x128xf32, #tpu.memory_space<vmem_shared>>
        tpu.enqueue_dma source(%arg9 : memref<8x128xf32, #tpu.memory_space<vmem>>) target(%dma_start3A_537 : memref<8x128xf32, #tpu.memory_space<vmem_shared>>) target_semaphore(%run_scoped3A : memref<!tpu.dma_semaphore, #tpu.memory_space<semaphore_mem>>)
        %dma_wait3A = arith.constant 0 : i32
        %dma_wait3A_538 = tpu.memref_slice %arg10[%add3A_534, %dma_wait3A] : memref<10112x128xf32, #tpu.memory_space<vmem_shared>> -> memref<8x128xf32, #tpu.memory_space<vmem_shared>>
        %dma_wait3A_539 = arith.constant 0 : i32
        %dma_wait3A_540 = tpu.memref_slice %arg10[%add3A_534, %dma_wait3A_539] : memref<10112x128xf32, #tpu.memory_space<vmem_shared>> -> memref<8x128xf32, #tpu.memory_space<vmem_shared>>
        tpu.wait_dma2 semaphore(%run_scoped3A : memref<!tpu.dma_semaphore, #tpu.memory_space<semaphore_mem>>) src(%arg9 : memref<8x128xf32, #tpu.memory_space<vmem>>) dst(%dma_wait3A_540 : memref<8x128xf32, #tpu.memory_space<vmem_shared>>)
        tpu.yield
      }) : () -> ()
    }
    %scan3A_514 = arith.constant 79 : i32
    %barrier3A = arith.constant 0 : index
    tpu.barrier barrier_id(%barrier3A)
    %mul3A = arith.constant 16 : i32
    %mul3A_515 = arith.muli %arg0, %mul3A : i32
    %add3A = arith.addi %mul3A_515, %arg1 : i32
    %mul3A_516 = arith.constant 10000 : i32
    %mul3A_517 = arith.muli %add3A, %mul3A_516 : i32
    %scan3A_518 = arith.constant 0 : i32
    %scan3A_519 = arith.constant 0 : i32
    %scan3A_520 = arith.constant 125 : i32
    %scan3A_521 = arith.addi %scan3A_519, %scan3A_520 : i32
    %scan3A_522 = arith.constant 1 : i32
    scf.for %scan3A_529 = %scan3A_519 to %scan3A_521 step %scan3A_522  : i32 {
      %mul3A_530 = arith.constant 80 : i32
      %mul3A_531 = arith.muli %scan3A_529, %mul3A_530 : i32
      %add3A_532 = arith.addi %mul3A_517, %mul3A_531 : i32
      "tpu.region"() ({
        %run_scoped3A = tpu.sem_alloc : memref<!tpu.dma_semaphore, #tpu.memory_space<semaphore_mem>>
        %dma_start3A_537 = tpu.memref_slice %arg3[%add3A_532] : memref<320000xi32, #tpu.memory_space<hbm>> -> memref<80xi32, #tpu.memory_space<hbm>>
        %dma_start3A_538 = tpu.memref_slice %arg3[%add3A_532] : memref<320000xi32, #tpu.memory_space<hbm>> -> memref<80xi32, #tpu.memory_space<hbm>>
        tpu.enqueue_dma source(%dma_start3A_538 : memref<80xi32, #tpu.memory_space<hbm>>) target(%arg6 : memref<80xi32, #tpu.memory_space<vmem>>) target_semaphore(%run_scoped3A : memref<!tpu.dma_semaphore, #tpu.memory_space<semaphore_mem>>)
        %dma_wait3A_539 = tpu.memref_slice %arg3[%add3A_532] : memref<320000xi32, #tpu.memory_space<hbm>> -> memref<80xi32, #tpu.memory_space<hbm>>
        %dma_wait3A_540 = tpu.memref_slice %arg3[%add3A_532] : memref<320000xi32, #tpu.memory_space<hbm>> -> memref<80xi32, #tpu.memory_space<hbm>>
        tpu.wait_dma2 semaphore(%run_scoped3A : memref<!tpu.dma_semaphore, #tpu.memory_space<semaphore_mem>>) src(%dma_wait3A_540 : memref<80xi32, #tpu.memory_space<hbm>>) dst(%arg6 : memref<80xi32, #tpu.memory_space<vmem>>)
        tpu.yield
      }) : () -> ()
      "tpu.region"() ({
        %run_scoped3A = tpu.sem_alloc : memref<!tpu.dma_semaphore, #tpu.memory_space<semaphore_mem>>
        %dma_start3A_537 = tpu.memref_slice %arg4[%add3A_532] : memref<320000xi32, #tpu.memory_space<hbm>> -> memref<80xi32, #tpu.memory_space<hbm>>
        %dma_start3A_538 = tpu.memref_slice %arg4[%add3A_532] : memref<320000xi32, #tpu.memory_space<hbm>> -> memref<80xi32, #tpu.memory_space<hbm>>
        tpu.enqueue_dma source(%dma_start3A_538 : memref<80xi32, #tpu.memory_space<hbm>>) target(%arg7 : memref<80xi32, #tpu.memory_space<vmem>>) target_semaphore(%run_scoped3A : memref<!tpu.dma_semaphore, #tpu.memory_space<semaphore_mem>>)
        %dma_wait3A_539 = tpu.memref_slice %arg4[%add3A_532] : memref<320000xi32, #tpu.memory_space<hbm>> -> memref<80xi32, #tpu.memory_space<hbm>>
        %dma_wait3A_540 = tpu.memref_slice %arg4[%add3A_532] : memref<320000xi32, #tpu.memory_space<hbm>> -> memref<80xi32, #tpu.memory_space<hbm>>
        tpu.wait_dma2 semaphore(%run_scoped3A : memref<!tpu.dma_semaphore, #tpu.memory_space<semaphore_mem>>) src(%dma_wait3A_540 : memref<80xi32, #tpu.memory_space<hbm>>) dst(%arg7 : memref<80xi32, #tpu.memory_space<vmem>>)
        tpu.yield
      }) : () -> ()
      %dma_start3A = arith.constant 0 : i32
      %dma_start3A_533 = arith.constant 0 : i32
      %dma_start3A_534 = tpu.memref_slice %arg2[%dma_start3A, %dma_start3A_533] : memref<10000x128xf32, #tpu.memory_space<hbm>> -> memref<10000x128xf32, #tpu.memory_space<hbm>>
      tpu.enqueue_indirect_dma source(%dma_start3A_534 : memref<10000x128xf32, #tpu.memory_space<hbm>>) target(%arg8 : memref<80x128xf32, #tpu.memory_space<vmem>>) offsets(%arg6 : memref<80xi32, #tpu.memory_space<vmem>>) semaphore(%arg11 : memref<!tpu.dma_semaphore, #tpu.memory_space<semaphore_mem>>)
      %dma_wait3A = arith.constant 0 : i32
      %dma_wait3A_535 = arith.constant 0 : i32
      %dma_wait3A_536 = tpu.memref_slice %arg2[%dma_wait3A, %dma_wait3A_535] : memref<10000x128xf32, #tpu.memory_space<hbm>> -> memref<10000x128xf32, #tpu.memory_space<hbm>>
      tpu.wait_indirect_dma semaphore(%arg11 : memref<!tpu.dma_semaphore, #tpu.memory_space<semaphore_mem>>) src(%dma_wait3A_536 : memref<10000x128xf32, #tpu.memory_space<hbm>>) dst(%arg8 : memref<80x128xf32, #tpu.memory_space<vmem>>)
      "tpu.region"() ({
        %run_scoped3A = tpu.sem_alloc : memref<!tpu.dma_semaphore, #tpu.memory_space<semaphore_mem>>
        %dma_start3A_537 = arith.constant 0 : i32
        %dma_start3A_538 = arith.constant 0 : i32
        %dma_start3A_539 = tpu.memref_slice %arg10[%dma_start3A_537, %dma_start3A_538] : memref<10112x128xf32, #tpu.memory_space<vmem_shared>> -> memref<10112x128xf32, #tpu.memory_space<vmem_shared>>
        tpu.enqueue_indirect_dma source(%arg8 : memref<80x128xf32, #tpu.memory_space<vmem>>) target(%dma_start3A_539 : memref<10112x128xf32, #tpu.memory_space<vmem_shared>>) offsets(%arg7 : memref<80xi32, #tpu.memory_space<vmem>>) semaphore(%run_scoped3A : memref<!tpu.dma_semaphore, #tpu.memory_space<semaphore_mem>>) {add = true}
        %dma_wait3A_540 = arith.constant 0 : i32
        %dma_wait3A_541 = arith.constant 0 : i32
        %dma_wait3A_542 = tpu.memref_slice %arg10[%dma_wait3A_540, %dma_wait3A_541] : memref<10112x128xf32, #tpu.memory_space<vmem_shared>> -> memref<10112x128xf32, #tpu.memory_space<vmem_shared>>
        tpu.wait_indirect_dma semaphore(%run_scoped3A : memref<!tpu.dma_semaphore, #tpu.memory_space<semaphore_mem>>) src(%arg8 : memref<80x128xf32, #tpu.memory_space<vmem>>) dst(%dma_wait3A_542 : memref<10112x128xf32, #tpu.memory_space<vmem_shared>>)
        tpu.yield
      }) : () -> ()
    }
    %scan3A_523 = arith.constant 125 : i32
    %barrier3A_524 = arith.constant 0 : index
    tpu.barrier barrier_id(%barrier3A_524)
    %mul3A_525 = arith.constant 632 : i32
    %mul3A_526 = arith.muli %arg1, %mul3A_525 : i32
    %mul3A_527 = arith.constant 632 : i32
    %mul3A_528 = arith.muli %arg1, %mul3A_527 : i32
    "tpu.region"() ({
      %run_scoped3A = tpu.sem_alloc : memref<!tpu.dma_semaphore, #tpu.memory_space<semaphore_mem>>
      %dma_start3A = arith.constant 0 : i32
      %dma_start3A_529 = tpu.memref_slice %arg5[%arg0, %mul3A_528, %dma_start3A] : memref<2x10112x128xf32, #tpu.memory_space<hbm>> -> memref<1x632x128xf32, #tpu.memory_space<hbm>>
      %dma_start3A_530 = tpu.memref_squeeze %dma_start3A_529 : memref<1x632x128xf32, #tpu.memory_space<hbm>> -> memref<632x128xf32, #tpu.memory_space<hbm>>
      %dma_start3A_531 = arith.constant 0 : i32
      %dma_start3A_532 = tpu.memref_slice %arg10[%mul3A_526, %dma_start3A_531] : memref<10112x128xf32, #tpu.memory_space<vmem_shared>> -> memref<632x128xf32, #tpu.memory_space<vmem_shared>>
      tpu.enqueue_dma source(%dma_start3A_532 : memref<632x128xf32, #tpu.memory_space<vmem_shared>>) target(%dma_start3A_530 : memref<632x128xf32, #tpu.memory_space<hbm>>) target_semaphore(%run_scoped3A : memref<!tpu.dma_semaphore, #tpu.memory_space<semaphore_mem>>)
      %dma_wait3A = arith.constant 0 : i32
      %dma_wait3A_533 = tpu.memref_slice %arg5[%arg0, %mul3A_528, %dma_wait3A] : memref<2x10112x128xf32, #tpu.memory_space<hbm>> -> memref<1x632x128xf32, #tpu.memory_space<hbm>>
      %dma_wait3A_534 = tpu.memref_squeeze %dma_wait3A_533 : memref<1x632x128xf32, #tpu.memory_space<hbm>> -> memref<632x128xf32, #tpu.memory_space<hbm>>
      %dma_wait3A_535 = arith.constant 0 : i32
      %dma_wait3A_536 = tpu.memref_slice %arg10[%mul3A_526, %dma_wait3A_535] : memref<10112x128xf32, #tpu.memory_space<vmem_shared>> -> memref<632x128xf32, #tpu.memory_space<vmem_shared>>
      tpu.wait_dma2 semaphore(%run_scoped3A : memref<!tpu.dma_semaphore, #tpu.memory_space<semaphore_mem>>) src(%dma_wait3A_536 : memref<632x128xf32, #tpu.memory_space<vmem_shared>>) dst(%dma_wait3A_534 : memref<632x128xf32, #tpu.memory_space<hbm>>)
      tpu.yield
    }) : () -> ()
    return
  }
}

#map = affine_map<(d0, d1) -> (0, 0)>
#map1 = affine_map<(d0, d1) -> (0)>
#map2 = affine_map<(d0, d1) -> (0, 0, 0)>
module attributes {stable_mosaic.version = 14 : i64} {
  func.func @agg_kernel(%arg0: i32, %arg1: i32, %arg2: memref<10000x128xf32, #tpu.memory_space<hbm>>, %arg3: memref<320000xi32, #tpu.memory_space<hbm>>, %arg4: memref<320000xi32, #tpu.memory_space<hbm>>, %arg5: memref<2x10112x128xf32, #tpu.memory_space<hbm>>, %arg6: memref<80xi32, #tpu.memory_space<vmem>>, %arg7: memref<80xi32, #tpu.memory_space<vmem>>, %arg8: memref<80x128xf32, #tpu.memory_space<vmem>>, %arg9: memref<8x128xf32, #tpu.memory_space<vmem>>, %arg10: memref<10112x128xf32, #tpu.memory_space<vmem_shared>>, %arg11: memref<!tpu.dma_semaphore, #tpu.memory_space<semaphore_mem>>) attributes {dimension_semantics = [#tpu.dimension_semantics<core_parallel>, #tpu.dimension_semantics<subcore_parallel>], iteration_bounds = array<i64: 2, 16>, scalar_prefetch = 0 : i64, scratch_operands = 6 : i64, tpu.core_type = #tpu.core_type<sc_vector_subcore>, window_params = [{transform_indices = #map}, {transform_indices = #map1}, {transform_indices = #map1}, {transform_indices = #map2}]} {
    %broadcast_in_dim3A = arith.constant 0.000000e+00 : f32
    %broadcast_in_dim3A_0 = vector.broadcast %broadcast_in_dim3A : f32 to vector<16xf32>
    %swap3A = arith.constant 0 : i32
    %swap3A_1 = arith.index_cast %swap3A : i32 to index
    %swap3A_2 = arith.constant 0 : index
    %swap3A_3 = tpu.vector_load %arg9[%swap3A_1, %swap3A_2] {strides = array<i32>} : memref<8x128xf32, #tpu.memory_space<vmem>>, vector<1x16xf32>,
    %swap3A_4 = vector.shape_cast %swap3A_3 : vector<1x16xf32> to vector<16xf32>
    %swap3A_5 = vector.shape_cast %broadcast_in_dim3A_0 : vector<16xf32> to vector<1x16xf32>
    tpu.vector_store %arg9[%swap3A_1, %swap3A_2], %swap3A_5 {strides = array<i32>} : memref<8x128xf32, #tpu.memory_space<vmem>>, vector<1x16xf32>,
    %broadcast_in_dim3A_6 = arith.constant 0.000000e+00 : f32
    %broadcast_in_dim3A_7 = vector.broadcast %broadcast_in_dim3A_6 : f32 to vector<16xf32>
    %swap3A_8 = arith.constant 0 : i32
    %swap3A_9 = arith.index_cast %swap3A_8 : i32 to index
    %swap3A_10 = arith.constant 16 : index
    %swap3A_11 = tpu.vector_load %arg9[%swap3A_9, %swap3A_10] {strides = array<i32>} : memref<8x128xf32, #tpu.memory_space<vmem>>, vector<1x16xf32>,
    %swap3A_12 = vector.shape_cast %swap3A_11 : vector<1x16xf32> to vector<16xf32>
    %swap3A_13 = vector.shape_cast %broadcast_in_dim3A_7 : vector<16xf32> to vector<1x16xf32>
    tpu.vector_store %arg9[%swap3A_9, %swap3A_10], %swap3A_13 {strides = array<i32>} : memref<8x128xf32, #tpu.memory_space<vmem>>, vector<1x16xf32>,
    %broadcast_in_dim3A_14 = arith.constant 0.000000e+00 : f32
    %broadcast_in_dim3A_15 = vector.broadcast %broadcast_in_dim3A_14 : f32 to vector<16xf32>
    %swap3A_16 = arith.constant 0 : i32
    %swap3A_17 = arith.index_cast %swap3A_16 : i32 to index
    %swap3A_18 = arith.constant 32 : index
    %swap3A_19 = tpu.vector_load %arg9[%swap3A_17, %swap3A_18] {strides = array<i32>} : memref<8x128xf32, #tpu.memory_space<vmem>>, vector<1x16xf32>,
    %swap3A_20 = vector.shape_cast %swap3A_19 : vector<1x16xf32> to vector<16xf32>
    %swap3A_21 = vector.shape_cast %broadcast_in_dim3A_15 : vector<16xf32> to vector<1x16xf32>
    tpu.vector_store %arg9[%swap3A_17, %swap3A_18], %swap3A_21 {strides = array<i32>} : memref<8x128xf32, #tpu.memory_space<vmem>>, vector<1x16xf32>,
    %broadcast_in_dim3A_22 = arith.constant 0.000000e+00 : f32
    %broadcast_in_dim3A_23 = vector.broadcast %broadcast_in_dim3A_22 : f32 to vector<16xf32>
    %swap3A_24 = arith.constant 0 : i32
    %swap3A_25 = arith.index_cast %swap3A_24 : i32 to index
    %swap3A_26 = arith.constant 48 : index
    %swap3A_27 = tpu.vector_load %arg9[%swap3A_25, %swap3A_26] {strides = array<i32>} : memref<8x128xf32, #tpu.memory_space<vmem>>, vector<1x16xf32>,
    %swap3A_28 = vector.shape_cast %swap3A_27 : vector<1x16xf32> to vector<16xf32>
    %swap3A_29 = vector.shape_cast %broadcast_in_dim3A_23 : vector<16xf32> to vector<1x16xf32>
    tpu.vector_store %arg9[%swap3A_25, %swap3A_26], %swap3A_29 {strides = array<i32>} : memref<8x128xf32, #tpu.memory_space<vmem>>, vector<1x16xf32>,
    %broadcast_in_dim3A_30 = arith.constant 0.000000e+00 : f32
    %broadcast_in_dim3A_31 = vector.broadcast %broadcast_in_dim3A_30 : f32 to vector<16xf32>
    %swap3A_32 = arith.constant 0 : i32
    %swap3A_33 = arith.index_cast %swap3A_32 : i32 to index
    %swap3A_34 = arith.constant 64 : index
    %swap3A_35 = tpu.vector_load %arg9[%swap3A_33, %swap3A_34] {strides = array<i32>} : memref<8x128xf32, #tpu.memory_space<vmem>>, vector<1x16xf32>,
    %swap3A_36 = vector.shape_cast %swap3A_35 : vector<1x16xf32> to vector<16xf32>
    %swap3A_37 = vector.shape_cast %broadcast_in_dim3A_31 : vector<16xf32> to vector<1x16xf32>
    tpu.vector_store %arg9[%swap3A_33, %swap3A_34], %swap3A_37 {strides = array<i32>} : memref<8x128xf32, #tpu.memory_space<vmem>>, vector<1x16xf32>,
    %broadcast_in_dim3A_38 = arith.constant 0.000000e+00 : f32
    %broadcast_in_dim3A_39 = vector.broadcast %broadcast_in_dim3A_38 : f32 to vector<16xf32>
    %swap3A_40 = arith.constant 0 : i32
    %swap3A_41 = arith.index_cast %swap3A_40 : i32 to index
    %swap3A_42 = arith.constant 80 : index
    %swap3A_43 = tpu.vector_load %arg9[%swap3A_41, %swap3A_42] {strides = array<i32>} : memref<8x128xf32, #tpu.memory_space<vmem>>, vector<1x16xf32>,
    %swap3A_44 = vector.shape_cast %swap3A_43 : vector<1x16xf32> to vector<16xf32>
    %swap3A_45 = vector.shape_cast %broadcast_in_dim3A_39 : vector<16xf32> to vector<1x16xf32>
    tpu.vector_store %arg9[%swap3A_41, %swap3A_42], %swap3A_45 {strides = array<i32>} : memref<8x128xf32, #tpu.memory_space<vmem>>, vector<1x16xf32>,
    %broadcast_in_dim3A_46 = arith.constant 0.000000e+00 : f32
    %broadcast_in_dim3A_47 = vector.broadcast %broadcast_in_dim3A_46 : f32 to vector<16xf32>
    %swap3A_48 = arith.constant 0 : i32
    %swap3A_49 = arith.index_cast %swap3A_48 : i32 to index
    %swap3A_50 = arith.constant 96 : index
    %swap3A_51 = tpu.vector_load %arg9[%swap3A_49, %swap3A_50] {strides = array<i32>} : memref<8x128xf32, #tpu.memory_space<vmem>>, vector<1x16xf32>,
    %swap3A_52 = vector.shape_cast %swap3A_51 : vector<1x16xf32> to vector<16xf32>
    %swap3A_53 = vector.shape_cast %broadcast_in_dim3A_47 : vector<16xf32> to vector<1x16xf32>
    tpu.vector_store %arg9[%swap3A_49, %swap3A_50], %swap3A_53 {strides = array<i32>} : memref<8x128xf32, #tpu.memory_space<vmem>>, vector<1x16xf32>,
    %broadcast_in_dim3A_54 = arith.constant 0.000000e+00 : f32
    %broadcast_in_dim3A_55 = vector.broadcast %broadcast_in_dim3A_54 : f32 to vector<16xf32>
    %swap3A_56 = arith.constant 0 : i32
    %swap3A_57 = arith.index_cast %swap3A_56 : i32 to index
    %swap3A_58 = arith.constant 112 : index
    %swap3A_59 = tpu.vector_load %arg9[%swap3A_57, %swap3A_58] {strides = array<i32>} : memref<8x128xf32, #tpu.memory_space<vmem>>, vector<1x16xf32>,
    %swap3A_60 = vector.shape_cast %swap3A_59 : vector<1x16xf32> to vector<16xf32>
    %swap3A_61 = vector.shape_cast %broadcast_in_dim3A_55 : vector<16xf32> to vector<1x16xf32>
    tpu.vector_store %arg9[%swap3A_57, %swap3A_58], %swap3A_61 {strides = array<i32>} : memref<8x128xf32, #tpu.memory_space<vmem>>, vector<1x16xf32>,
    %broadcast_in_dim3A_62 = arith.constant 0.000000e+00 : f32
    %broadcast_in_dim3A_63 = vector.broadcast %broadcast_in_dim3A_62 : f32 to vector<16xf32>
    %swap3A_64 = arith.constant 1 : i32
    %swap3A_65 = arith.index_cast %swap3A_64 : i32 to index
    %swap3A_66 = arith.constant 0 : index
    %swap3A_67 = tpu.vector_load %arg9[%swap3A_65, %swap3A_66] {strides = array<i32>} : memref<8x128xf32, #tpu.memory_space<vmem>>, vector<1x16xf32>,
    %swap3A_68 = vector.shape_cast %swap3A_67 : vector<1x16xf32> to vector<16xf32>
    %swap3A_69 = vector.shape_cast %broadcast_in_dim3A_63 : vector<16xf32> to vector<1x16xf32>
    tpu.vector_store %arg9[%swap3A_65, %swap3A_66], %swap3A_69 {strides = array<i32>} : memref<8x128xf32, #tpu.memory_space<vmem>>, vector<1x16xf32>,
    %broadcast_in_dim3A_70 = arith.constant 0.000000e+00 : f32
    %broadcast_in_dim3A_71 = vector.broadcast %broadcast_in_dim3A_70 : f32 to vector<16xf32>
    %swap3A_72 = arith.constant 1 : i32
    %swap3A_73 = arith.index_cast %swap3A_72 : i32 to index
    %swap3A_74 = arith.constant 16 : index
    %swap3A_75 = tpu.vector_load %arg9[%swap3A_73, %swap3A_74] {strides = array<i32>} : memref<8x128xf32, #tpu.memory_space<vmem>>, vector<1x16xf32>,
    %swap3A_76 = vector.shape_cast %swap3A_75 : vector<1x16xf32> to vector<16xf32>
    %swap3A_77 = vector.shape_cast %broadcast_in_dim3A_71 : vector<16xf32> to vector<1x16xf32>
    tpu.vector_store %arg9[%swap3A_73, %swap3A_74], %swap3A_77 {strides = array<i32>} : memref<8x128xf32, #tpu.memory_space<vmem>>, vector<1x16xf32>,
    %broadcast_in_dim3A_78 = arith.constant 0.000000e+00 : f32
    %broadcast_in_dim3A_79 = vector.broadcast %broadcast_in_dim3A_78 : f32 to vector<16xf32>
    %swap3A_80 = arith.constant 1 : i32
    %swap3A_81 = arith.index_cast %swap3A_80 : i32 to index
    %swap3A_82 = arith.constant 32 : index
    %swap3A_83 = tpu.vector_load %arg9[%swap3A_81, %swap3A_82] {strides = array<i32>} : memref<8x128xf32, #tpu.memory_space<vmem>>, vector<1x16xf32>,
    %swap3A_84 = vector.shape_cast %swap3A_83 : vector<1x16xf32> to vector<16xf32>
    %swap3A_85 = vector.shape_cast %broadcast_in_dim3A_79 : vector<16xf32> to vector<1x16xf32>
    tpu.vector_store %arg9[%swap3A_81, %swap3A_82], %swap3A_85 {strides = array<i32>} : memref<8x128xf32, #tpu.memory_space<vmem>>, vector<1x16xf32>,
    %broadcast_in_dim3A_86 = arith.constant 0.000000e+00 : f32
    %broadcast_in_dim3A_87 = vector.broadcast %broadcast_in_dim3A_86 : f32 to vector<16xf32>
    %swap3A_88 = arith.constant 1 : i32
    %swap3A_89 = arith.index_cast %swap3A_88 : i32 to index
    %swap3A_90 = arith.constant 48 : index
    %swap3A_91 = tpu.vector_load %arg9[%swap3A_89, %swap3A_90] {strides = array<i32>} : memref<8x128xf32, #tpu.memory_space<vmem>>, vector<1x16xf32>,
    %swap3A_92 = vector.shape_cast %swap3A_91 : vector<1x16xf32> to vector<16xf32>
    %swap3A_93 = vector.shape_cast %broadcast_in_dim3A_87 : vector<16xf32> to vector<1x16xf32>
    tpu.vector_store %arg9[%swap3A_89, %swap3A_90], %swap3A_93 {strides = array<i32>} : memref<8x128xf32, #tpu.memory_space<vmem>>, vector<1x16xf32>,
    %broadcast_in_dim3A_94 = arith.constant 0.000000e+00 : f32
    %broadcast_in_dim3A_95 = vector.broadcast %broadcast_in_dim3A_94 : f32 to vector<16xf32>
    %swap3A_96 = arith.constant 1 : i32
    %swap3A_97 = arith.index_cast %swap3A_96 : i32 to index
    %swap3A_98 = arith.constant 64 : index
    %swap3A_99 = tpu.vector_load %arg9[%swap3A_97, %swap3A_98] {strides = array<i32>} : memref<8x128xf32, #tpu.memory_space<vmem>>, vector<1x16xf32>,
    %swap3A_100 = vector.shape_cast %swap3A_99 : vector<1x16xf32> to vector<16xf32>
    %swap3A_101 = vector.shape_cast %broadcast_in_dim3A_95 : vector<16xf32> to vector<1x16xf32>
    tpu.vector_store %arg9[%swap3A_97, %swap3A_98], %swap3A_101 {strides = array<i32>} : memref<8x128xf32, #tpu.memory_space<vmem>>, vector<1x16xf32>,
    %broadcast_in_dim3A_102 = arith.constant 0.000000e+00 : f32
    %broadcast_in_dim3A_103 = vector.broadcast %broadcast_in_dim3A_102 : f32 to vector<16xf32>
    %swap3A_104 = arith.constant 1 : i32
    %swap3A_105 = arith.index_cast %swap3A_104 : i32 to index
    %swap3A_106 = arith.constant 80 : index
    %swap3A_107 = tpu.vector_load %arg9[%swap3A_105, %swap3A_106] {strides = array<i32>} : memref<8x128xf32, #tpu.memory_space<vmem>>, vector<1x16xf32>,
    %swap3A_108 = vector.shape_cast %swap3A_107 : vector<1x16xf32> to vector<16xf32>
    %swap3A_109 = vector.shape_cast %broadcast_in_dim3A_103 : vector<16xf32> to vector<1x16xf32>
    tpu.vector_store %arg9[%swap3A_105, %swap3A_106], %swap3A_109 {strides = array<i32>} : memref<8x128xf32, #tpu.memory_space<vmem>>, vector<1x16xf32>,
    %broadcast_in_dim3A_110 = arith.constant 0.000000e+00 : f32
    %broadcast_in_dim3A_111 = vector.broadcast %broadcast_in_dim3A_110 : f32 to vector<16xf32>
    %swap3A_112 = arith.constant 1 : i32
    %swap3A_113 = arith.index_cast %swap3A_112 : i32 to index
    %swap3A_114 = arith.constant 96 : index
    %swap3A_115 = tpu.vector_load %arg9[%swap3A_113, %swap3A_114] {strides = array<i32>} : memref<8x128xf32, #tpu.memory_space<vmem>>, vector<1x16xf32>,
    %swap3A_116 = vector.shape_cast %swap3A_115 : vector<1x16xf32> to vector<16xf32>
    %swap3A_117 = vector.shape_cast %broadcast_in_dim3A_111 : vector<16xf32> to vector<1x16xf32>
    tpu.vector_store %arg9[%swap3A_113, %swap3A_114], %swap3A_117 {strides = array<i32>} : memref<8x128xf32, #tpu.memory_space<vmem>>, vector<1x16xf32>,
    %broadcast_in_dim3A_118 = arith.constant 0.000000e+00 : f32
    %broadcast_in_dim3A_119 = vector.broadcast %broadcast_in_dim3A_118 : f32 to vector<16xf32>
    %swap3A_120 = arith.constant 1 : i32
    %swap3A_121 = arith.index_cast %swap3A_120 : i32 to index
    %swap3A_122 = arith.constant 112 : index
    %swap3A_123 = tpu.vector_load %arg9[%swap3A_121, %swap3A_122] {strides = array<i32>} : memref<8x128xf32, #tpu.memory_space<vmem>>, vector<1x16xf32>,
    %swap3A_124 = vector.shape_cast %swap3A_123 : vector<1x16xf32> to vector<16xf32>
    %swap3A_125 = vector.shape_cast %broadcast_in_dim3A_119 : vector<16xf32> to vector<1x16xf32>
    tpu.vector_store %arg9[%swap3A_121, %swap3A_122], %swap3A_125 {strides = array<i32>} : memref<8x128xf32, #tpu.memory_space<vmem>>, vector<1x16xf32>,
    %broadcast_in_dim3A_126 = arith.constant 0.000000e+00 : f32
    %broadcast_in_dim3A_127 = vector.broadcast %broadcast_in_dim3A_126 : f32 to vector<16xf32>
    %swap3A_128 = arith.constant 2 : i32
    %swap3A_129 = arith.index_cast %swap3A_128 : i32 to index
    %swap3A_130 = arith.constant 0 : index
    %swap3A_131 = tpu.vector_load %arg9[%swap3A_129, %swap3A_130] {strides = array<i32>} : memref<8x128xf32, #tpu.memory_space<vmem>>, vector<1x16xf32>,
    %swap3A_132 = vector.shape_cast %swap3A_131 : vector<1x16xf32> to vector<16xf32>
    %swap3A_133 = vector.shape_cast %broadcast_in_dim3A_127 : vector<16xf32> to vector<1x16xf32>
    tpu.vector_store %arg9[%swap3A_129, %swap3A_130], %swap3A_133 {strides = array<i32>} : memref<8x128xf32, #tpu.memory_space<vmem>>, vector<1x16xf32>,
    %broadcast_in_dim3A_134 = arith.constant 0.000000e+00 : f32
    %broadcast_in_dim3A_135 = vector.broadcast %broadcast_in_dim3A_134 : f32 to vector<16xf32>
    %swap3A_136 = arith.constant 2 : i32
    %swap3A_137 = arith.index_cast %swap3A_136 : i32 to index
    %swap3A_138 = arith.constant 16 : index
    %swap3A_139 = tpu.vector_load %arg9[%swap3A_137, %swap3A_138] {strides = array<i32>} : memref<8x128xf32, #tpu.memory_space<vmem>>, vector<1x16xf32>,
    %swap3A_140 = vector.shape_cast %swap3A_139 : vector<1x16xf32> to vector<16xf32>
    %swap3A_141 = vector.shape_cast %broadcast_in_dim3A_135 : vector<16xf32> to vector<1x16xf32>
    tpu.vector_store %arg9[%swap3A_137, %swap3A_138], %swap3A_141 {strides = array<i32>} : memref<8x128xf32, #tpu.memory_space<vmem>>, vector<1x16xf32>,
    %broadcast_in_dim3A_142 = arith.constant 0.000000e+00 : f32
    %broadcast_in_dim3A_143 = vector.broadcast %broadcast_in_dim3A_142 : f32 to vector<16xf32>
    %swap3A_144 = arith.constant 2 : i32
    %swap3A_145 = arith.index_cast %swap3A_144 : i32 to index
    %swap3A_146 = arith.constant 32 : index
    %swap3A_147 = tpu.vector_load %arg9[%swap3A_145, %swap3A_146] {strides = array<i32>} : memref<8x128xf32, #tpu.memory_space<vmem>>, vector<1x16xf32>,
    %swap3A_148 = vector.shape_cast %swap3A_147 : vector<1x16xf32> to vector<16xf32>
    %swap3A_149 = vector.shape_cast %broadcast_in_dim3A_143 : vector<16xf32> to vector<1x16xf32>
    tpu.vector_store %arg9[%swap3A_145, %swap3A_146], %swap3A_149 {strides = array<i32>} : memref<8x128xf32, #tpu.memory_space<vmem>>, vector<1x16xf32>,
    %broadcast_in_dim3A_150 = arith.constant 0.000000e+00 : f32
    %broadcast_in_dim3A_151 = vector.broadcast %broadcast_in_dim3A_150 : f32 to vector<16xf32>
    %swap3A_152 = arith.constant 2 : i32
    %swap3A_153 = arith.index_cast %swap3A_152 : i32 to index
    %swap3A_154 = arith.constant 48 : index
    %swap3A_155 = tpu.vector_load %arg9[%swap3A_153, %swap3A_154] {strides = array<i32>} : memref<8x128xf32, #tpu.memory_space<vmem>>, vector<1x16xf32>,
    %swap3A_156 = vector.shape_cast %swap3A_155 : vector<1x16xf32> to vector<16xf32>
    %swap3A_157 = vector.shape_cast %broadcast_in_dim3A_151 : vector<16xf32> to vector<1x16xf32>
    tpu.vector_store %arg9[%swap3A_153, %swap3A_154], %swap3A_157 {strides = array<i32>} : memref<8x128xf32, #tpu.memory_space<vmem>>, vector<1x16xf32>,
    %broadcast_in_dim3A_158 = arith.constant 0.000000e+00 : f32
    %broadcast_in_dim3A_159 = vector.broadcast %broadcast_in_dim3A_158 : f32 to vector<16xf32>
    %swap3A_160 = arith.constant 2 : i32
    %swap3A_161 = arith.index_cast %swap3A_160 : i32 to index
    %swap3A_162 = arith.constant 64 : index
    %swap3A_163 = tpu.vector_load %arg9[%swap3A_161, %swap3A_162] {strides = array<i32>} : memref<8x128xf32, #tpu.memory_space<vmem>>, vector<1x16xf32>,
    %swap3A_164 = vector.shape_cast %swap3A_163 : vector<1x16xf32> to vector<16xf32>
    %swap3A_165 = vector.shape_cast %broadcast_in_dim3A_159 : vector<16xf32> to vector<1x16xf32>
    tpu.vector_store %arg9[%swap3A_161, %swap3A_162], %swap3A_165 {strides = array<i32>} : memref<8x128xf32, #tpu.memory_space<vmem>>, vector<1x16xf32>,
    %broadcast_in_dim3A_166 = arith.constant 0.000000e+00 : f32
    %broadcast_in_dim3A_167 = vector.broadcast %broadcast_in_dim3A_166 : f32 to vector<16xf32>
    %swap3A_168 = arith.constant 2 : i32
    %swap3A_169 = arith.index_cast %swap3A_168 : i32 to index
    %swap3A_170 = arith.constant 80 : index
    %swap3A_171 = tpu.vector_load %arg9[%swap3A_169, %swap3A_170] {strides = array<i32>} : memref<8x128xf32, #tpu.memory_space<vmem>>, vector<1x16xf32>,
    %swap3A_172 = vector.shape_cast %swap3A_171 : vector<1x16xf32> to vector<16xf32>
    %swap3A_173 = vector.shape_cast %broadcast_in_dim3A_167 : vector<16xf32> to vector<1x16xf32>
    tpu.vector_store %arg9[%swap3A_169, %swap3A_170], %swap3A_173 {strides = array<i32>} : memref<8x128xf32, #tpu.memory_space<vmem>>, vector<1x16xf32>,
    %broadcast_in_dim3A_174 = arith.constant 0.000000e+00 : f32
    %broadcast_in_dim3A_175 = vector.broadcast %broadcast_in_dim3A_174 : f32 to vector<16xf32>
    %swap3A_176 = arith.constant 2 : i32
    %swap3A_177 = arith.index_cast %swap3A_176 : i32 to index
    %swap3A_178 = arith.constant 96 : index
    %swap3A_179 = tpu.vector_load %arg9[%swap3A_177, %swap3A_178] {strides = array<i32>} : memref<8x128xf32, #tpu.memory_space<vmem>>, vector<1x16xf32>,
    %swap3A_180 = vector.shape_cast %swap3A_179 : vector<1x16xf32> to vector<16xf32>
    %swap3A_181 = vector.shape_cast %broadcast_in_dim3A_175 : vector<16xf32> to vector<1x16xf32>
    tpu.vector_store %arg9[%swap3A_177, %swap3A_178], %swap3A_181 {strides = array<i32>} : memref<8x128xf32, #tpu.memory_space<vmem>>, vector<1x16xf32>,
    %broadcast_in_dim3A_182 = arith.constant 0.000000e+00 : f32
    %broadcast_in_dim3A_183 = vector.broadcast %broadcast_in_dim3A_182 : f32 to vector<16xf32>
    %swap3A_184 = arith.constant 2 : i32
    %swap3A_185 = arith.index_cast %swap3A_184 : i32 to index
    %swap3A_186 = arith.constant 112 : index
    %swap3A_187 = tpu.vector_load %arg9[%swap3A_185, %swap3A_186] {strides = array<i32>} : memref<8x128xf32, #tpu.memory_space<vmem>>, vector<1x16xf32>,
    %swap3A_188 = vector.shape_cast %swap3A_187 : vector<1x16xf32> to vector<16xf32>
    %swap3A_189 = vector.shape_cast %broadcast_in_dim3A_183 : vector<16xf32> to vector<1x16xf32>
    tpu.vector_store %arg9[%swap3A_185, %swap3A_186], %swap3A_189 {strides = array<i32>} : memref<8x128xf32, #tpu.memory_space<vmem>>, vector<1x16xf32>,
    %broadcast_in_dim3A_190 = arith.constant 0.000000e+00 : f32
    %broadcast_in_dim3A_191 = vector.broadcast %broadcast_in_dim3A_190 : f32 to vector<16xf32>
    %swap3A_192 = arith.constant 3 : i32
    %swap3A_193 = arith.index_cast %swap3A_192 : i32 to index
    %swap3A_194 = arith.constant 0 : index
    %swap3A_195 = tpu.vector_load %arg9[%swap3A_193, %swap3A_194] {strides = array<i32>} : memref<8x128xf32, #tpu.memory_space<vmem>>, vector<1x16xf32>,
    %swap3A_196 = vector.shape_cast %swap3A_195 : vector<1x16xf32> to vector<16xf32>
    %swap3A_197 = vector.shape_cast %broadcast_in_dim3A_191 : vector<16xf32> to vector<1x16xf32>
    tpu.vector_store %arg9[%swap3A_193, %swap3A_194], %swap3A_197 {strides = array<i32>} : memref<8x128xf32, #tpu.memory_space<vmem>>, vector<1x16xf32>,
    %broadcast_in_dim3A_198 = arith.constant 0.000000e+00 : f32
    %broadcast_in_dim3A_199 = vector.broadcast %broadcast_in_dim3A_198 : f32 to vector<16xf32>
    %swap3A_200 = arith.constant 3 : i32
    %swap3A_201 = arith.index_cast %swap3A_200 : i32 to index
    %swap3A_202 = arith.constant 16 : index
    %swap3A_203 = tpu.vector_load %arg9[%swap3A_201, %swap3A_202] {strides = array<i32>} : memref<8x128xf32, #tpu.memory_space<vmem>>, vector<1x16xf32>,
    %swap3A_204 = vector.shape_cast %swap3A_203 : vector<1x16xf32> to vector<16xf32>
    %swap3A_205 = vector.shape_cast %broadcast_in_dim3A_199 : vector<16xf32> to vector<1x16xf32>
    tpu.vector_store %arg9[%swap3A_201, %swap3A_202], %swap3A_205 {strides = array<i32>} : memref<8x128xf32, #tpu.memory_space<vmem>>, vector<1x16xf32>,
    %broadcast_in_dim3A_206 = arith.constant 0.000000e+00 : f32
    %broadcast_in_dim3A_207 = vector.broadcast %broadcast_in_dim3A_206 : f32 to vector<16xf32>
    %swap3A_208 = arith.constant 3 : i32
    %swap3A_209 = arith.index_cast %swap3A_208 : i32 to index
    %swap3A_210 = arith.constant 32 : index
    %swap3A_211 = tpu.vector_load %arg9[%swap3A_209, %swap3A_210] {strides = array<i32>} : memref<8x128xf32, #tpu.memory_space<vmem>>, vector<1x16xf32>,
    %swap3A_212 = vector.shape_cast %swap3A_211 : vector<1x16xf32> to vector<16xf32>
    %swap3A_213 = vector.shape_cast %broadcast_in_dim3A_207 : vector<16xf32> to vector<1x16xf32>
    tpu.vector_store %arg9[%swap3A_209, %swap3A_210], %swap3A_213 {strides = array<i32>} : memref<8x128xf32, #tpu.memory_space<vmem>>, vector<1x16xf32>,
    %broadcast_in_dim3A_214 = arith.constant 0.000000e+00 : f32
    %broadcast_in_dim3A_215 = vector.broadcast %broadcast_in_dim3A_214 : f32 to vector<16xf32>
    %swap3A_216 = arith.constant 3 : i32
    %swap3A_217 = arith.index_cast %swap3A_216 : i32 to index
    %swap3A_218 = arith.constant 48 : index
    %swap3A_219 = tpu.vector_load %arg9[%swap3A_217, %swap3A_218] {strides = array<i32>} : memref<8x128xf32, #tpu.memory_space<vmem>>, vector<1x16xf32>,
    %swap3A_220 = vector.shape_cast %swap3A_219 : vector<1x16xf32> to vector<16xf32>
    %swap3A_221 = vector.shape_cast %broadcast_in_dim3A_215 : vector<16xf32> to vector<1x16xf32>
    tpu.vector_store %arg9[%swap3A_217, %swap3A_218], %swap3A_221 {strides = array<i32>} : memref<8x128xf32, #tpu.memory_space<vmem>>, vector<1x16xf32>,
    %broadcast_in_dim3A_222 = arith.constant 0.000000e+00 : f32
    %broadcast_in_dim3A_223 = vector.broadcast %broadcast_in_dim3A_222 : f32 to vector<16xf32>
    %swap3A_224 = arith.constant 3 : i32
    %swap3A_225 = arith.index_cast %swap3A_224 : i32 to index
    %swap3A_226 = arith.constant 64 : index
    %swap3A_227 = tpu.vector_load %arg9[%swap3A_225, %swap3A_226] {strides = array<i32>} : memref<8x128xf32, #tpu.memory_space<vmem>>, vector<1x16xf32>,
    %swap3A_228 = vector.shape_cast %swap3A_227 : vector<1x16xf32> to vector<16xf32>
    %swap3A_229 = vector.shape_cast %broadcast_in_dim3A_223 : vector<16xf32> to vector<1x16xf32>
    tpu.vector_store %arg9[%swap3A_225, %swap3A_226], %swap3A_229 {strides = array<i32>} : memref<8x128xf32, #tpu.memory_space<vmem>>, vector<1x16xf32>,
    %broadcast_in_dim3A_230 = arith.constant 0.000000e+00 : f32
    %broadcast_in_dim3A_231 = vector.broadcast %broadcast_in_dim3A_230 : f32 to vector<16xf32>
    %swap3A_232 = arith.constant 3 : i32
    %swap3A_233 = arith.index_cast %swap3A_232 : i32 to index
    %swap3A_234 = arith.constant 80 : index
    %swap3A_235 = tpu.vector_load %arg9[%swap3A_233, %swap3A_234] {strides = array<i32>} : memref<8x128xf32, #tpu.memory_space<vmem>>, vector<1x16xf32>,
    %swap3A_236 = vector.shape_cast %swap3A_235 : vector<1x16xf32> to vector<16xf32>
    %swap3A_237 = vector.shape_cast %broadcast_in_dim3A_231 : vector<16xf32> to vector<1x16xf32>
    tpu.vector_store %arg9[%swap3A_233, %swap3A_234], %swap3A_237 {strides = array<i32>} : memref<8x128xf32, #tpu.memory_space<vmem>>, vector<1x16xf32>,
    %broadcast_in_dim3A_238 = arith.constant 0.000000e+00 : f32
    %broadcast_in_dim3A_239 = vector.broadcast %broadcast_in_dim3A_238 : f32 to vector<16xf32>
    %swap3A_240 = arith.constant 3 : i32
    %swap3A_241 = arith.index_cast %swap3A_240 : i32 to index
    %swap3A_242 = arith.constant 96 : index
    %swap3A_243 = tpu.vector_load %arg9[%swap3A_241, %swap3A_242] {strides = array<i32>} : memref<8x128xf32, #tpu.memory_space<vmem>>, vector<1x16xf32>,
    %swap3A_244 = vector.shape_cast %swap3A_243 : vector<1x16xf32> to vector<16xf32>
    %swap3A_245 = vector.shape_cast %broadcast_in_dim3A_239 : vector<16xf32> to vector<1x16xf32>
    tpu.vector_store %arg9[%swap3A_241, %swap3A_242], %swap3A_245 {strides = array<i32>} : memref<8x128xf32, #tpu.memory_space<vmem>>, vector<1x16xf32>,
    %broadcast_in_dim3A_246 = arith.constant 0.000000e+00 : f32
    %broadcast_in_dim3A_247 = vector.broadcast %broadcast_in_dim3A_246 : f32 to vector<16xf32>
    %swap3A_248 = arith.constant 3 : i32
    %swap3A_249 = arith.index_cast %swap3A_248 : i32 to index
    %swap3A_250 = arith.constant 112 : index
    %swap3A_251 = tpu.vector_load %arg9[%swap3A_249, %swap3A_250] {strides = array<i32>} : memref<8x128xf32, #tpu.memory_space<vmem>>, vector<1x16xf32>,
    %swap3A_252 = vector.shape_cast %swap3A_251 : vector<1x16xf32> to vector<16xf32>
    %swap3A_253 = vector.shape_cast %broadcast_in_dim3A_247 : vector<16xf32> to vector<1x16xf32>
    tpu.vector_store %arg9[%swap3A_249, %swap3A_250], %swap3A_253 {strides = array<i32>} : memref<8x128xf32, #tpu.memory_space<vmem>>, vector<1x16xf32>,
    %broadcast_in_dim3A_254 = arith.constant 0.000000e+00 : f32
    %broadcast_in_dim3A_255 = vector.broadcast %broadcast_in_dim3A_254 : f32 to vector<16xf32>
    %swap3A_256 = arith.constant 4 : i32
    %swap3A_257 = arith.index_cast %swap3A_256 : i32 to index
    %swap3A_258 = arith.constant 0 : index
    %swap3A_259 = tpu.vector_load %arg9[%swap3A_257, %swap3A_258] {strides = array<i32>} : memref<8x128xf32, #tpu.memory_space<vmem>>, vector<1x16xf32>,
    %swap3A_260 = vector.shape_cast %swap3A_259 : vector<1x16xf32> to vector<16xf32>
    %swap3A_261 = vector.shape_cast %broadcast_in_dim3A_255 : vector<16xf32> to vector<1x16xf32>
    tpu.vector_store %arg9[%swap3A_257, %swap3A_258], %swap3A_261 {strides = array<i32>} : memref<8x128xf32, #tpu.memory_space<vmem>>, vector<1x16xf32>,
    %broadcast_in_dim3A_262 = arith.constant 0.000000e+00 : f32
    %broadcast_in_dim3A_263 = vector.broadcast %broadcast_in_dim3A_262 : f32 to vector<16xf32>
    %swap3A_264 = arith.constant 4 : i32
    %swap3A_265 = arith.index_cast %swap3A_264 : i32 to index
    %swap3A_266 = arith.constant 16 : index
    %swap3A_267 = tpu.vector_load %arg9[%swap3A_265, %swap3A_266] {strides = array<i32>} : memref<8x128xf32, #tpu.memory_space<vmem>>, vector<1x16xf32>,
    %swap3A_268 = vector.shape_cast %swap3A_267 : vector<1x16xf32> to vector<16xf32>
    %swap3A_269 = vector.shape_cast %broadcast_in_dim3A_263 : vector<16xf32> to vector<1x16xf32>
    tpu.vector_store %arg9[%swap3A_265, %swap3A_266], %swap3A_269 {strides = array<i32>} : memref<8x128xf32, #tpu.memory_space<vmem>>, vector<1x16xf32>,
    %broadcast_in_dim3A_270 = arith.constant 0.000000e+00 : f32
    %broadcast_in_dim3A_271 = vector.broadcast %broadcast_in_dim3A_270 : f32 to vector<16xf32>
    %swap3A_272 = arith.constant 4 : i32
    %swap3A_273 = arith.index_cast %swap3A_272 : i32 to index
    %swap3A_274 = arith.constant 32 : index
    %swap3A_275 = tpu.vector_load %arg9[%swap3A_273, %swap3A_274] {strides = array<i32>} : memref<8x128xf32, #tpu.memory_space<vmem>>, vector<1x16xf32>,
    %swap3A_276 = vector.shape_cast %swap3A_275 : vector<1x16xf32> to vector<16xf32>
    %swap3A_277 = vector.shape_cast %broadcast_in_dim3A_271 : vector<16xf32> to vector<1x16xf32>
    tpu.vector_store %arg9[%swap3A_273, %swap3A_274], %swap3A_277 {strides = array<i32>} : memref<8x128xf32, #tpu.memory_space<vmem>>, vector<1x16xf32>,
    %broadcast_in_dim3A_278 = arith.constant 0.000000e+00 : f32
    %broadcast_in_dim3A_279 = vector.broadcast %broadcast_in_dim3A_278 : f32 to vector<16xf32>
    %swap3A_280 = arith.constant 4 : i32
    %swap3A_281 = arith.index_cast %swap3A_280 : i32 to index
    %swap3A_282 = arith.constant 48 : index
    %swap3A_283 = tpu.vector_load %arg9[%swap3A_281, %swap3A_282] {strides = array<i32>} : memref<8x128xf32, #tpu.memory_space<vmem>>, vector<1x16xf32>,
    %swap3A_284 = vector.shape_cast %swap3A_283 : vector<1x16xf32> to vector<16xf32>
    %swap3A_285 = vector.shape_cast %broadcast_in_dim3A_279 : vector<16xf32> to vector<1x16xf32>
    tpu.vector_store %arg9[%swap3A_281, %swap3A_282], %swap3A_285 {strides = array<i32>} : memref<8x128xf32, #tpu.memory_space<vmem>>, vector<1x16xf32>,
    %broadcast_in_dim3A_286 = arith.constant 0.000000e+00 : f32
    %broadcast_in_dim3A_287 = vector.broadcast %broadcast_in_dim3A_286 : f32 to vector<16xf32>
    %swap3A_288 = arith.constant 4 : i32
    %swap3A_289 = arith.index_cast %swap3A_288 : i32 to index
    %swap3A_290 = arith.constant 64 : index
    %swap3A_291 = tpu.vector_load %arg9[%swap3A_289, %swap3A_290] {strides = array<i32>} : memref<8x128xf32, #tpu.memory_space<vmem>>, vector<1x16xf32>,
    %swap3A_292 = vector.shape_cast %swap3A_291 : vector<1x16xf32> to vector<16xf32>
    %swap3A_293 = vector.shape_cast %broadcast_in_dim3A_287 : vector<16xf32> to vector<1x16xf32>
    tpu.vector_store %arg9[%swap3A_289, %swap3A_290], %swap3A_293 {strides = array<i32>} : memref<8x128xf32, #tpu.memory_space<vmem>>, vector<1x16xf32>,
    %broadcast_in_dim3A_294 = arith.constant 0.000000e+00 : f32
    %broadcast_in_dim3A_295 = vector.broadcast %broadcast_in_dim3A_294 : f32 to vector<16xf32>
    %swap3A_296 = arith.constant 4 : i32
    %swap3A_297 = arith.index_cast %swap3A_296 : i32 to index
    %swap3A_298 = arith.constant 80 : index
    %swap3A_299 = tpu.vector_load %arg9[%swap3A_297, %swap3A_298] {strides = array<i32>} : memref<8x128xf32, #tpu.memory_space<vmem>>, vector<1x16xf32>,
    %swap3A_300 = vector.shape_cast %swap3A_299 : vector<1x16xf32> to vector<16xf32>
    %swap3A_301 = vector.shape_cast %broadcast_in_dim3A_295 : vector<16xf32> to vector<1x16xf32>
    tpu.vector_store %arg9[%swap3A_297, %swap3A_298], %swap3A_301 {strides = array<i32>} : memref<8x128xf32, #tpu.memory_space<vmem>>, vector<1x16xf32>,
    %broadcast_in_dim3A_302 = arith.constant 0.000000e+00 : f32
    %broadcast_in_dim3A_303 = vector.broadcast %broadcast_in_dim3A_302 : f32 to vector<16xf32>
    %swap3A_304 = arith.constant 4 : i32
    %swap3A_305 = arith.index_cast %swap3A_304 : i32 to index
    %swap3A_306 = arith.constant 96 : index
    %swap3A_307 = tpu.vector_load %arg9[%swap3A_305, %swap3A_306] {strides = array<i32>} : memref<8x128xf32, #tpu.memory_space<vmem>>, vector<1x16xf32>,
    %swap3A_308 = vector.shape_cast %swap3A_307 : vector<1x16xf32> to vector<16xf32>
    %swap3A_309 = vector.shape_cast %broadcast_in_dim3A_303 : vector<16xf32> to vector<1x16xf32>
    tpu.vector_store %arg9[%swap3A_305, %swap3A_306], %swap3A_309 {strides = array<i32>} : memref<8x128xf32, #tpu.memory_space<vmem>>, vector<1x16xf32>,
    %broadcast_in_dim3A_310 = arith.constant 0.000000e+00 : f32
    %broadcast_in_dim3A_311 = vector.broadcast %broadcast_in_dim3A_310 : f32 to vector<16xf32>
    %swap3A_312 = arith.constant 4 : i32
    %swap3A_313 = arith.index_cast %swap3A_312 : i32 to index
    %swap3A_314 = arith.constant 112 : index
    %swap3A_315 = tpu.vector_load %arg9[%swap3A_313, %swap3A_314] {strides = array<i32>} : memref<8x128xf32, #tpu.memory_space<vmem>>, vector<1x16xf32>,
    %swap3A_316 = vector.shape_cast %swap3A_315 : vector<1x16xf32> to vector<16xf32>
    %swap3A_317 = vector.shape_cast %broadcast_in_dim3A_311 : vector<16xf32> to vector<1x16xf32>
    tpu.vector_store %arg9[%swap3A_313, %swap3A_314], %swap3A_317 {strides = array<i32>} : memref<8x128xf32, #tpu.memory_space<vmem>>, vector<1x16xf32>,
    %broadcast_in_dim3A_318 = arith.constant 0.000000e+00 : f32
    %broadcast_in_dim3A_319 = vector.broadcast %broadcast_in_dim3A_318 : f32 to vector<16xf32>
    %swap3A_320 = arith.constant 5 : i32
    %swap3A_321 = arith.index_cast %swap3A_320 : i32 to index
    %swap3A_322 = arith.constant 0 : index
    %swap3A_323 = tpu.vector_load %arg9[%swap3A_321, %swap3A_322] {strides = array<i32>} : memref<8x128xf32, #tpu.memory_space<vmem>>, vector<1x16xf32>,
    %swap3A_324 = vector.shape_cast %swap3A_323 : vector<1x16xf32> to vector<16xf32>
    %swap3A_325 = vector.shape_cast %broadcast_in_dim3A_319 : vector<16xf32> to vector<1x16xf32>
    tpu.vector_store %arg9[%swap3A_321, %swap3A_322], %swap3A_325 {strides = array<i32>} : memref<8x128xf32, #tpu.memory_space<vmem>>, vector<1x16xf32>,
    %broadcast_in_dim3A_326 = arith.constant 0.000000e+00 : f32
    %broadcast_in_dim3A_327 = vector.broadcast %broadcast_in_dim3A_326 : f32 to vector<16xf32>
    %swap3A_328 = arith.constant 5 : i32
    %swap3A_329 = arith.index_cast %swap3A_328 : i32 to index
    %swap3A_330 = arith.constant 16 : index
    %swap3A_331 = tpu.vector_load %arg9[%swap3A_329, %swap3A_330] {strides = array<i32>} : memref<8x128xf32, #tpu.memory_space<vmem>>, vector<1x16xf32>,
    %swap3A_332 = vector.shape_cast %swap3A_331 : vector<1x16xf32> to vector<16xf32>
    %swap3A_333 = vector.shape_cast %broadcast_in_dim3A_327 : vector<16xf32> to vector<1x16xf32>
    tpu.vector_store %arg9[%swap3A_329, %swap3A_330], %swap3A_333 {strides = array<i32>} : memref<8x128xf32, #tpu.memory_space<vmem>>, vector<1x16xf32>,
    %broadcast_in_dim3A_334 = arith.constant 0.000000e+00 : f32
    %broadcast_in_dim3A_335 = vector.broadcast %broadcast_in_dim3A_334 : f32 to vector<16xf32>
    %swap3A_336 = arith.constant 5 : i32
    %swap3A_337 = arith.index_cast %swap3A_336 : i32 to index
    %swap3A_338 = arith.constant 32 : index
    %swap3A_339 = tpu.vector_load %arg9[%swap3A_337, %swap3A_338] {strides = array<i32>} : memref<8x128xf32, #tpu.memory_space<vmem>>, vector<1x16xf32>,
    %swap3A_340 = vector.shape_cast %swap3A_339 : vector<1x16xf32> to vector<16xf32>
    %swap3A_341 = vector.shape_cast %broadcast_in_dim3A_335 : vector<16xf32> to vector<1x16xf32>
    tpu.vector_store %arg9[%swap3A_337, %swap3A_338], %swap3A_341 {strides = array<i32>} : memref<8x128xf32, #tpu.memory_space<vmem>>, vector<1x16xf32>,
    %broadcast_in_dim3A_342 = arith.constant 0.000000e+00 : f32
    %broadcast_in_dim3A_343 = vector.broadcast %broadcast_in_dim3A_342 : f32 to vector<16xf32>
    %swap3A_344 = arith.constant 5 : i32
    %swap3A_345 = arith.index_cast %swap3A_344 : i32 to index
    %swap3A_346 = arith.constant 48 : index
    %swap3A_347 = tpu.vector_load %arg9[%swap3A_345, %swap3A_346] {strides = array<i32>} : memref<8x128xf32, #tpu.memory_space<vmem>>, vector<1x16xf32>,
    %swap3A_348 = vector.shape_cast %swap3A_347 : vector<1x16xf32> to vector<16xf32>
    %swap3A_349 = vector.shape_cast %broadcast_in_dim3A_343 : vector<16xf32> to vector<1x16xf32>
    tpu.vector_store %arg9[%swap3A_345, %swap3A_346], %swap3A_349 {strides = array<i32>} : memref<8x128xf32, #tpu.memory_space<vmem>>, vector<1x16xf32>,
    %broadcast_in_dim3A_350 = arith.constant 0.000000e+00 : f32
    %broadcast_in_dim3A_351 = vector.broadcast %broadcast_in_dim3A_350 : f32 to vector<16xf32>
    %swap3A_352 = arith.constant 5 : i32
    %swap3A_353 = arith.index_cast %swap3A_352 : i32 to index
    %swap3A_354 = arith.constant 64 : index
    %swap3A_355 = tpu.vector_load %arg9[%swap3A_353, %swap3A_354] {strides = array<i32>} : memref<8x128xf32, #tpu.memory_space<vmem>>, vector<1x16xf32>,
    %swap3A_356 = vector.shape_cast %swap3A_355 : vector<1x16xf32> to vector<16xf32>
    %swap3A_357 = vector.shape_cast %broadcast_in_dim3A_351 : vector<16xf32> to vector<1x16xf32>
    tpu.vector_store %arg9[%swap3A_353, %swap3A_354], %swap3A_357 {strides = array<i32>} : memref<8x128xf32, #tpu.memory_space<vmem>>, vector<1x16xf32>,
    %broadcast_in_dim3A_358 = arith.constant 0.000000e+00 : f32
    %broadcast_in_dim3A_359 = vector.broadcast %broadcast_in_dim3A_358 : f32 to vector<16xf32>
    %swap3A_360 = arith.constant 5 : i32
    %swap3A_361 = arith.index_cast %swap3A_360 : i32 to index
    %swap3A_362 = arith.constant 80 : index
    %swap3A_363 = tpu.vector_load %arg9[%swap3A_361, %swap3A_362] {strides = array<i32>} : memref<8x128xf32, #tpu.memory_space<vmem>>, vector<1x16xf32>,
    %swap3A_364 = vector.shape_cast %swap3A_363 : vector<1x16xf32> to vector<16xf32>
    %swap3A_365 = vector.shape_cast %broadcast_in_dim3A_359 : vector<16xf32> to vector<1x16xf32>
    tpu.vector_store %arg9[%swap3A_361, %swap3A_362], %swap3A_365 {strides = array<i32>} : memref<8x128xf32, #tpu.memory_space<vmem>>, vector<1x16xf32>,
    %broadcast_in_dim3A_366 = arith.constant 0.000000e+00 : f32
    %broadcast_in_dim3A_367 = vector.broadcast %broadcast_in_dim3A_366 : f32 to vector<16xf32>
    %swap3A_368 = arith.constant 5 : i32
    %swap3A_369 = arith.index_cast %swap3A_368 : i32 to index
    %swap3A_370 = arith.constant 96 : index
    %swap3A_371 = tpu.vector_load %arg9[%swap3A_369, %swap3A_370] {strides = array<i32>} : memref<8x128xf32, #tpu.memory_space<vmem>>, vector<1x16xf32>,
    %swap3A_372 = vector.shape_cast %swap3A_371 : vector<1x16xf32> to vector<16xf32>
    %swap3A_373 = vector.shape_cast %broadcast_in_dim3A_367 : vector<16xf32> to vector<1x16xf32>
    tpu.vector_store %arg9[%swap3A_369, %swap3A_370], %swap3A_373 {strides = array<i32>} : memref<8x128xf32, #tpu.memory_space<vmem>>, vector<1x16xf32>,
    %broadcast_in_dim3A_374 = arith.constant 0.000000e+00 : f32
    %broadcast_in_dim3A_375 = vector.broadcast %broadcast_in_dim3A_374 : f32 to vector<16xf32>
    %swap3A_376 = arith.constant 5 : i32
    %swap3A_377 = arith.index_cast %swap3A_376 : i32 to index
    %swap3A_378 = arith.constant 112 : index
    %swap3A_379 = tpu.vector_load %arg9[%swap3A_377, %swap3A_378] {strides = array<i32>} : memref<8x128xf32, #tpu.memory_space<vmem>>, vector<1x16xf32>,
    %swap3A_380 = vector.shape_cast %swap3A_379 : vector<1x16xf32> to vector<16xf32>
    %swap3A_381 = vector.shape_cast %broadcast_in_dim3A_375 : vector<16xf32> to vector<1x16xf32>
    tpu.vector_store %arg9[%swap3A_377, %swap3A_378], %swap3A_381 {strides = array<i32>} : memref<8x128xf32, #tpu.memory_space<vmem>>, vector<1x16xf32>,
    %broadcast_in_dim3A_382 = arith.constant 0.000000e+00 : f32
    %broadcast_in_dim3A_383 = vector.broadcast %broadcast_in_dim3A_382 : f32 to vector<16xf32>
    %swap3A_384 = arith.constant 6 : i32
    %swap3A_385 = arith.index_cast %swap3A_384 : i32 to index
    %swap3A_386 = arith.constant 0 : index
    %swap3A_387 = tpu.vector_load %arg9[%swap3A_385, %swap3A_386] {strides = array<i32>} : memref<8x128xf32, #tpu.memory_space<vmem>>, vector<1x16xf32>,
    %swap3A_388 = vector.shape_cast %swap3A_387 : vector<1x16xf32> to vector<16xf32>
    %swap3A_389 = vector.shape_cast %broadcast_in_dim3A_383 : vector<16xf32> to vector<1x16xf32>
    tpu.vector_store %arg9[%swap3A_385, %swap3A_386], %swap3A_389 {strides = array<i32>} : memref<8x128xf32, #tpu.memory_space<vmem>>, vector<1x16xf32>,
    %broadcast_in_dim3A_390 = arith.constant 0.000000e+00 : f32
    %broadcast_in_dim3A_391 = vector.broadcast %broadcast_in_dim3A_390 : f32 to vector<16xf32>
    %swap3A_392 = arith.constant 6 : i32
    %swap3A_393 = arith.index_cast %swap3A_392 : i32 to index
    %swap3A_394 = arith.constant 16 : index
    %swap3A_395 = tpu.vector_load %arg9[%swap3A_393, %swap3A_394] {strides = array<i32>} : memref<8x128xf32, #tpu.memory_space<vmem>>, vector<1x16xf32>,
    %swap3A_396 = vector.shape_cast %swap3A_395 : vector<1x16xf32> to vector<16xf32>
    %swap3A_397 = vector.shape_cast %broadcast_in_dim3A_391 : vector<16xf32> to vector<1x16xf32>
    tpu.vector_store %arg9[%swap3A_393, %swap3A_394], %swap3A_397 {strides = array<i32>} : memref<8x128xf32, #tpu.memory_space<vmem>>, vector<1x16xf32>,
    %broadcast_in_dim3A_398 = arith.constant 0.000000e+00 : f32
    %broadcast_in_dim3A_399 = vector.broadcast %broadcast_in_dim3A_398 : f32 to vector<16xf32>
    %swap3A_400 = arith.constant 6 : i32
    %swap3A_401 = arith.index_cast %swap3A_400 : i32 to index
    %swap3A_402 = arith.constant 32 : index
    %swap3A_403 = tpu.vector_load %arg9[%swap3A_401, %swap3A_402] {strides = array<i32>} : memref<8x128xf32, #tpu.memory_space<vmem>>, vector<1x16xf32>,
    %swap3A_404 = vector.shape_cast %swap3A_403 : vector<1x16xf32> to vector<16xf32>
    %swap3A_405 = vector.shape_cast %broadcast_in_dim3A_399 : vector<16xf32> to vector<1x16xf32>
    tpu.vector_store %arg9[%swap3A_401, %swap3A_402], %swap3A_405 {strides = array<i32>} : memref<8x128xf32, #tpu.memory_space<vmem>>, vector<1x16xf32>,
    %broadcast_in_dim3A_406 = arith.constant 0.000000e+00 : f32
    %broadcast_in_dim3A_407 = vector.broadcast %broadcast_in_dim3A_406 : f32 to vector<16xf32>
    %swap3A_408 = arith.constant 6 : i32
    %swap3A_409 = arith.index_cast %swap3A_408 : i32 to index
    %swap3A_410 = arith.constant 48 : index
    %swap3A_411 = tpu.vector_load %arg9[%swap3A_409, %swap3A_410] {strides = array<i32>} : memref<8x128xf32, #tpu.memory_space<vmem>>, vector<1x16xf32>,
    %swap3A_412 = vector.shape_cast %swap3A_411 : vector<1x16xf32> to vector<16xf32>
    %swap3A_413 = vector.shape_cast %broadcast_in_dim3A_407 : vector<16xf32> to vector<1x16xf32>
    tpu.vector_store %arg9[%swap3A_409, %swap3A_410], %swap3A_413 {strides = array<i32>} : memref<8x128xf32, #tpu.memory_space<vmem>>, vector<1x16xf32>,
    %broadcast_in_dim3A_414 = arith.constant 0.000000e+00 : f32
    %broadcast_in_dim3A_415 = vector.broadcast %broadcast_in_dim3A_414 : f32 to vector<16xf32>
    %swap3A_416 = arith.constant 6 : i32
    %swap3A_417 = arith.index_cast %swap3A_416 : i32 to index
    %swap3A_418 = arith.constant 64 : index
    %swap3A_419 = tpu.vector_load %arg9[%swap3A_417, %swap3A_418] {strides = array<i32>} : memref<8x128xf32, #tpu.memory_space<vmem>>, vector<1x16xf32>,
    %swap3A_420 = vector.shape_cast %swap3A_419 : vector<1x16xf32> to vector<16xf32>
    %swap3A_421 = vector.shape_cast %broadcast_in_dim3A_415 : vector<16xf32> to vector<1x16xf32>
    tpu.vector_store %arg9[%swap3A_417, %swap3A_418], %swap3A_421 {strides = array<i32>} : memref<8x128xf32, #tpu.memory_space<vmem>>, vector<1x16xf32>,
    %broadcast_in_dim3A_422 = arith.constant 0.000000e+00 : f32
    %broadcast_in_dim3A_423 = vector.broadcast %broadcast_in_dim3A_422 : f32 to vector<16xf32>
    %swap3A_424 = arith.constant 6 : i32
    %swap3A_425 = arith.index_cast %swap3A_424 : i32 to index
    %swap3A_426 = arith.constant 80 : index
    %swap3A_427 = tpu.vector_load %arg9[%swap3A_425, %swap3A_426] {strides = array<i32>} : memref<8x128xf32, #tpu.memory_space<vmem>>, vector<1x16xf32>,
    %swap3A_428 = vector.shape_cast %swap3A_427 : vector<1x16xf32> to vector<16xf32>
    %swap3A_429 = vector.shape_cast %broadcast_in_dim3A_423 : vector<16xf32> to vector<1x16xf32>
    tpu.vector_store %arg9[%swap3A_425, %swap3A_426], %swap3A_429 {strides = array<i32>} : memref<8x128xf32, #tpu.memory_space<vmem>>, vector<1x16xf32>,
    %broadcast_in_dim3A_430 = arith.constant 0.000000e+00 : f32
    %broadcast_in_dim3A_431 = vector.broadcast %broadcast_in_dim3A_430 : f32 to vector<16xf32>
    %swap3A_432 = arith.constant 6 : i32
    %swap3A_433 = arith.index_cast %swap3A_432 : i32 to index
    %swap3A_434 = arith.constant 96 : index
    %swap3A_435 = tpu.vector_load %arg9[%swap3A_433, %swap3A_434] {strides = array<i32>} : memref<8x128xf32, #tpu.memory_space<vmem>>, vector<1x16xf32>,
    %swap3A_436 = vector.shape_cast %swap3A_435 : vector<1x16xf32> to vector<16xf32>
    %swap3A_437 = vector.shape_cast %broadcast_in_dim3A_431 : vector<16xf32> to vector<1x16xf32>
    tpu.vector_store %arg9[%swap3A_433, %swap3A_434], %swap3A_437 {strides = array<i32>} : memref<8x128xf32, #tpu.memory_space<vmem>>, vector<1x16xf32>,
    %broadcast_in_dim3A_438 = arith.constant 0.000000e+00 : f32
    %broadcast_in_dim3A_439 = vector.broadcast %broadcast_in_dim3A_438 : f32 to vector<16xf32>
    %swap3A_440 = arith.constant 6 : i32
    %swap3A_441 = arith.index_cast %swap3A_440 : i32 to index
    %swap3A_442 = arith.constant 112 : index
    %swap3A_443 = tpu.vector_load %arg9[%swap3A_441, %swap3A_442] {strides = array<i32>} : memref<8x128xf32, #tpu.memory_space<vmem>>, vector<1x16xf32>,
    %swap3A_444 = vector.shape_cast %swap3A_443 : vector<1x16xf32> to vector<16xf32>
    %swap3A_445 = vector.shape_cast %broadcast_in_dim3A_439 : vector<16xf32> to vector<1x16xf32>
    tpu.vector_store %arg9[%swap3A_441, %swap3A_442], %swap3A_445 {strides = array<i32>} : memref<8x128xf32, #tpu.memory_space<vmem>>, vector<1x16xf32>,
    %broadcast_in_dim3A_446 = arith.constant 0.000000e+00 : f32
    %broadcast_in_dim3A_447 = vector.broadcast %broadcast_in_dim3A_446 : f32 to vector<16xf32>
    %swap3A_448 = arith.constant 7 : i32
    %swap3A_449 = arith.index_cast %swap3A_448 : i32 to index
    %swap3A_450 = arith.constant 0 : index
    %swap3A_451 = tpu.vector_load %arg9[%swap3A_449, %swap3A_450] {strides = array<i32>} : memref<8x128xf32, #tpu.memory_space<vmem>>, vector<1x16xf32>,
    %swap3A_452 = vector.shape_cast %swap3A_451 : vector<1x16xf32> to vector<16xf32>
    %swap3A_453 = vector.shape_cast %broadcast_in_dim3A_447 : vector<16xf32> to vector<1x16xf32>
    tpu.vector_store %arg9[%swap3A_449, %swap3A_450], %swap3A_453 {strides = array<i32>} : memref<8x128xf32, #tpu.memory_space<vmem>>, vector<1x16xf32>,
    %broadcast_in_dim3A_454 = arith.constant 0.000000e+00 : f32
    %broadcast_in_dim3A_455 = vector.broadcast %broadcast_in_dim3A_454 : f32 to vector<16xf32>
    %swap3A_456 = arith.constant 7 : i32
    %swap3A_457 = arith.index_cast %swap3A_456 : i32 to index
    %swap3A_458 = arith.constant 16 : index
    %swap3A_459 = tpu.vector_load %arg9[%swap3A_457, %swap3A_458] {strides = array<i32>} : memref<8x128xf32, #tpu.memory_space<vmem>>, vector<1x16xf32>,
    %swap3A_460 = vector.shape_cast %swap3A_459 : vector<1x16xf32> to vector<16xf32>
    %swap3A_461 = vector.shape_cast %broadcast_in_dim3A_455 : vector<16xf32> to vector<1x16xf32>
    tpu.vector_store %arg9[%swap3A_457, %swap3A_458], %swap3A_461 {strides = array<i32>} : memref<8x128xf32, #tpu.memory_space<vmem>>, vector<1x16xf32>,
    %broadcast_in_dim3A_462 = arith.constant 0.000000e+00 : f32
    %broadcast_in_dim3A_463 = vector.broadcast %broadcast_in_dim3A_462 : f32 to vector<16xf32>
    %swap3A_464 = arith.constant 7 : i32
    %swap3A_465 = arith.index_cast %swap3A_464 : i32 to index
    %swap3A_466 = arith.constant 32 : index
    %swap3A_467 = tpu.vector_load %arg9[%swap3A_465, %swap3A_466] {strides = array<i32>} : memref<8x128xf32, #tpu.memory_space<vmem>>, vector<1x16xf32>,
    %swap3A_468 = vector.shape_cast %swap3A_467 : vector<1x16xf32> to vector<16xf32>
    %swap3A_469 = vector.shape_cast %broadcast_in_dim3A_463 : vector<16xf32> to vector<1x16xf32>
    tpu.vector_store %arg9[%swap3A_465, %swap3A_466], %swap3A_469 {strides = array<i32>} : memref<8x128xf32, #tpu.memory_space<vmem>>, vector<1x16xf32>,
    %broadcast_in_dim3A_470 = arith.constant 0.000000e+00 : f32
    %broadcast_in_dim3A_471 = vector.broadcast %broadcast_in_dim3A_470 : f32 to vector<16xf32>
    %swap3A_472 = arith.constant 7 : i32
    %swap3A_473 = arith.index_cast %swap3A_472 : i32 to index
    %swap3A_474 = arith.constant 48 : index
    %swap3A_475 = tpu.vector_load %arg9[%swap3A_473, %swap3A_474] {strides = array<i32>} : memref<8x128xf32, #tpu.memory_space<vmem>>, vector<1x16xf32>,
    %swap3A_476 = vector.shape_cast %swap3A_475 : vector<1x16xf32> to vector<16xf32>
    %swap3A_477 = vector.shape_cast %broadcast_in_dim3A_471 : vector<16xf32> to vector<1x16xf32>
    tpu.vector_store %arg9[%swap3A_473, %swap3A_474], %swap3A_477 {strides = array<i32>} : memref<8x128xf32, #tpu.memory_space<vmem>>, vector<1x16xf32>,
    %broadcast_in_dim3A_478 = arith.constant 0.000000e+00 : f32
    %broadcast_in_dim3A_479 = vector.broadcast %broadcast_in_dim3A_478 : f32 to vector<16xf32>
    %swap3A_480 = arith.constant 7 : i32
    %swap3A_481 = arith.index_cast %swap3A_480 : i32 to index
    %swap3A_482 = arith.constant 64 : index
    %swap3A_483 = tpu.vector_load %arg9[%swap3A_481, %swap3A_482] {strides = array<i32>} : memref<8x128xf32, #tpu.memory_space<vmem>>, vector<1x16xf32>,
    %swap3A_484 = vector.shape_cast %swap3A_483 : vector<1x16xf32> to vector<16xf32>
    %swap3A_485 = vector.shape_cast %broadcast_in_dim3A_479 : vector<16xf32> to vector<1x16xf32>
    tpu.vector_store %arg9[%swap3A_481, %swap3A_482], %swap3A_485 {strides = array<i32>} : memref<8x128xf32, #tpu.memory_space<vmem>>, vector<1x16xf32>,
    %broadcast_in_dim3A_486 = arith.constant 0.000000e+00 : f32
    %broadcast_in_dim3A_487 = vector.broadcast %broadcast_in_dim3A_486 : f32 to vector<16xf32>
    %swap3A_488 = arith.constant 7 : i32
    %swap3A_489 = arith.index_cast %swap3A_488 : i32 to index
    %swap3A_490 = arith.constant 80 : index
    %swap3A_491 = tpu.vector_load %arg9[%swap3A_489, %swap3A_490] {strides = array<i32>} : memref<8x128xf32, #tpu.memory_space<vmem>>, vector<1x16xf32>,
    %swap3A_492 = vector.shape_cast %swap3A_491 : vector<1x16xf32> to vector<16xf32>
    %swap3A_493 = vector.shape_cast %broadcast_in_dim3A_487 : vector<16xf32> to vector<1x16xf32>
    tpu.vector_store %arg9[%swap3A_489, %swap3A_490], %swap3A_493 {strides = array<i32>} : memref<8x128xf32, #tpu.memory_space<vmem>>, vector<1x16xf32>,
    %broadcast_in_dim3A_494 = arith.constant 0.000000e+00 : f32
    %broadcast_in_dim3A_495 = vector.broadcast %broadcast_in_dim3A_494 : f32 to vector<16xf32>
    %swap3A_496 = arith.constant 7 : i32
    %swap3A_497 = arith.index_cast %swap3A_496 : i32 to index
    %swap3A_498 = arith.constant 96 : index
    %swap3A_499 = tpu.vector_load %arg9[%swap3A_497, %swap3A_498] {strides = array<i32>} : memref<8x128xf32, #tpu.memory_space<vmem>>, vector<1x16xf32>,
    %swap3A_500 = vector.shape_cast %swap3A_499 : vector<1x16xf32> to vector<16xf32>
    %swap3A_501 = vector.shape_cast %broadcast_in_dim3A_495 : vector<16xf32> to vector<1x16xf32>
    tpu.vector_store %arg9[%swap3A_497, %swap3A_498], %swap3A_501 {strides = array<i32>} : memref<8x128xf32, #tpu.memory_space<vmem>>, vector<1x16xf32>,
    %broadcast_in_dim3A_502 = arith.constant 0.000000e+00 : f32
    %broadcast_in_dim3A_503 = vector.broadcast %broadcast_in_dim3A_502 : f32 to vector<16xf32>
    %swap3A_504 = arith.constant 7 : i32
    %swap3A_505 = arith.index_cast %swap3A_504 : i32 to index
    %swap3A_506 = arith.constant 112 : index
    %swap3A_507 = tpu.vector_load %arg9[%swap3A_505, %swap3A_506] {strides = array<i32>} : memref<8x128xf32, #tpu.memory_space<vmem>>, vector<1x16xf32>,
    %swap3A_508 = vector.shape_cast %swap3A_507 : vector<1x16xf32> to vector<16xf32>
    %swap3A_509 = vector.shape_cast %broadcast_in_dim3A_503 : vector<16xf32> to vector<1x16xf32>
    tpu.vector_store %arg9[%swap3A_505, %swap3A_506], %swap3A_509 {strides = array<i32>} : memref<8x128xf32, #tpu.memory_space<vmem>>, vector<1x16xf32>,
    %scan3A = arith.constant 0 : i32
    %scan3A_510 = arith.constant 0 : i32
    %scan3A_511 = arith.constant 79 : i32
    %scan3A_512 = arith.addi %scan3A_510, %scan3A_511 : i32
    %scan3A_513 = arith.constant 1 : i32
    scf.for %scan3A_529 = %scan3A_510 to %scan3A_512 step %scan3A_513  : i32 {
      %mul3A_530 = arith.constant 632 : i32
      %mul3A_531 = arith.muli %arg1, %mul3A_530 : i32
      %mul3A_532 = arith.constant 8 : i32
      %mul3A_533 = arith.muli %scan3A_529, %mul3A_532 : i32
      %add3A_534 = arith.addi %mul3A_531, %mul3A_533 : i32
      "tpu.region"() ({
        %run_scoped3A = tpu.sem_alloc : memref<!tpu.dma_semaphore, #tpu.memory_space<semaphore_mem>>
        %dma_start3A = arith.constant 0 : i32
        %dma_start3A_535 = tpu.memref_slice %arg10[%add3A_534, %dma_start3A] : memref<10112x128xf32, #tpu.memory_space<vmem_shared>> -> memref<8x128xf32, #tpu.memory_space<vmem_shared>>
        %dma_start3A_536 = arith.constant 0 : i32
        %dma_start3A_537 = tpu.memref_slice %arg10[%add3A_534, %dma_start3A_536] : memref<10112x128xf32, #tpu.memory_space<vmem_shared>> -> memref<8x128xf32, #tpu.memory_space<vmem_shared>>
        tpu.enqueue_dma source(%arg9 : memref<8x128xf32, #tpu.memory_space<vmem>>) target(%dma_start3A_537 : memref<8x128xf32, #tpu.memory_space<vmem_shared>>) target_semaphore(%run_scoped3A : memref<!tpu.dma_semaphore, #tpu.memory_space<semaphore_mem>>)
        %dma_wait3A = arith.constant 0 : i32
        %dma_wait3A_538 = tpu.memref_slice %arg10[%add3A_534, %dma_wait3A] : memref<10112x128xf32, #tpu.memory_space<vmem_shared>> -> memref<8x128xf32, #tpu.memory_space<vmem_shared>>
        %dma_wait3A_539 = arith.constant 0 : i32
        %dma_wait3A_540 = tpu.memref_slice %arg10[%add3A_534, %dma_wait3A_539] : memref<10112x128xf32, #tpu.memory_space<vmem_shared>> -> memref<8x128xf32, #tpu.memory_space<vmem_shared>>
        tpu.wait_dma2 semaphore(%run_scoped3A : memref<!tpu.dma_semaphore, #tpu.memory_space<semaphore_mem>>) src(%arg9 : memref<8x128xf32, #tpu.memory_space<vmem>>) dst(%dma_wait3A_540 : memref<8x128xf32, #tpu.memory_space<vmem_shared>>)
        tpu.yield
      }) : () -> ()
    }
    %scan3A_514 = arith.constant 79 : i32
    %barrier3A = arith.constant 0 : index
    tpu.barrier barrier_id(%barrier3A)
    %mul3A = arith.constant 16 : i32
    %mul3A_515 = arith.muli %arg0, %mul3A : i32
    %add3A = arith.addi %mul3A_515, %arg1 : i32
    %mul3A_516 = arith.constant 10000 : i32
    %mul3A_517 = arith.muli %add3A, %mul3A_516 : i32
    %scan3A_518 = arith.constant 0 : i32
    %scan3A_519 = arith.constant 0 : i32
    %scan3A_520 = arith.constant 125 : i32
    %scan3A_521 = arith.addi %scan3A_519, %scan3A_520 : i32
    %scan3A_522 = arith.constant 1 : i32
    scf.for %scan3A_529 = %scan3A_519 to %scan3A_521 step %scan3A_522  : i32 {
      %mul3A_530 = arith.constant 80 : i32
      %mul3A_531 = arith.muli %scan3A_529, %mul3A_530 : i32
      %add3A_532 = arith.addi %mul3A_517, %mul3A_531 : i32
      "tpu.region"() ({
        %run_scoped3A = tpu.sem_alloc : memref<!tpu.dma_semaphore, #tpu.memory_space<semaphore_mem>>
        %dma_start3A_537 = tpu.memref_slice %arg3[%add3A_532] : memref<320000xi32, #tpu.memory_space<hbm>> -> memref<80xi32, #tpu.memory_space<hbm>>
        %dma_start3A_538 = tpu.memref_slice %arg3[%add3A_532] : memref<320000xi32, #tpu.memory_space<hbm>> -> memref<80xi32, #tpu.memory_space<hbm>>
        tpu.enqueue_dma source(%dma_start3A_538 : memref<80xi32, #tpu.memory_space<hbm>>) target(%arg6 : memref<80xi32, #tpu.memory_space<vmem>>) target_semaphore(%run_scoped3A : memref<!tpu.dma_semaphore, #tpu.memory_space<semaphore_mem>>)
        %dma_wait3A_539 = tpu.memref_slice %arg3[%add3A_532] : memref<320000xi32, #tpu.memory_space<hbm>> -> memref<80xi32, #tpu.memory_space<hbm>>
        %dma_wait3A_540 = tpu.memref_slice %arg3[%add3A_532] : memref<320000xi32, #tpu.memory_space<hbm>> -> memref<80xi32, #tpu.memory_space<hbm>>
        tpu.wait_dma2 semaphore(%run_scoped3A : memref<!tpu.dma_semaphore, #tpu.memory_space<semaphore_mem>>) src(%dma_wait3A_540 : memref<80xi32, #tpu.memory_space<hbm>>) dst(%arg6 : memref<80xi32, #tpu.memory_space<vmem>>)
        tpu.yield
      }) : () -> ()
      "tpu.region"() ({
        %run_scoped3A = tpu.sem_alloc : memref<!tpu.dma_semaphore, #tpu.memory_space<semaphore_mem>>
        %dma_start3A_537 = tpu.memref_slice %arg4[%add3A_532] : memref<320000xi32, #tpu.memory_space<hbm>> -> memref<80xi32, #tpu.memory_space<hbm>>
        %dma_start3A_538 = tpu.memref_slice %arg4[%add3A_532] : memref<320000xi32, #tpu.memory_space<hbm>> -> memref<80xi32, #tpu.memory_space<hbm>>
        tpu.enqueue_dma source(%dma_start3A_538 : memref<80xi32, #tpu.memory_space<hbm>>) target(%arg7 : memref<80xi32, #tpu.memory_space<vmem>>) target_semaphore(%run_scoped3A : memref<!tpu.dma_semaphore, #tpu.memory_space<semaphore_mem>>)
        %dma_wait3A_539 = tpu.memref_slice %arg4[%add3A_532] : memref<320000xi32, #tpu.memory_space<hbm>> -> memref<80xi32, #tpu.memory_space<hbm>>
        %dma_wait3A_540 = tpu.memref_slice %arg4[%add3A_532] : memref<320000xi32, #tpu.memory_space<hbm>> -> memref<80xi32, #tpu.memory_space<hbm>>
        tpu.wait_dma2 semaphore(%run_scoped3A : memref<!tpu.dma_semaphore, #tpu.memory_space<semaphore_mem>>) src(%dma_wait3A_540 : memref<80xi32, #tpu.memory_space<hbm>>) dst(%arg7 : memref<80xi32, #tpu.memory_space<vmem>>)
        tpu.yield
      }) : () -> ()
      %dma_start3A = arith.constant 0 : i32
      %dma_start3A_533 = arith.constant 0 : i32
      %dma_start3A_534 = tpu.memref_slice %arg2[%dma_start3A, %dma_start3A_533] : memref<10000x128xf32, #tpu.memory_space<hbm>> -> memref<10000x128xf32, #tpu.memory_space<hbm>>
      tpu.enqueue_indirect_dma source(%dma_start3A_534 : memref<10000x128xf32, #tpu.memory_space<hbm>>) target(%arg8 : memref<80x128xf32, #tpu.memory_space<vmem>>) offsets(%arg6 : memref<80xi32, #tpu.memory_space<vmem>>) semaphore(%arg11 : memref<!tpu.dma_semaphore, #tpu.memory_space<semaphore_mem>>)
      %dma_wait3A = arith.constant 0 : i32
      %dma_wait3A_535 = arith.constant 0 : i32
      %dma_wait3A_536 = tpu.memref_slice %arg2[%dma_wait3A, %dma_wait3A_535] : memref<10000x128xf32, #tpu.memory_space<hbm>> -> memref<10000x128xf32, #tpu.memory_space<hbm>>
      tpu.wait_indirect_dma semaphore(%arg11 : memref<!tpu.dma_semaphore, #tpu.memory_space<semaphore_mem>>) src(%dma_wait3A_536 : memref<10000x128xf32, #tpu.memory_space<hbm>>) dst(%arg8 : memref<80x128xf32, #tpu.memory_space<vmem>>)
      "tpu.region"() ({
        %run_scoped3A = tpu.sem_alloc : memref<!tpu.dma_semaphore, #tpu.memory_space<semaphore_mem>>
        %dma_start3A_537 = arith.constant 0 : i32
        %dma_start3A_538 = arith.constant 0 : i32
        %dma_start3A_539 = tpu.memref_slice %arg10[%dma_start3A_537, %dma_start3A_538] : memref<10112x128xf32, #tpu.memory_space<vmem_shared>> -> memref<10112x128xf32, #tpu.memory_space<vmem_shared>>
        tpu.enqueue_indirect_dma source(%arg8 : memref<80x128xf32, #tpu.memory_space<vmem>>) target(%dma_start3A_539 : memref<10112x128xf32, #tpu.memory_space<vmem_shared>>) offsets(%arg7 : memref<80xi32, #tpu.memory_space<vmem>>) semaphore(%run_scoped3A : memref<!tpu.dma_semaphore, #tpu.memory_space<semaphore_mem>>) {add = true}
        %dma_wait3A_540 = arith.constant 0 : i32
        %dma_wait3A_541 = arith.constant 0 : i32
        %dma_wait3A_542 = tpu.memref_slice %arg10[%dma_wait3A_540, %dma_wait3A_541] : memref<10112x128xf32, #tpu.memory_space<vmem_shared>> -> memref<10112x128xf32, #tpu.memory_space<vmem_shared>>
        tpu.wait_indirect_dma semaphore(%run_scoped3A : memref<!tpu.dma_semaphore, #tpu.memory_space<semaphore_mem>>) src(%arg8 : memref<80x128xf32, #tpu.memory_space<vmem>>) dst(%dma_wait3A_542 : memref<10112x128xf32, #tpu.memory_space<vmem_shared>>)
        tpu.yield
      }) : () -> ()
    }
    %scan3A_523 = arith.constant 125 : i32
    %barrier3A_524 = arith.constant 0 : index
    tpu.barrier barrier_id(%barrier3A_524)
    %mul3A_525 = arith.constant 632 : i32
    %mul3A_526 = arith.muli %arg1, %mul3A_525 : i32
    %mul3A_527 = arith.constant 632 : i32
    %mul3A_528 = arith.muli %arg1, %mul3A_527 : i32
    "tpu.region"() ({
      %run_scoped3A = tpu.sem_alloc : memref<!tpu.dma_semaphore, #tpu.memory_space<semaphore_mem>>
      %dma_start3A = arith.constant 0 : i32
      %dma_start3A_529 = tpu.memref_slice %arg5[%arg0, %mul3A_528, %dma_start3A] : memref<2x10112x128xf32, #tpu.memory_space<hbm>> -> memref<1x632x128xf32, #tpu.memory_space<hbm>>
      %dma_start3A_530 = tpu.memref_squeeze %dma_start3A_529 : memref<1x632x128xf32, #tpu.memory_space<hbm>> -> memref<632x128xf32, #tpu.memory_space<hbm>>
      %dma_start3A_531 = arith.constant 0 : i32
      %dma_start3A_532 = tpu.memref_slice %arg10[%mul3A_526, %dma_start3A_531] : memref<10112x128xf32, #tpu.memory_space<vmem_shared>> -> memref<632x128xf32, #tpu.memory_space<vmem_shared>>
      tpu.enqueue_dma source(%dma_start3A_532 : memref<632x128xf32, #tpu.memory_space<vmem_shared>>) target(%dma_start3A_530 : memref<632x128xf32, #tpu.memory_space<hbm>>) target_semaphore(%run_scoped3A : memref<!tpu.dma_semaphore, #tpu.memory_space<semaphore_mem>>)
      %dma_wait3A = arith.constant 0 : i32
      %dma_wait3A_533 = tpu.memref_slice %arg5[%arg0, %mul3A_528, %dma_wait3A] : memref<2x10112x128xf32, #tpu.memory_space<hbm>> -> memref<1x632x128xf32, #tpu.memory_space<hbm>>
      %dma_wait3A_534 = tpu.memref_squeeze %dma_wait3A_533 : memref<1x632x128xf32, #tpu.memory_space<hbm>> -> memref<632x128xf32, #tpu.memory_space<hbm>>
      %dma_wait3A_535 = arith.constant 0 : i32
      %dma_wait3A_536 = tpu.memref_slice %arg10[%mul3A_526, %dma_wait3A_535] : memref<10112x128xf32, #tpu.memory_space<vmem_shared>> -> memref<632x128xf32, #tpu.memory_space<vmem_shared>>
      tpu.wait_dma2 semaphore(%run_scoped3A : memref<!tpu.dma_semaphore, #tpu.memory_space<semaphore_mem>>) src(%dma_wait3A_536 : memref<632x128xf32, #tpu.memory_space<vmem_shared>>) dst(%dma_wait3A_534 : memref<632x128xf32, #tpu.memory_space<hbm>>)
      tpu.yield
    }) : () -> ()
    return
  }
}

#map = affine_map<(d0, d1) -> (0, 0)>
#map1 = affine_map<(d0, d1) -> (0)>
#map2 = affine_map<(d0, d1) -> (0, 0, 0)>
module attributes {stable_mosaic.version = 14 : i64} {
  func.func @agg_kernel(%arg0: i32, %arg1: i32, %arg2: memref<10000x128xf32, #tpu.memory_space<hbm>>, %arg3: memref<320000xi32, #tpu.memory_space<hbm>>, %arg4: memref<320000xi32, #tpu.memory_space<hbm>>, %arg5: memref<2x10112x128xf32, #tpu.memory_space<hbm>>, %arg6: memref<80xi32, #tpu.memory_space<vmem>>, %arg7: memref<80xi32, #tpu.memory_space<vmem>>, %arg8: memref<80x128xf32, #tpu.memory_space<vmem>>, %arg9: memref<8x128xf32, #tpu.memory_space<vmem>>, %arg10: memref<10112x128xf32, #tpu.memory_space<vmem_shared>>, %arg11: memref<!tpu.dma_semaphore, #tpu.memory_space<semaphore_mem>>) attributes {dimension_semantics = [#tpu.dimension_semantics<core_parallel>, #tpu.dimension_semantics<subcore_parallel>], iteration_bounds = array<i64: 2, 16>, scalar_prefetch = 0 : i64, scratch_operands = 6 : i64, tpu.core_type = #tpu.core_type<sc_vector_subcore>, window_params = [{transform_indices = #map}, {transform_indices = #map1}, {transform_indices = #map1}, {transform_indices = #map2}]} {
    %broadcast_in_dim3A = arith.constant 0.000000e+00 : f32
    %broadcast_in_dim3A_0 = vector.broadcast %broadcast_in_dim3A : f32 to vector<16xf32>
    %swap3A = arith.constant 0 : i32
    %swap3A_1 = arith.index_cast %swap3A : i32 to index
    %swap3A_2 = arith.constant 0 : index
    %swap3A_3 = tpu.vector_load %arg9[%swap3A_1, %swap3A_2] {strides = array<i32>} : memref<8x128xf32, #tpu.memory_space<vmem>>, vector<1x16xf32>,
    %swap3A_4 = vector.shape_cast %swap3A_3 : vector<1x16xf32> to vector<16xf32>
    %swap3A_5 = vector.shape_cast %broadcast_in_dim3A_0 : vector<16xf32> to vector<1x16xf32>
    tpu.vector_store %arg9[%swap3A_1, %swap3A_2], %swap3A_5 {strides = array<i32>} : memref<8x128xf32, #tpu.memory_space<vmem>>, vector<1x16xf32>,
    %broadcast_in_dim3A_6 = arith.constant 0.000000e+00 : f32
    %broadcast_in_dim3A_7 = vector.broadcast %broadcast_in_dim3A_6 : f32 to vector<16xf32>
    %swap3A_8 = arith.constant 0 : i32
    %swap3A_9 = arith.index_cast %swap3A_8 : i32 to index
    %swap3A_10 = arith.constant 16 : index
    %swap3A_11 = tpu.vector_load %arg9[%swap3A_9, %swap3A_10] {strides = array<i32>} : memref<8x128xf32, #tpu.memory_space<vmem>>, vector<1x16xf32>,
    %swap3A_12 = vector.shape_cast %swap3A_11 : vector<1x16xf32> to vector<16xf32>
    %swap3A_13 = vector.shape_cast %broadcast_in_dim3A_7 : vector<16xf32> to vector<1x16xf32>
    tpu.vector_store %arg9[%swap3A_9, %swap3A_10], %swap3A_13 {strides = array<i32>} : memref<8x128xf32, #tpu.memory_space<vmem>>, vector<1x16xf32>,
    %broadcast_in_dim3A_14 = arith.constant 0.000000e+00 : f32
    %broadcast_in_dim3A_15 = vector.broadcast %broadcast_in_dim3A_14 : f32 to vector<16xf32>
    %swap3A_16 = arith.constant 0 : i32
    %swap3A_17 = arith.index_cast %swap3A_16 : i32 to index
    %swap3A_18 = arith.constant 32 : index
    %swap3A_19 = tpu.vector_load %arg9[%swap3A_17, %swap3A_18] {strides = array<i32>} : memref<8x128xf32, #tpu.memory_space<vmem>>, vector<1x16xf32>,
    %swap3A_20 = vector.shape_cast %swap3A_19 : vector<1x16xf32> to vector<16xf32>
    %swap3A_21 = vector.shape_cast %broadcast_in_dim3A_15 : vector<16xf32> to vector<1x16xf32>
    tpu.vector_store %arg9[%swap3A_17, %swap3A_18], %swap3A_21 {strides = array<i32>} : memref<8x128xf32, #tpu.memory_space<vmem>>, vector<1x16xf32>,
    %broadcast_in_dim3A_22 = arith.constant 0.000000e+00 : f32
    %broadcast_in_dim3A_23 = vector.broadcast %broadcast_in_dim3A_22 : f32 to vector<16xf32>
    %swap3A_24 = arith.constant 0 : i32
    %swap3A_25 = arith.index_cast %swap3A_24 : i32 to index
    %swap3A_26 = arith.constant 48 : index
    %swap3A_27 = tpu.vector_load %arg9[%swap3A_25, %swap3A_26] {strides = array<i32>} : memref<8x128xf32, #tpu.memory_space<vmem>>, vector<1x16xf32>,
    %swap3A_28 = vector.shape_cast %swap3A_27 : vector<1x16xf32> to vector<16xf32>
    %swap3A_29 = vector.shape_cast %broadcast_in_dim3A_23 : vector<16xf32> to vector<1x16xf32>
    tpu.vector_store %arg9[%swap3A_25, %swap3A_26], %swap3A_29 {strides = array<i32>} : memref<8x128xf32, #tpu.memory_space<vmem>>, vector<1x16xf32>,
    %broadcast_in_dim3A_30 = arith.constant 0.000000e+00 : f32
    %broadcast_in_dim3A_31 = vector.broadcast %broadcast_in_dim3A_30 : f32 to vector<16xf32>
    %swap3A_32 = arith.constant 0 : i32
    %swap3A_33 = arith.index_cast %swap3A_32 : i32 to index
    %swap3A_34 = arith.constant 64 : index
    %swap3A_35 = tpu.vector_load %arg9[%swap3A_33, %swap3A_34] {strides = array<i32>} : memref<8x128xf32, #tpu.memory_space<vmem>>, vector<1x16xf32>,
    %swap3A_36 = vector.shape_cast %swap3A_35 : vector<1x16xf32> to vector<16xf32>
    %swap3A_37 = vector.shape_cast %broadcast_in_dim3A_31 : vector<16xf32> to vector<1x16xf32>
    tpu.vector_store %arg9[%swap3A_33, %swap3A_34], %swap3A_37 {strides = array<i32>} : memref<8x128xf32, #tpu.memory_space<vmem>>, vector<1x16xf32>,
    %broadcast_in_dim3A_38 = arith.constant 0.000000e+00 : f32
    %broadcast_in_dim3A_39 = vector.broadcast %broadcast_in_dim3A_38 : f32 to vector<16xf32>
    %swap3A_40 = arith.constant 0 : i32
    %swap3A_41 = arith.index_cast %swap3A_40 : i32 to index
    %swap3A_42 = arith.constant 80 : index
    %swap3A_43 = tpu.vector_load %arg9[%swap3A_41, %swap3A_42] {strides = array<i32>} : memref<8x128xf32, #tpu.memory_space<vmem>>, vector<1x16xf32>,
    %swap3A_44 = vector.shape_cast %swap3A_43 : vector<1x16xf32> to vector<16xf32>
    %swap3A_45 = vector.shape_cast %broadcast_in_dim3A_39 : vector<16xf32> to vector<1x16xf32>
    tpu.vector_store %arg9[%swap3A_41, %swap3A_42], %swap3A_45 {strides = array<i32>} : memref<8x128xf32, #tpu.memory_space<vmem>>, vector<1x16xf32>,
    %broadcast_in_dim3A_46 = arith.constant 0.000000e+00 : f32
    %broadcast_in_dim3A_47 = vector.broadcast %broadcast_in_dim3A_46 : f32 to vector<16xf32>
    %swap3A_48 = arith.constant 0 : i32
    %swap3A_49 = arith.index_cast %swap3A_48 : i32 to index
    %swap3A_50 = arith.constant 96 : index
    %swap3A_51 = tpu.vector_load %arg9[%swap3A_49, %swap3A_50] {strides = array<i32>} : memref<8x128xf32, #tpu.memory_space<vmem>>, vector<1x16xf32>,
    %swap3A_52 = vector.shape_cast %swap3A_51 : vector<1x16xf32> to vector<16xf32>
    %swap3A_53 = vector.shape_cast %broadcast_in_dim3A_47 : vector<16xf32> to vector<1x16xf32>
    tpu.vector_store %arg9[%swap3A_49, %swap3A_50], %swap3A_53 {strides = array<i32>} : memref<8x128xf32, #tpu.memory_space<vmem>>, vector<1x16xf32>,
    %broadcast_in_dim3A_54 = arith.constant 0.000000e+00 : f32
    %broadcast_in_dim3A_55 = vector.broadcast %broadcast_in_dim3A_54 : f32 to vector<16xf32>
    %swap3A_56 = arith.constant 0 : i32
    %swap3A_57 = arith.index_cast %swap3A_56 : i32 to index
    %swap3A_58 = arith.constant 112 : index
    %swap3A_59 = tpu.vector_load %arg9[%swap3A_57, %swap3A_58] {strides = array<i32>} : memref<8x128xf32, #tpu.memory_space<vmem>>, vector<1x16xf32>,
    %swap3A_60 = vector.shape_cast %swap3A_59 : vector<1x16xf32> to vector<16xf32>
    %swap3A_61 = vector.shape_cast %broadcast_in_dim3A_55 : vector<16xf32> to vector<1x16xf32>
    tpu.vector_store %arg9[%swap3A_57, %swap3A_58], %swap3A_61 {strides = array<i32>} : memref<8x128xf32, #tpu.memory_space<vmem>>, vector<1x16xf32>,
    %broadcast_in_dim3A_62 = arith.constant 0.000000e+00 : f32
    %broadcast_in_dim3A_63 = vector.broadcast %broadcast_in_dim3A_62 : f32 to vector<16xf32>
    %swap3A_64 = arith.constant 1 : i32
    %swap3A_65 = arith.index_cast %swap3A_64 : i32 to index
    %swap3A_66 = arith.constant 0 : index
    %swap3A_67 = tpu.vector_load %arg9[%swap3A_65, %swap3A_66] {strides = array<i32>} : memref<8x128xf32, #tpu.memory_space<vmem>>, vector<1x16xf32>,
    %swap3A_68 = vector.shape_cast %swap3A_67 : vector<1x16xf32> to vector<16xf32>
    %swap3A_69 = vector.shape_cast %broadcast_in_dim3A_63 : vector<16xf32> to vector<1x16xf32>
    tpu.vector_store %arg9[%swap3A_65, %swap3A_66], %swap3A_69 {strides = array<i32>} : memref<8x128xf32, #tpu.memory_space<vmem>>, vector<1x16xf32>,
    %broadcast_in_dim3A_70 = arith.constant 0.000000e+00 : f32
    %broadcast_in_dim3A_71 = vector.broadcast %broadcast_in_dim3A_70 : f32 to vector<16xf32>
    %swap3A_72 = arith.constant 1 : i32
    %swap3A_73 = arith.index_cast %swap3A_72 : i32 to index
    %swap3A_74 = arith.constant 16 : index
    %swap3A_75 = tpu.vector_load %arg9[%swap3A_73, %swap3A_74] {strides = array<i32>} : memref<8x128xf32, #tpu.memory_space<vmem>>, vector<1x16xf32>,
    %swap3A_76 = vector.shape_cast %swap3A_75 : vector<1x16xf32> to vector<16xf32>
    %swap3A_77 = vector.shape_cast %broadcast_in_dim3A_71 : vector<16xf32> to vector<1x16xf32>
    tpu.vector_store %arg9[%swap3A_73, %swap3A_74], %swap3A_77 {strides = array<i32>} : memref<8x128xf32, #tpu.memory_space<vmem>>, vector<1x16xf32>,
    %broadcast_in_dim3A_78 = arith.constant 0.000000e+00 : f32
    %broadcast_in_dim3A_79 = vector.broadcast %broadcast_in_dim3A_78 : f32 to vector<16xf32>
    %swap3A_80 = arith.constant 1 : i32
    %swap3A_81 = arith.index_cast %swap3A_80 : i32 to index
    %swap3A_82 = arith.constant 32 : index
    %swap3A_83 = tpu.vector_load %arg9[%swap3A_81, %swap3A_82] {strides = array<i32>} : memref<8x128xf32, #tpu.memory_space<vmem>>, vector<1x16xf32>,
    %swap3A_84 = vector.shape_cast %swap3A_83 : vector<1x16xf32> to vector<16xf32>
    %swap3A_85 = vector.shape_cast %broadcast_in_dim3A_79 : vector<16xf32> to vector<1x16xf32>
    tpu.vector_store %arg9[%swap3A_81, %swap3A_82], %swap3A_85 {strides = array<i32>} : memref<8x128xf32, #tpu.memory_space<vmem>>, vector<1x16xf32>,
    %broadcast_in_dim3A_86 = arith.constant 0.000000e+00 : f32
    %broadcast_in_dim3A_87 = vector.broadcast %broadcast_in_dim3A_86 : f32 to vector<16xf32>
    %swap3A_88 = arith.constant 1 : i32
    %swap3A_89 = arith.index_cast %swap3A_88 : i32 to index
    %swap3A_90 = arith.constant 48 : index
    %swap3A_91 = tpu.vector_load %arg9[%swap3A_89, %swap3A_90] {strides = array<i32>} : memref<8x128xf32, #tpu.memory_space<vmem>>, vector<1x16xf32>,
    %swap3A_92 = vector.shape_cast %swap3A_91 : vector<1x16xf32> to vector<16xf32>
    %swap3A_93 = vector.shape_cast %broadcast_in_dim3A_87 : vector<16xf32> to vector<1x16xf32>
    tpu.vector_store %arg9[%swap3A_89, %swap3A_90], %swap3A_93 {strides = array<i32>} : memref<8x128xf32, #tpu.memory_space<vmem>>, vector<1x16xf32>,
    %broadcast_in_dim3A_94 = arith.constant 0.000000e+00 : f32
    %broadcast_in_dim3A_95 = vector.broadcast %broadcast_in_dim3A_94 : f32 to vector<16xf32>
    %swap3A_96 = arith.constant 1 : i32
    %swap3A_97 = arith.index_cast %swap3A_96 : i32 to index
    %swap3A_98 = arith.constant 64 : index
    %swap3A_99 = tpu.vector_load %arg9[%swap3A_97, %swap3A_98] {strides = array<i32>} : memref<8x128xf32, #tpu.memory_space<vmem>>, vector<1x16xf32>,
    %swap3A_100 = vector.shape_cast %swap3A_99 : vector<1x16xf32> to vector<16xf32>
    %swap3A_101 = vector.shape_cast %broadcast_in_dim3A_95 : vector<16xf32> to vector<1x16xf32>
    tpu.vector_store %arg9[%swap3A_97, %swap3A_98], %swap3A_101 {strides = array<i32>} : memref<8x128xf32, #tpu.memory_space<vmem>>, vector<1x16xf32>,
    %broadcast_in_dim3A_102 = arith.constant 0.000000e+00 : f32
    %broadcast_in_dim3A_103 = vector.broadcast %broadcast_in_dim3A_102 : f32 to vector<16xf32>
    %swap3A_104 = arith.constant 1 : i32
    %swap3A_105 = arith.index_cast %swap3A_104 : i32 to index
    %swap3A_106 = arith.constant 80 : index
    %swap3A_107 = tpu.vector_load %arg9[%swap3A_105, %swap3A_106] {strides = array<i32>} : memref<8x128xf32, #tpu.memory_space<vmem>>, vector<1x16xf32>,
    %swap3A_108 = vector.shape_cast %swap3A_107 : vector<1x16xf32> to vector<16xf32>
    %swap3A_109 = vector.shape_cast %broadcast_in_dim3A_103 : vector<16xf32> to vector<1x16xf32>
    tpu.vector_store %arg9[%swap3A_105, %swap3A_106], %swap3A_109 {strides = array<i32>} : memref<8x128xf32, #tpu.memory_space<vmem>>, vector<1x16xf32>,
    %broadcast_in_dim3A_110 = arith.constant 0.000000e+00 : f32
    %broadcast_in_dim3A_111 = vector.broadcast %broadcast_in_dim3A_110 : f32 to vector<16xf32>
    %swap3A_112 = arith.constant 1 : i32
    %swap3A_113 = arith.index_cast %swap3A_112 : i32 to index
    %swap3A_114 = arith.constant 96 : index
    %swap3A_115 = tpu.vector_load %arg9[%swap3A_113, %swap3A_114] {strides = array<i32>} : memref<8x128xf32, #tpu.memory_space<vmem>>, vector<1x16xf32>,
    %swap3A_116 = vector.shape_cast %swap3A_115 : vector<1x16xf32> to vector<16xf32>
    %swap3A_117 = vector.shape_cast %broadcast_in_dim3A_111 : vector<16xf32> to vector<1x16xf32>
    tpu.vector_store %arg9[%swap3A_113, %swap3A_114], %swap3A_117 {strides = array<i32>} : memref<8x128xf32, #tpu.memory_space<vmem>>, vector<1x16xf32>,
    %broadcast_in_dim3A_118 = arith.constant 0.000000e+00 : f32
    %broadcast_in_dim3A_119 = vector.broadcast %broadcast_in_dim3A_118 : f32 to vector<16xf32>
    %swap3A_120 = arith.constant 1 : i32
    %swap3A_121 = arith.index_cast %swap3A_120 : i32 to index
    %swap3A_122 = arith.constant 112 : index
    %swap3A_123 = tpu.vector_load %arg9[%swap3A_121, %swap3A_122] {strides = array<i32>} : memref<8x128xf32, #tpu.memory_space<vmem>>, vector<1x16xf32>,
    %swap3A_124 = vector.shape_cast %swap3A_123 : vector<1x16xf32> to vector<16xf32>
    %swap3A_125 = vector.shape_cast %broadcast_in_dim3A_119 : vector<16xf32> to vector<1x16xf32>
    tpu.vector_store %arg9[%swap3A_121, %swap3A_122], %swap3A_125 {strides = array<i32>} : memref<8x128xf32, #tpu.memory_space<vmem>>, vector<1x16xf32>,
    %broadcast_in_dim3A_126 = arith.constant 0.000000e+00 : f32
    %broadcast_in_dim3A_127 = vector.broadcast %broadcast_in_dim3A_126 : f32 to vector<16xf32>
    %swap3A_128 = arith.constant 2 : i32
    %swap3A_129 = arith.index_cast %swap3A_128 : i32 to index
    %swap3A_130 = arith.constant 0 : index
    %swap3A_131 = tpu.vector_load %arg9[%swap3A_129, %swap3A_130] {strides = array<i32>} : memref<8x128xf32, #tpu.memory_space<vmem>>, vector<1x16xf32>,
    %swap3A_132 = vector.shape_cast %swap3A_131 : vector<1x16xf32> to vector<16xf32>
    %swap3A_133 = vector.shape_cast %broadcast_in_dim3A_127 : vector<16xf32> to vector<1x16xf32>
    tpu.vector_store %arg9[%swap3A_129, %swap3A_130], %swap3A_133 {strides = array<i32>} : memref<8x128xf32, #tpu.memory_space<vmem>>, vector<1x16xf32>,
    %broadcast_in_dim3A_134 = arith.constant 0.000000e+00 : f32
    %broadcast_in_dim3A_135 = vector.broadcast %broadcast_in_dim3A_134 : f32 to vector<16xf32>
    %swap3A_136 = arith.constant 2 : i32
    %swap3A_137 = arith.index_cast %swap3A_136 : i32 to index
    %swap3A_138 = arith.constant 16 : index
    %swap3A_139 = tpu.vector_load %arg9[%swap3A_137, %swap3A_138] {strides = array<i32>} : memref<8x128xf32, #tpu.memory_space<vmem>>, vector<1x16xf32>,
    %swap3A_140 = vector.shape_cast %swap3A_139 : vector<1x16xf32> to vector<16xf32>
    %swap3A_141 = vector.shape_cast %broadcast_in_dim3A_135 : vector<16xf32> to vector<1x16xf32>
    tpu.vector_store %arg9[%swap3A_137, %swap3A_138], %swap3A_141 {strides = array<i32>} : memref<8x128xf32, #tpu.memory_space<vmem>>, vector<1x16xf32>,
    %broadcast_in_dim3A_142 = arith.constant 0.000000e+00 : f32
    %broadcast_in_dim3A_143 = vector.broadcast %broadcast_in_dim3A_142 : f32 to vector<16xf32>
    %swap3A_144 = arith.constant 2 : i32
    %swap3A_145 = arith.index_cast %swap3A_144 : i32 to index
    %swap3A_146 = arith.constant 32 : index
    %swap3A_147 = tpu.vector_load %arg9[%swap3A_145, %swap3A_146] {strides = array<i32>} : memref<8x128xf32, #tpu.memory_space<vmem>>, vector<1x16xf32>,
    %swap3A_148 = vector.shape_cast %swap3A_147 : vector<1x16xf32> to vector<16xf32>
    %swap3A_149 = vector.shape_cast %broadcast_in_dim3A_143 : vector<16xf32> to vector<1x16xf32>
    tpu.vector_store %arg9[%swap3A_145, %swap3A_146], %swap3A_149 {strides = array<i32>} : memref<8x128xf32, #tpu.memory_space<vmem>>, vector<1x16xf32>,
    %broadcast_in_dim3A_150 = arith.constant 0.000000e+00 : f32
    %broadcast_in_dim3A_151 = vector.broadcast %broadcast_in_dim3A_150 : f32 to vector<16xf32>
    %swap3A_152 = arith.constant 2 : i32
    %swap3A_153 = arith.index_cast %swap3A_152 : i32 to index
    %swap3A_154 = arith.constant 48 : index
    %swap3A_155 = tpu.vector_load %arg9[%swap3A_153, %swap3A_154] {strides = array<i32>} : memref<8x128xf32, #tpu.memory_space<vmem>>, vector<1x16xf32>,
    %swap3A_156 = vector.shape_cast %swap3A_155 : vector<1x16xf32> to vector<16xf32>
    %swap3A_157 = vector.shape_cast %broadcast_in_dim3A_151 : vector<16xf32> to vector<1x16xf32>
    tpu.vector_store %arg9[%swap3A_153, %swap3A_154], %swap3A_157 {strides = array<i32>} : memref<8x128xf32, #tpu.memory_space<vmem>>, vector<1x16xf32>,
    %broadcast_in_dim3A_158 = arith.constant 0.000000e+00 : f32
    %broadcast_in_dim3A_159 = vector.broadcast %broadcast_in_dim3A_158 : f32 to vector<16xf32>
    %swap3A_160 = arith.constant 2 : i32
    %swap3A_161 = arith.index_cast %swap3A_160 : i32 to index
    %swap3A_162 = arith.constant 64 : index
    %swap3A_163 = tpu.vector_load %arg9[%swap3A_161, %swap3A_162] {strides = array<i32>} : memref<8x128xf32, #tpu.memory_space<vmem>>, vector<1x16xf32>,
    %swap3A_164 = vector.shape_cast %swap3A_163 : vector<1x16xf32> to vector<16xf32>
    %swap3A_165 = vector.shape_cast %broadcast_in_dim3A_159 : vector<16xf32> to vector<1x16xf32>
    tpu.vector_store %arg9[%swap3A_161, %swap3A_162], %swap3A_165 {strides = array<i32>} : memref<8x128xf32, #tpu.memory_space<vmem>>, vector<1x16xf32>,
    %broadcast_in_dim3A_166 = arith.constant 0.000000e+00 : f32
    %broadcast_in_dim3A_167 = vector.broadcast %broadcast_in_dim3A_166 : f32 to vector<16xf32>
    %swap3A_168 = arith.constant 2 : i32
    %swap3A_169 = arith.index_cast %swap3A_168 : i32 to index
    %swap3A_170 = arith.constant 80 : index
    %swap3A_171 = tpu.vector_load %arg9[%swap3A_169, %swap3A_170] {strides = array<i32>} : memref<8x128xf32, #tpu.memory_space<vmem>>, vector<1x16xf32>,
    %swap3A_172 = vector.shape_cast %swap3A_171 : vector<1x16xf32> to vector<16xf32>
    %swap3A_173 = vector.shape_cast %broadcast_in_dim3A_167 : vector<16xf32> to vector<1x16xf32>
    tpu.vector_store %arg9[%swap3A_169, %swap3A_170], %swap3A_173 {strides = array<i32>} : memref<8x128xf32, #tpu.memory_space<vmem>>, vector<1x16xf32>,
    %broadcast_in_dim3A_174 = arith.constant 0.000000e+00 : f32
    %broadcast_in_dim3A_175 = vector.broadcast %broadcast_in_dim3A_174 : f32 to vector<16xf32>
    %swap3A_176 = arith.constant 2 : i32
    %swap3A_177 = arith.index_cast %swap3A_176 : i32 to index
    %swap3A_178 = arith.constant 96 : index
    %swap3A_179 = tpu.vector_load %arg9[%swap3A_177, %swap3A_178] {strides = array<i32>} : memref<8x128xf32, #tpu.memory_space<vmem>>, vector<1x16xf32>,
    %swap3A_180 = vector.shape_cast %swap3A_179 : vector<1x16xf32> to vector<16xf32>
    %swap3A_181 = vector.shape_cast %broadcast_in_dim3A_175 : vector<16xf32> to vector<1x16xf32>
    tpu.vector_store %arg9[%swap3A_177, %swap3A_178], %swap3A_181 {strides = array<i32>} : memref<8x128xf32, #tpu.memory_space<vmem>>, vector<1x16xf32>,
    %broadcast_in_dim3A_182 = arith.constant 0.000000e+00 : f32
    %broadcast_in_dim3A_183 = vector.broadcast %broadcast_in_dim3A_182 : f32 to vector<16xf32>
    %swap3A_184 = arith.constant 2 : i32
    %swap3A_185 = arith.index_cast %swap3A_184 : i32 to index
    %swap3A_186 = arith.constant 112 : index
    %swap3A_187 = tpu.vector_load %arg9[%swap3A_185, %swap3A_186] {strides = array<i32>} : memref<8x128xf32, #tpu.memory_space<vmem>>, vector<1x16xf32>,
    %swap3A_188 = vector.shape_cast %swap3A_187 : vector<1x16xf32> to vector<16xf32>
    %swap3A_189 = vector.shape_cast %broadcast_in_dim3A_183 : vector<16xf32> to vector<1x16xf32>
    tpu.vector_store %arg9[%swap3A_185, %swap3A_186], %swap3A_189 {strides = array<i32>} : memref<8x128xf32, #tpu.memory_space<vmem>>, vector<1x16xf32>,
    %broadcast_in_dim3A_190 = arith.constant 0.000000e+00 : f32
    %broadcast_in_dim3A_191 = vector.broadcast %broadcast_in_dim3A_190 : f32 to vector<16xf32>
    %swap3A_192 = arith.constant 3 : i32
    %swap3A_193 = arith.index_cast %swap3A_192 : i32 to index
    %swap3A_194 = arith.constant 0 : index
    %swap3A_195 = tpu.vector_load %arg9[%swap3A_193, %swap3A_194] {strides = array<i32>} : memref<8x128xf32, #tpu.memory_space<vmem>>, vector<1x16xf32>,
    %swap3A_196 = vector.shape_cast %swap3A_195 : vector<1x16xf32> to vector<16xf32>
    %swap3A_197 = vector.shape_cast %broadcast_in_dim3A_191 : vector<16xf32> to vector<1x16xf32>
    tpu.vector_store %arg9[%swap3A_193, %swap3A_194], %swap3A_197 {strides = array<i32>} : memref<8x128xf32, #tpu.memory_space<vmem>>, vector<1x16xf32>,
    %broadcast_in_dim3A_198 = arith.constant 0.000000e+00 : f32
    %broadcast_in_dim3A_199 = vector.broadcast %broadcast_in_dim3A_198 : f32 to vector<16xf32>
    %swap3A_200 = arith.constant 3 : i32
    %swap3A_201 = arith.index_cast %swap3A_200 : i32 to index
    %swap3A_202 = arith.constant 16 : index
    %swap3A_203 = tpu.vector_load %arg9[%swap3A_201, %swap3A_202] {strides = array<i32>} : memref<8x128xf32, #tpu.memory_space<vmem>>, vector<1x16xf32>,
    %swap3A_204 = vector.shape_cast %swap3A_203 : vector<1x16xf32> to vector<16xf32>
    %swap3A_205 = vector.shape_cast %broadcast_in_dim3A_199 : vector<16xf32> to vector<1x16xf32>
    tpu.vector_store %arg9[%swap3A_201, %swap3A_202], %swap3A_205 {strides = array<i32>} : memref<8x128xf32, #tpu.memory_space<vmem>>, vector<1x16xf32>,
    %broadcast_in_dim3A_206 = arith.constant 0.000000e+00 : f32
    %broadcast_in_dim3A_207 = vector.broadcast %broadcast_in_dim3A_206 : f32 to vector<16xf32>
    %swap3A_208 = arith.constant 3 : i32
    %swap3A_209 = arith.index_cast %swap3A_208 : i32 to index
    %swap3A_210 = arith.constant 32 : index
    %swap3A_211 = tpu.vector_load %arg9[%swap3A_209, %swap3A_210] {strides = array<i32>} : memref<8x128xf32, #tpu.memory_space<vmem>>, vector<1x16xf32>,
    %swap3A_212 = vector.shape_cast %swap3A_211 : vector<1x16xf32> to vector<16xf32>
    %swap3A_213 = vector.shape_cast %broadcast_in_dim3A_207 : vector<16xf32> to vector<1x16xf32>
    tpu.vector_store %arg9[%swap3A_209, %swap3A_210], %swap3A_213 {strides = array<i32>} : memref<8x128xf32, #tpu.memory_space<vmem>>, vector<1x16xf32>,
    %broadcast_in_dim3A_214 = arith.constant 0.000000e+00 : f32
    %broadcast_in_dim3A_215 = vector.broadcast %broadcast_in_dim3A_214 : f32 to vector<16xf32>
    %swap3A_216 = arith.constant 3 : i32
    %swap3A_217 = arith.index_cast %swap3A_216 : i32 to index
    %swap3A_218 = arith.constant 48 : index
    %swap3A_219 = tpu.vector_load %arg9[%swap3A_217, %swap3A_218] {strides = array<i32>} : memref<8x128xf32, #tpu.memory_space<vmem>>, vector<1x16xf32>,
    %swap3A_220 = vector.shape_cast %swap3A_219 : vector<1x16xf32> to vector<16xf32>
    %swap3A_221 = vector.shape_cast %broadcast_in_dim3A_215 : vector<16xf32> to vector<1x16xf32>
    tpu.vector_store %arg9[%swap3A_217, %swap3A_218], %swap3A_221 {strides = array<i32>} : memref<8x128xf32, #tpu.memory_space<vmem>>, vector<1x16xf32>,
    %broadcast_in_dim3A_222 = arith.constant 0.000000e+00 : f32
    %broadcast_in_dim3A_223 = vector.broadcast %broadcast_in_dim3A_222 : f32 to vector<16xf32>
    %swap3A_224 = arith.constant 3 : i32
    %swap3A_225 = arith.index_cast %swap3A_224 : i32 to index
    %swap3A_226 = arith.constant 64 : index
    %swap3A_227 = tpu.vector_load %arg9[%swap3A_225, %swap3A_226] {strides = array<i32>} : memref<8x128xf32, #tpu.memory_space<vmem>>, vector<1x16xf32>,
    %swap3A_228 = vector.shape_cast %swap3A_227 : vector<1x16xf32> to vector<16xf32>
    %swap3A_229 = vector.shape_cast %broadcast_in_dim3A_223 : vector<16xf32> to vector<1x16xf32>
    tpu.vector_store %arg9[%swap3A_225, %swap3A_226], %swap3A_229 {strides = array<i32>} : memref<8x128xf32, #tpu.memory_space<vmem>>, vector<1x16xf32>,
    %broadcast_in_dim3A_230 = arith.constant 0.000000e+00 : f32
    %broadcast_in_dim3A_231 = vector.broadcast %broadcast_in_dim3A_230 : f32 to vector<16xf32>
    %swap3A_232 = arith.constant 3 : i32
    %swap3A_233 = arith.index_cast %swap3A_232 : i32 to index
    %swap3A_234 = arith.constant 80 : index
    %swap3A_235 = tpu.vector_load %arg9[%swap3A_233, %swap3A_234] {strides = array<i32>} : memref<8x128xf32, #tpu.memory_space<vmem>>, vector<1x16xf32>,
    %swap3A_236 = vector.shape_cast %swap3A_235 : vector<1x16xf32> to vector<16xf32>
    %swap3A_237 = vector.shape_cast %broadcast_in_dim3A_231 : vector<16xf32> to vector<1x16xf32>
    tpu.vector_store %arg9[%swap3A_233, %swap3A_234], %swap3A_237 {strides = array<i32>} : memref<8x128xf32, #tpu.memory_space<vmem>>, vector<1x16xf32>,
    %broadcast_in_dim3A_238 = arith.constant 0.000000e+00 : f32
    %broadcast_in_dim3A_239 = vector.broadcast %broadcast_in_dim3A_238 : f32 to vector<16xf32>
    %swap3A_240 = arith.constant 3 : i32
    %swap3A_241 = arith.index_cast %swap3A_240 : i32 to index
    %swap3A_242 = arith.constant 96 : index
    %swap3A_243 = tpu.vector_load %arg9[%swap3A_241, %swap3A_242] {strides = array<i32>} : memref<8x128xf32, #tpu.memory_space<vmem>>, vector<1x16xf32>,
    %swap3A_244 = vector.shape_cast %swap3A_243 : vector<1x16xf32> to vector<16xf32>
    %swap3A_245 = vector.shape_cast %broadcast_in_dim3A_239 : vector<16xf32> to vector<1x16xf32>
    tpu.vector_store %arg9[%swap3A_241, %swap3A_242], %swap3A_245 {strides = array<i32>} : memref<8x128xf32, #tpu.memory_space<vmem>>, vector<1x16xf32>,
    %broadcast_in_dim3A_246 = arith.constant 0.000000e+00 : f32
    %broadcast_in_dim3A_247 = vector.broadcast %broadcast_in_dim3A_246 : f32 to vector<16xf32>
    %swap3A_248 = arith.constant 3 : i32
    %swap3A_249 = arith.index_cast %swap3A_248 : i32 to index
    %swap3A_250 = arith.constant 112 : index
    %swap3A_251 = tpu.vector_load %arg9[%swap3A_249, %swap3A_250] {strides = array<i32>} : memref<8x128xf32, #tpu.memory_space<vmem>>, vector<1x16xf32>,
    %swap3A_252 = vector.shape_cast %swap3A_251 : vector<1x16xf32> to vector<16xf32>
    %swap3A_253 = vector.shape_cast %broadcast_in_dim3A_247 : vector<16xf32> to vector<1x16xf32>
    tpu.vector_store %arg9[%swap3A_249, %swap3A_250], %swap3A_253 {strides = array<i32>} : memref<8x128xf32, #tpu.memory_space<vmem>>, vector<1x16xf32>,
    %broadcast_in_dim3A_254 = arith.constant 0.000000e+00 : f32
    %broadcast_in_dim3A_255 = vector.broadcast %broadcast_in_dim3A_254 : f32 to vector<16xf32>
    %swap3A_256 = arith.constant 4 : i32
    %swap3A_257 = arith.index_cast %swap3A_256 : i32 to index
    %swap3A_258 = arith.constant 0 : index
    %swap3A_259 = tpu.vector_load %arg9[%swap3A_257, %swap3A_258] {strides = array<i32>} : memref<8x128xf32, #tpu.memory_space<vmem>>, vector<1x16xf32>,
    %swap3A_260 = vector.shape_cast %swap3A_259 : vector<1x16xf32> to vector<16xf32>
    %swap3A_261 = vector.shape_cast %broadcast_in_dim3A_255 : vector<16xf32> to vector<1x16xf32>
    tpu.vector_store %arg9[%swap3A_257, %swap3A_258], %swap3A_261 {strides = array<i32>} : memref<8x128xf32, #tpu.memory_space<vmem>>, vector<1x16xf32>,
    %broadcast_in_dim3A_262 = arith.constant 0.000000e+00 : f32
    %broadcast_in_dim3A_263 = vector.broadcast %broadcast_in_dim3A_262 : f32 to vector<16xf32>
    %swap3A_264 = arith.constant 4 : i32
    %swap3A_265 = arith.index_cast %swap3A_264 : i32 to index
    %swap3A_266 = arith.constant 16 : index
    %swap3A_267 = tpu.vector_load %arg9[%swap3A_265, %swap3A_266] {strides = array<i32>} : memref<8x128xf32, #tpu.memory_space<vmem>>, vector<1x16xf32>,
    %swap3A_268 = vector.shape_cast %swap3A_267 : vector<1x16xf32> to vector<16xf32>
    %swap3A_269 = vector.shape_cast %broadcast_in_dim3A_263 : vector<16xf32> to vector<1x16xf32>
    tpu.vector_store %arg9[%swap3A_265, %swap3A_266], %swap3A_269 {strides = array<i32>} : memref<8x128xf32, #tpu.memory_space<vmem>>, vector<1x16xf32>,
    %broadcast_in_dim3A_270 = arith.constant 0.000000e+00 : f32
    %broadcast_in_dim3A_271 = vector.broadcast %broadcast_in_dim3A_270 : f32 to vector<16xf32>
    %swap3A_272 = arith.constant 4 : i32
    %swap3A_273 = arith.index_cast %swap3A_272 : i32 to index
    %swap3A_274 = arith.constant 32 : index
    %swap3A_275 = tpu.vector_load %arg9[%swap3A_273, %swap3A_274] {strides = array<i32>} : memref<8x128xf32, #tpu.memory_space<vmem>>, vector<1x16xf32>,
    %swap3A_276 = vector.shape_cast %swap3A_275 : vector<1x16xf32> to vector<16xf32>
    %swap3A_277 = vector.shape_cast %broadcast_in_dim3A_271 : vector<16xf32> to vector<1x16xf32>
    tpu.vector_store %arg9[%swap3A_273, %swap3A_274], %swap3A_277 {strides = array<i32>} : memref<8x128xf32, #tpu.memory_space<vmem>>, vector<1x16xf32>,
    %broadcast_in_dim3A_278 = arith.constant 0.000000e+00 : f32
    %broadcast_in_dim3A_279 = vector.broadcast %broadcast_in_dim3A_278 : f32 to vector<16xf32>
    %swap3A_280 = arith.constant 4 : i32
    %swap3A_281 = arith.index_cast %swap3A_280 : i32 to index
    %swap3A_282 = arith.constant 48 : index
    %swap3A_283 = tpu.vector_load %arg9[%swap3A_281, %swap3A_282] {strides = array<i32>} : memref<8x128xf32, #tpu.memory_space<vmem>>, vector<1x16xf32>,
    %swap3A_284 = vector.shape_cast %swap3A_283 : vector<1x16xf32> to vector<16xf32>
    %swap3A_285 = vector.shape_cast %broadcast_in_dim3A_279 : vector<16xf32> to vector<1x16xf32>
    tpu.vector_store %arg9[%swap3A_281, %swap3A_282], %swap3A_285 {strides = array<i32>} : memref<8x128xf32, #tpu.memory_space<vmem>>, vector<1x16xf32>,
    %broadcast_in_dim3A_286 = arith.constant 0.000000e+00 : f32
    %broadcast_in_dim3A_287 = vector.broadcast %broadcast_in_dim3A_286 : f32 to vector<16xf32>
    %swap3A_288 = arith.constant 4 : i32
    %swap3A_289 = arith.index_cast %swap3A_288 : i32 to index
    %swap3A_290 = arith.constant 64 : index
    %swap3A_291 = tpu.vector_load %arg9[%swap3A_289, %swap3A_290] {strides = array<i32>} : memref<8x128xf32, #tpu.memory_space<vmem>>, vector<1x16xf32>,
    %swap3A_292 = vector.shape_cast %swap3A_291 : vector<1x16xf32> to vector<16xf32>
    %swap3A_293 = vector.shape_cast %broadcast_in_dim3A_287 : vector<16xf32> to vector<1x16xf32>
    tpu.vector_store %arg9[%swap3A_289, %swap3A_290], %swap3A_293 {strides = array<i32>} : memref<8x128xf32, #tpu.memory_space<vmem>>, vector<1x16xf32>,
    %broadcast_in_dim3A_294 = arith.constant 0.000000e+00 : f32
    %broadcast_in_dim3A_295 = vector.broadcast %broadcast_in_dim3A_294 : f32 to vector<16xf32>
    %swap3A_296 = arith.constant 4 : i32
    %swap3A_297 = arith.index_cast %swap3A_296 : i32 to index
    %swap3A_298 = arith.constant 80 : index
    %swap3A_299 = tpu.vector_load %arg9[%swap3A_297, %swap3A_298] {strides = array<i32>} : memref<8x128xf32, #tpu.memory_space<vmem>>, vector<1x16xf32>,
    %swap3A_300 = vector.shape_cast %swap3A_299 : vector<1x16xf32> to vector<16xf32>
    %swap3A_301 = vector.shape_cast %broadcast_in_dim3A_295 : vector<16xf32> to vector<1x16xf32>
    tpu.vector_store %arg9[%swap3A_297, %swap3A_298], %swap3A_301 {strides = array<i32>} : memref<8x128xf32, #tpu.memory_space<vmem>>, vector<1x16xf32>,
    %broadcast_in_dim3A_302 = arith.constant 0.000000e+00 : f32
    %broadcast_in_dim3A_303 = vector.broadcast %broadcast_in_dim3A_302 : f32 to vector<16xf32>
    %swap3A_304 = arith.constant 4 : i32
    %swap3A_305 = arith.index_cast %swap3A_304 : i32 to index
    %swap3A_306 = arith.constant 96 : index
    %swap3A_307 = tpu.vector_load %arg9[%swap3A_305, %swap3A_306] {strides = array<i32>} : memref<8x128xf32, #tpu.memory_space<vmem>>, vector<1x16xf32>,
    %swap3A_308 = vector.shape_cast %swap3A_307 : vector<1x16xf32> to vector<16xf32>
    %swap3A_309 = vector.shape_cast %broadcast_in_dim3A_303 : vector<16xf32> to vector<1x16xf32>
    tpu.vector_store %arg9[%swap3A_305, %swap3A_306], %swap3A_309 {strides = array<i32>} : memref<8x128xf32, #tpu.memory_space<vmem>>, vector<1x16xf32>,
    %broadcast_in_dim3A_310 = arith.constant 0.000000e+00 : f32
    %broadcast_in_dim3A_311 = vector.broadcast %broadcast_in_dim3A_310 : f32 to vector<16xf32>
    %swap3A_312 = arith.constant 4 : i32
    %swap3A_313 = arith.index_cast %swap3A_312 : i32 to index
    %swap3A_314 = arith.constant 112 : index
    %swap3A_315 = tpu.vector_load %arg9[%swap3A_313, %swap3A_314] {strides = array<i32>} : memref<8x128xf32, #tpu.memory_space<vmem>>, vector<1x16xf32>,
    %swap3A_316 = vector.shape_cast %swap3A_315 : vector<1x16xf32> to vector<16xf32>
    %swap3A_317 = vector.shape_cast %broadcast_in_dim3A_311 : vector<16xf32> to vector<1x16xf32>
    tpu.vector_store %arg9[%swap3A_313, %swap3A_314], %swap3A_317 {strides = array<i32>} : memref<8x128xf32, #tpu.memory_space<vmem>>, vector<1x16xf32>,
    %broadcast_in_dim3A_318 = arith.constant 0.000000e+00 : f32
    %broadcast_in_dim3A_319 = vector.broadcast %broadcast_in_dim3A_318 : f32 to vector<16xf32>
    %swap3A_320 = arith.constant 5 : i32
    %swap3A_321 = arith.index_cast %swap3A_320 : i32 to index
    %swap3A_322 = arith.constant 0 : index
    %swap3A_323 = tpu.vector_load %arg9[%swap3A_321, %swap3A_322] {strides = array<i32>} : memref<8x128xf32, #tpu.memory_space<vmem>>, vector<1x16xf32>,
    %swap3A_324 = vector.shape_cast %swap3A_323 : vector<1x16xf32> to vector<16xf32>
    %swap3A_325 = vector.shape_cast %broadcast_in_dim3A_319 : vector<16xf32> to vector<1x16xf32>
    tpu.vector_store %arg9[%swap3A_321, %swap3A_322], %swap3A_325 {strides = array<i32>} : memref<8x128xf32, #tpu.memory_space<vmem>>, vector<1x16xf32>,
    %broadcast_in_dim3A_326 = arith.constant 0.000000e+00 : f32
    %broadcast_in_dim3A_327 = vector.broadcast %broadcast_in_dim3A_326 : f32 to vector<16xf32>
    %swap3A_328 = arith.constant 5 : i32
    %swap3A_329 = arith.index_cast %swap3A_328 : i32 to index
    %swap3A_330 = arith.constant 16 : index
    %swap3A_331 = tpu.vector_load %arg9[%swap3A_329, %swap3A_330] {strides = array<i32>} : memref<8x128xf32, #tpu.memory_space<vmem>>, vector<1x16xf32>,
    %swap3A_332 = vector.shape_cast %swap3A_331 : vector<1x16xf32> to vector<16xf32>
    %swap3A_333 = vector.shape_cast %broadcast_in_dim3A_327 : vector<16xf32> to vector<1x16xf32>
    tpu.vector_store %arg9[%swap3A_329, %swap3A_330], %swap3A_333 {strides = array<i32>} : memref<8x128xf32, #tpu.memory_space<vmem>>, vector<1x16xf32>,
    %broadcast_in_dim3A_334 = arith.constant 0.000000e+00 : f32
    %broadcast_in_dim3A_335 = vector.broadcast %broadcast_in_dim3A_334 : f32 to vector<16xf32>
    %swap3A_336 = arith.constant 5 : i32
    %swap3A_337 = arith.index_cast %swap3A_336 : i32 to index
    %swap3A_338 = arith.constant 32 : index
    %swap3A_339 = tpu.vector_load %arg9[%swap3A_337, %swap3A_338] {strides = array<i32>} : memref<8x128xf32, #tpu.memory_space<vmem>>, vector<1x16xf32>,
    %swap3A_340 = vector.shape_cast %swap3A_339 : vector<1x16xf32> to vector<16xf32>
    %swap3A_341 = vector.shape_cast %broadcast_in_dim3A_335 : vector<16xf32> to vector<1x16xf32>
    tpu.vector_store %arg9[%swap3A_337, %swap3A_338], %swap3A_341 {strides = array<i32>} : memref<8x128xf32, #tpu.memory_space<vmem>>, vector<1x16xf32>,
    %broadcast_in_dim3A_342 = arith.constant 0.000000e+00 : f32
    %broadcast_in_dim3A_343 = vector.broadcast %broadcast_in_dim3A_342 : f32 to vector<16xf32>
    %swap3A_344 = arith.constant 5 : i32
    %swap3A_345 = arith.index_cast %swap3A_344 : i32 to index
    %swap3A_346 = arith.constant 48 : index
    %swap3A_347 = tpu.vector_load %arg9[%swap3A_345, %swap3A_346] {strides = array<i32>} : memref<8x128xf32, #tpu.memory_space<vmem>>, vector<1x16xf32>,
    %swap3A_348 = vector.shape_cast %swap3A_347 : vector<1x16xf32> to vector<16xf32>
    %swap3A_349 = vector.shape_cast %broadcast_in_dim3A_343 : vector<16xf32> to vector<1x16xf32>
    tpu.vector_store %arg9[%swap3A_345, %swap3A_346], %swap3A_349 {strides = array<i32>} : memref<8x128xf32, #tpu.memory_space<vmem>>, vector<1x16xf32>,
    %broadcast_in_dim3A_350 = arith.constant 0.000000e+00 : f32
    %broadcast_in_dim3A_351 = vector.broadcast %broadcast_in_dim3A_350 : f32 to vector<16xf32>
    %swap3A_352 = arith.constant 5 : i32
    %swap3A_353 = arith.index_cast %swap3A_352 : i32 to index
    %swap3A_354 = arith.constant 64 : index
    %swap3A_355 = tpu.vector_load %arg9[%swap3A_353, %swap3A_354] {strides = array<i32>} : memref<8x128xf32, #tpu.memory_space<vmem>>, vector<1x16xf32>,
    %swap3A_356 = vector.shape_cast %swap3A_355 : vector<1x16xf32> to vector<16xf32>
    %swap3A_357 = vector.shape_cast %broadcast_in_dim3A_351 : vector<16xf32> to vector<1x16xf32>
    tpu.vector_store %arg9[%swap3A_353, %swap3A_354], %swap3A_357 {strides = array<i32>} : memref<8x128xf32, #tpu.memory_space<vmem>>, vector<1x16xf32>,
    %broadcast_in_dim3A_358 = arith.constant 0.000000e+00 : f32
    %broadcast_in_dim3A_359 = vector.broadcast %broadcast_in_dim3A_358 : f32 to vector<16xf32>
    %swap3A_360 = arith.constant 5 : i32
    %swap3A_361 = arith.index_cast %swap3A_360 : i32 to index
    %swap3A_362 = arith.constant 80 : index
    %swap3A_363 = tpu.vector_load %arg9[%swap3A_361, %swap3A_362] {strides = array<i32>} : memref<8x128xf32, #tpu.memory_space<vmem>>, vector<1x16xf32>,
    %swap3A_364 = vector.shape_cast %swap3A_363 : vector<1x16xf32> to vector<16xf32>
    %swap3A_365 = vector.shape_cast %broadcast_in_dim3A_359 : vector<16xf32> to vector<1x16xf32>
    tpu.vector_store %arg9[%swap3A_361, %swap3A_362], %swap3A_365 {strides = array<i32>} : memref<8x128xf32, #tpu.memory_space<vmem>>, vector<1x16xf32>,
    %broadcast_in_dim3A_366 = arith.constant 0.000000e+00 : f32
    %broadcast_in_dim3A_367 = vector.broadcast %broadcast_in_dim3A_366 : f32 to vector<16xf32>
    %swap3A_368 = arith.constant 5 : i32
    %swap3A_369 = arith.index_cast %swap3A_368 : i32 to index
    %swap3A_370 = arith.constant 96 : index
    %swap3A_371 = tpu.vector_load %arg9[%swap3A_369, %swap3A_370] {strides = array<i32>} : memref<8x128xf32, #tpu.memory_space<vmem>>, vector<1x16xf32>,
    %swap3A_372 = vector.shape_cast %swap3A_371 : vector<1x16xf32> to vector<16xf32>
    %swap3A_373 = vector.shape_cast %broadcast_in_dim3A_367 : vector<16xf32> to vector<1x16xf32>
    tpu.vector_store %arg9[%swap3A_369, %swap3A_370], %swap3A_373 {strides = array<i32>} : memref<8x128xf32, #tpu.memory_space<vmem>>, vector<1x16xf32>,
    %broadcast_in_dim3A_374 = arith.constant 0.000000e+00 : f32
    %broadcast_in_dim3A_375 = vector.broadcast %broadcast_in_dim3A_374 : f32 to vector<16xf32>
    %swap3A_376 = arith.constant 5 : i32
    %swap3A_377 = arith.index_cast %swap3A_376 : i32 to index
    %swap3A_378 = arith.constant 112 : index
    %swap3A_379 = tpu.vector_load %arg9[%swap3A_377, %swap3A_378] {strides = array<i32>} : memref<8x128xf32, #tpu.memory_space<vmem>>, vector<1x16xf32>,
    %swap3A_380 = vector.shape_cast %swap3A_379 : vector<1x16xf32> to vector<16xf32>
    %swap3A_381 = vector.shape_cast %broadcast_in_dim3A_375 : vector<16xf32> to vector<1x16xf32>
    tpu.vector_store %arg9[%swap3A_377, %swap3A_378], %swap3A_381 {strides = array<i32>} : memref<8x128xf32, #tpu.memory_space<vmem>>, vector<1x16xf32>,
    %broadcast_in_dim3A_382 = arith.constant 0.000000e+00 : f32
    %broadcast_in_dim3A_383 = vector.broadcast %broadcast_in_dim3A_382 : f32 to vector<16xf32>
    %swap3A_384 = arith.constant 6 : i32
    %swap3A_385 = arith.index_cast %swap3A_384 : i32 to index
    %swap3A_386 = arith.constant 0 : index
    %swap3A_387 = tpu.vector_load %arg9[%swap3A_385, %swap3A_386] {strides = array<i32>} : memref<8x128xf32, #tpu.memory_space<vmem>>, vector<1x16xf32>,
    %swap3A_388 = vector.shape_cast %swap3A_387 : vector<1x16xf32> to vector<16xf32>
    %swap3A_389 = vector.shape_cast %broadcast_in_dim3A_383 : vector<16xf32> to vector<1x16xf32>
    tpu.vector_store %arg9[%swap3A_385, %swap3A_386], %swap3A_389 {strides = array<i32>} : memref<8x128xf32, #tpu.memory_space<vmem>>, vector<1x16xf32>,
    %broadcast_in_dim3A_390 = arith.constant 0.000000e+00 : f32
    %broadcast_in_dim3A_391 = vector.broadcast %broadcast_in_dim3A_390 : f32 to vector<16xf32>
    %swap3A_392 = arith.constant 6 : i32
    %swap3A_393 = arith.index_cast %swap3A_392 : i32 to index
    %swap3A_394 = arith.constant 16 : index
    %swap3A_395 = tpu.vector_load %arg9[%swap3A_393, %swap3A_394] {strides = array<i32>} : memref<8x128xf32, #tpu.memory_space<vmem>>, vector<1x16xf32>,
    %swap3A_396 = vector.shape_cast %swap3A_395 : vector<1x16xf32> to vector<16xf32>
    %swap3A_397 = vector.shape_cast %broadcast_in_dim3A_391 : vector<16xf32> to vector<1x16xf32>
    tpu.vector_store %arg9[%swap3A_393, %swap3A_394], %swap3A_397 {strides = array<i32>} : memref<8x128xf32, #tpu.memory_space<vmem>>, vector<1x16xf32>,
    %broadcast_in_dim3A_398 = arith.constant 0.000000e+00 : f32
    %broadcast_in_dim3A_399 = vector.broadcast %broadcast_in_dim3A_398 : f32 to vector<16xf32>
    %swap3A_400 = arith.constant 6 : i32
    %swap3A_401 = arith.index_cast %swap3A_400 : i32 to index
    %swap3A_402 = arith.constant 32 : index
    %swap3A_403 = tpu.vector_load %arg9[%swap3A_401, %swap3A_402] {strides = array<i32>} : memref<8x128xf32, #tpu.memory_space<vmem>>, vector<1x16xf32>,
    %swap3A_404 = vector.shape_cast %swap3A_403 : vector<1x16xf32> to vector<16xf32>
    %swap3A_405 = vector.shape_cast %broadcast_in_dim3A_399 : vector<16xf32> to vector<1x16xf32>
    tpu.vector_store %arg9[%swap3A_401, %swap3A_402], %swap3A_405 {strides = array<i32>} : memref<8x128xf32, #tpu.memory_space<vmem>>, vector<1x16xf32>,
    %broadcast_in_dim3A_406 = arith.constant 0.000000e+00 : f32
    %broadcast_in_dim3A_407 = vector.broadcast %broadcast_in_dim3A_406 : f32 to vector<16xf32>
    %swap3A_408 = arith.constant 6 : i32
    %swap3A_409 = arith.index_cast %swap3A_408 : i32 to index
    %swap3A_410 = arith.constant 48 : index
    %swap3A_411 = tpu.vector_load %arg9[%swap3A_409, %swap3A_410] {strides = array<i32>} : memref<8x128xf32, #tpu.memory_space<vmem>>, vector<1x16xf32>,
    %swap3A_412 = vector.shape_cast %swap3A_411 : vector<1x16xf32> to vector<16xf32>
    %swap3A_413 = vector.shape_cast %broadcast_in_dim3A_407 : vector<16xf32> to vector<1x16xf32>
    tpu.vector_store %arg9[%swap3A_409, %swap3A_410], %swap3A_413 {strides = array<i32>} : memref<8x128xf32, #tpu.memory_space<vmem>>, vector<1x16xf32>,
    %broadcast_in_dim3A_414 = arith.constant 0.000000e+00 : f32
    %broadcast_in_dim3A_415 = vector.broadcast %broadcast_in_dim3A_414 : f32 to vector<16xf32>
    %swap3A_416 = arith.constant 6 : i32
    %swap3A_417 = arith.index_cast %swap3A_416 : i32 to index
    %swap3A_418 = arith.constant 64 : index
    %swap3A_419 = tpu.vector_load %arg9[%swap3A_417, %swap3A_418] {strides = array<i32>} : memref<8x128xf32, #tpu.memory_space<vmem>>, vector<1x16xf32>,
    %swap3A_420 = vector.shape_cast %swap3A_419 : vector<1x16xf32> to vector<16xf32>
    %swap3A_421 = vector.shape_cast %broadcast_in_dim3A_415 : vector<16xf32> to vector<1x16xf32>
    tpu.vector_store %arg9[%swap3A_417, %swap3A_418], %swap3A_421 {strides = array<i32>} : memref<8x128xf32, #tpu.memory_space<vmem>>, vector<1x16xf32>,
    %broadcast_in_dim3A_422 = arith.constant 0.000000e+00 : f32
    %broadcast_in_dim3A_423 = vector.broadcast %broadcast_in_dim3A_422 : f32 to vector<16xf32>
    %swap3A_424 = arith.constant 6 : i32
    %swap3A_425 = arith.index_cast %swap3A_424 : i32 to index
    %swap3A_426 = arith.constant 80 : index
    %swap3A_427 = tpu.vector_load %arg9[%swap3A_425, %swap3A_426] {strides = array<i32>} : memref<8x128xf32, #tpu.memory_space<vmem>>, vector<1x16xf32>,
    %swap3A_428 = vector.shape_cast %swap3A_427 : vector<1x16xf32> to vector<16xf32>
    %swap3A_429 = vector.shape_cast %broadcast_in_dim3A_423 : vector<16xf32> to vector<1x16xf32>
    tpu.vector_store %arg9[%swap3A_425, %swap3A_426], %swap3A_429 {strides = array<i32>} : memref<8x128xf32, #tpu.memory_space<vmem>>, vector<1x16xf32>,
    %broadcast_in_dim3A_430 = arith.constant 0.000000e+00 : f32
    %broadcast_in_dim3A_431 = vector.broadcast %broadcast_in_dim3A_430 : f32 to vector<16xf32>
    %swap3A_432 = arith.constant 6 : i32
    %swap3A_433 = arith.index_cast %swap3A_432 : i32 to index
    %swap3A_434 = arith.constant 96 : index
    %swap3A_435 = tpu.vector_load %arg9[%swap3A_433, %swap3A_434] {strides = array<i32>} : memref<8x128xf32, #tpu.memory_space<vmem>>, vector<1x16xf32>,
    %swap3A_436 = vector.shape_cast %swap3A_435 : vector<1x16xf32> to vector<16xf32>
    %swap3A_437 = vector.shape_cast %broadcast_in_dim3A_431 : vector<16xf32> to vector<1x16xf32>
    tpu.vector_store %arg9[%swap3A_433, %swap3A_434], %swap3A_437 {strides = array<i32>} : memref<8x128xf32, #tpu.memory_space<vmem>>, vector<1x16xf32>,
    %broadcast_in_dim3A_438 = arith.constant 0.000000e+00 : f32
    %broadcast_in_dim3A_439 = vector.broadcast %broadcast_in_dim3A_438 : f32 to vector<16xf32>
    %swap3A_440 = arith.constant 6 : i32
    %swap3A_441 = arith.index_cast %swap3A_440 : i32 to index
    %swap3A_442 = arith.constant 112 : index
    %swap3A_443 = tpu.vector_load %arg9[%swap3A_441, %swap3A_442] {strides = array<i32>} : memref<8x128xf32, #tpu.memory_space<vmem>>, vector<1x16xf32>,
    %swap3A_444 = vector.shape_cast %swap3A_443 : vector<1x16xf32> to vector<16xf32>
    %swap3A_445 = vector.shape_cast %broadcast_in_dim3A_439 : vector<16xf32> to vector<1x16xf32>
    tpu.vector_store %arg9[%swap3A_441, %swap3A_442], %swap3A_445 {strides = array<i32>} : memref<8x128xf32, #tpu.memory_space<vmem>>, vector<1x16xf32>,
    %broadcast_in_dim3A_446 = arith.constant 0.000000e+00 : f32
    %broadcast_in_dim3A_447 = vector.broadcast %broadcast_in_dim3A_446 : f32 to vector<16xf32>
    %swap3A_448 = arith.constant 7 : i32
    %swap3A_449 = arith.index_cast %swap3A_448 : i32 to index
    %swap3A_450 = arith.constant 0 : index
    %swap3A_451 = tpu.vector_load %arg9[%swap3A_449, %swap3A_450] {strides = array<i32>} : memref<8x128xf32, #tpu.memory_space<vmem>>, vector<1x16xf32>,
    %swap3A_452 = vector.shape_cast %swap3A_451 : vector<1x16xf32> to vector<16xf32>
    %swap3A_453 = vector.shape_cast %broadcast_in_dim3A_447 : vector<16xf32> to vector<1x16xf32>
    tpu.vector_store %arg9[%swap3A_449, %swap3A_450], %swap3A_453 {strides = array<i32>} : memref<8x128xf32, #tpu.memory_space<vmem>>, vector<1x16xf32>,
    %broadcast_in_dim3A_454 = arith.constant 0.000000e+00 : f32
    %broadcast_in_dim3A_455 = vector.broadcast %broadcast_in_dim3A_454 : f32 to vector<16xf32>
    %swap3A_456 = arith.constant 7 : i32
    %swap3A_457 = arith.index_cast %swap3A_456 : i32 to index
    %swap3A_458 = arith.constant 16 : index
    %swap3A_459 = tpu.vector_load %arg9[%swap3A_457, %swap3A_458] {strides = array<i32>} : memref<8x128xf32, #tpu.memory_space<vmem>>, vector<1x16xf32>,
    %swap3A_460 = vector.shape_cast %swap3A_459 : vector<1x16xf32> to vector<16xf32>
    %swap3A_461 = vector.shape_cast %broadcast_in_dim3A_455 : vector<16xf32> to vector<1x16xf32>
    tpu.vector_store %arg9[%swap3A_457, %swap3A_458], %swap3A_461 {strides = array<i32>} : memref<8x128xf32, #tpu.memory_space<vmem>>, vector<1x16xf32>,
    %broadcast_in_dim3A_462 = arith.constant 0.000000e+00 : f32
    %broadcast_in_dim3A_463 = vector.broadcast %broadcast_in_dim3A_462 : f32 to vector<16xf32>
    %swap3A_464 = arith.constant 7 : i32
    %swap3A_465 = arith.index_cast %swap3A_464 : i32 to index
    %swap3A_466 = arith.constant 32 : index
    %swap3A_467 = tpu.vector_load %arg9[%swap3A_465, %swap3A_466] {strides = array<i32>} : memref<8x128xf32, #tpu.memory_space<vmem>>, vector<1x16xf32>,
    %swap3A_468 = vector.shape_cast %swap3A_467 : vector<1x16xf32> to vector<16xf32>
    %swap3A_469 = vector.shape_cast %broadcast_in_dim3A_463 : vector<16xf32> to vector<1x16xf32>
    tpu.vector_store %arg9[%swap3A_465, %swap3A_466], %swap3A_469 {strides = array<i32>} : memref<8x128xf32, #tpu.memory_space<vmem>>, vector<1x16xf32>,
    %broadcast_in_dim3A_470 = arith.constant 0.000000e+00 : f32
    %broadcast_in_dim3A_471 = vector.broadcast %broadcast_in_dim3A_470 : f32 to vector<16xf32>
    %swap3A_472 = arith.constant 7 : i32
    %swap3A_473 = arith.index_cast %swap3A_472 : i32 to index
    %swap3A_474 = arith.constant 48 : index
    %swap3A_475 = tpu.vector_load %arg9[%swap3A_473, %swap3A_474] {strides = array<i32>} : memref<8x128xf32, #tpu.memory_space<vmem>>, vector<1x16xf32>,
    %swap3A_476 = vector.shape_cast %swap3A_475 : vector<1x16xf32> to vector<16xf32>
    %swap3A_477 = vector.shape_cast %broadcast_in_dim3A_471 : vector<16xf32> to vector<1x16xf32>
    tpu.vector_store %arg9[%swap3A_473, %swap3A_474], %swap3A_477 {strides = array<i32>} : memref<8x128xf32, #tpu.memory_space<vmem>>, vector<1x16xf32>,
    %broadcast_in_dim3A_478 = arith.constant 0.000000e+00 : f32
    %broadcast_in_dim3A_479 = vector.broadcast %broadcast_in_dim3A_478 : f32 to vector<16xf32>
    %swap3A_480 = arith.constant 7 : i32
    %swap3A_481 = arith.index_cast %swap3A_480 : i32 to index
    %swap3A_482 = arith.constant 64 : index
    %swap3A_483 = tpu.vector_load %arg9[%swap3A_481, %swap3A_482] {strides = array<i32>} : memref<8x128xf32, #tpu.memory_space<vmem>>, vector<1x16xf32>,
    %swap3A_484 = vector.shape_cast %swap3A_483 : vector<1x16xf32> to vector<16xf32>
    %swap3A_485 = vector.shape_cast %broadcast_in_dim3A_479 : vector<16xf32> to vector<1x16xf32>
    tpu.vector_store %arg9[%swap3A_481, %swap3A_482], %swap3A_485 {strides = array<i32>} : memref<8x128xf32, #tpu.memory_space<vmem>>, vector<1x16xf32>,
    %broadcast_in_dim3A_486 = arith.constant 0.000000e+00 : f32
    %broadcast_in_dim3A_487 = vector.broadcast %broadcast_in_dim3A_486 : f32 to vector<16xf32>
    %swap3A_488 = arith.constant 7 : i32
    %swap3A_489 = arith.index_cast %swap3A_488 : i32 to index
    %swap3A_490 = arith.constant 80 : index
    %swap3A_491 = tpu.vector_load %arg9[%swap3A_489, %swap3A_490] {strides = array<i32>} : memref<8x128xf32, #tpu.memory_space<vmem>>, vector<1x16xf32>,
    %swap3A_492 = vector.shape_cast %swap3A_491 : vector<1x16xf32> to vector<16xf32>
    %swap3A_493 = vector.shape_cast %broadcast_in_dim3A_487 : vector<16xf32> to vector<1x16xf32>
    tpu.vector_store %arg9[%swap3A_489, %swap3A_490], %swap3A_493 {strides = array<i32>} : memref<8x128xf32, #tpu.memory_space<vmem>>, vector<1x16xf32>,
    %broadcast_in_dim3A_494 = arith.constant 0.000000e+00 : f32
    %broadcast_in_dim3A_495 = vector.broadcast %broadcast_in_dim3A_494 : f32 to vector<16xf32>
    %swap3A_496 = arith.constant 7 : i32
    %swap3A_497 = arith.index_cast %swap3A_496 : i32 to index
    %swap3A_498 = arith.constant 96 : index
    %swap3A_499 = tpu.vector_load %arg9[%swap3A_497, %swap3A_498] {strides = array<i32>} : memref<8x128xf32, #tpu.memory_space<vmem>>, vector<1x16xf32>,
    %swap3A_500 = vector.shape_cast %swap3A_499 : vector<1x16xf32> to vector<16xf32>
    %swap3A_501 = vector.shape_cast %broadcast_in_dim3A_495 : vector<16xf32> to vector<1x16xf32>
    tpu.vector_store %arg9[%swap3A_497, %swap3A_498], %swap3A_501 {strides = array<i32>} : memref<8x128xf32, #tpu.memory_space<vmem>>, vector<1x16xf32>,
    %broadcast_in_dim3A_502 = arith.constant 0.000000e+00 : f32
    %broadcast_in_dim3A_503 = vector.broadcast %broadcast_in_dim3A_502 : f32 to vector<16xf32>
    %swap3A_504 = arith.constant 7 : i32
    %swap3A_505 = arith.index_cast %swap3A_504 : i32 to index
    %swap3A_506 = arith.constant 112 : index
    %swap3A_507 = tpu.vector_load %arg9[%swap3A_505, %swap3A_506] {strides = array<i32>} : memref<8x128xf32, #tpu.memory_space<vmem>>, vector<1x16xf32>,
    %swap3A_508 = vector.shape_cast %swap3A_507 : vector<1x16xf32> to vector<16xf32>
    %swap3A_509 = vector.shape_cast %broadcast_in_dim3A_503 : vector<16xf32> to vector<1x16xf32>
    tpu.vector_store %arg9[%swap3A_505, %swap3A_506], %swap3A_509 {strides = array<i32>} : memref<8x128xf32, #tpu.memory_space<vmem>>, vector<1x16xf32>,
    %scan3A = arith.constant 0 : i32
    %scan3A_510 = arith.constant 0 : i32
    %scan3A_511 = arith.constant 79 : i32
    %scan3A_512 = arith.addi %scan3A_510, %scan3A_511 : i32
    %scan3A_513 = arith.constant 1 : i32
    scf.for %scan3A_529 = %scan3A_510 to %scan3A_512 step %scan3A_513  : i32 {
      %mul3A_530 = arith.constant 632 : i32
      %mul3A_531 = arith.muli %arg1, %mul3A_530 : i32
      %mul3A_532 = arith.constant 8 : i32
      %mul3A_533 = arith.muli %scan3A_529, %mul3A_532 : i32
      %add3A_534 = arith.addi %mul3A_531, %mul3A_533 : i32
      "tpu.region"() ({
        %run_scoped3A = tpu.sem_alloc : memref<!tpu.dma_semaphore, #tpu.memory_space<semaphore_mem>>
        %dma_start3A = arith.constant 0 : i32
        %dma_start3A_535 = tpu.memref_slice %arg10[%add3A_534, %dma_start3A] : memref<10112x128xf32, #tpu.memory_space<vmem_shared>> -> memref<8x128xf32, #tpu.memory_space<vmem_shared>>
        %dma_start3A_536 = arith.constant 0 : i32
        %dma_start3A_537 = tpu.memref_slice %arg10[%add3A_534, %dma_start3A_536] : memref<10112x128xf32, #tpu.memory_space<vmem_shared>> -> memref<8x128xf32, #tpu.memory_space<vmem_shared>>
        tpu.enqueue_dma source(%arg9 : memref<8x128xf32, #tpu.memory_space<vmem>>) target(%dma_start3A_537 : memref<8x128xf32, #tpu.memory_space<vmem_shared>>) target_semaphore(%run_scoped3A : memref<!tpu.dma_semaphore, #tpu.memory_space<semaphore_mem>>)
        %dma_wait3A = arith.constant 0 : i32
        %dma_wait3A_538 = tpu.memref_slice %arg10[%add3A_534, %dma_wait3A] : memref<10112x128xf32, #tpu.memory_space<vmem_shared>> -> memref<8x128xf32, #tpu.memory_space<vmem_shared>>
        %dma_wait3A_539 = arith.constant 0 : i32
        %dma_wait3A_540 = tpu.memref_slice %arg10[%add3A_534, %dma_wait3A_539] : memref<10112x128xf32, #tpu.memory_space<vmem_shared>> -> memref<8x128xf32, #tpu.memory_space<vmem_shared>>
        tpu.wait_dma2 semaphore(%run_scoped3A : memref<!tpu.dma_semaphore, #tpu.memory_space<semaphore_mem>>) src(%arg9 : memref<8x128xf32, #tpu.memory_space<vmem>>) dst(%dma_wait3A_540 : memref<8x128xf32, #tpu.memory_space<vmem_shared>>)
        tpu.yield
      }) : () -> ()
    }
    %scan3A_514 = arith.constant 79 : i32
    %barrier3A = arith.constant 0 : index
    tpu.barrier barrier_id(%barrier3A)
    %mul3A = arith.constant 16 : i32
    %mul3A_515 = arith.muli %arg0, %mul3A : i32
    %add3A = arith.addi %mul3A_515, %arg1 : i32
    %mul3A_516 = arith.constant 10000 : i32
    %mul3A_517 = arith.muli %add3A, %mul3A_516 : i32
    %scan3A_518 = arith.constant 0 : i32
    %scan3A_519 = arith.constant 0 : i32
    %scan3A_520 = arith.constant 125 : i32
    %scan3A_521 = arith.addi %scan3A_519, %scan3A_520 : i32
    %scan3A_522 = arith.constant 1 : i32
    scf.for %scan3A_529 = %scan3A_519 to %scan3A_521 step %scan3A_522  : i32 {
      %mul3A_530 = arith.constant 80 : i32
      %mul3A_531 = arith.muli %scan3A_529, %mul3A_530 : i32
      %add3A_532 = arith.addi %mul3A_517, %mul3A_531 : i32
      "tpu.region"() ({
        %run_scoped3A = tpu.sem_alloc : memref<!tpu.dma_semaphore, #tpu.memory_space<semaphore_mem>>
        %dma_start3A_537 = tpu.memref_slice %arg3[%add3A_532] : memref<320000xi32, #tpu.memory_space<hbm>> -> memref<80xi32, #tpu.memory_space<hbm>>
        %dma_start3A_538 = tpu.memref_slice %arg3[%add3A_532] : memref<320000xi32, #tpu.memory_space<hbm>> -> memref<80xi32, #tpu.memory_space<hbm>>
        tpu.enqueue_dma source(%dma_start3A_538 : memref<80xi32, #tpu.memory_space<hbm>>) target(%arg6 : memref<80xi32, #tpu.memory_space<vmem>>) target_semaphore(%run_scoped3A : memref<!tpu.dma_semaphore, #tpu.memory_space<semaphore_mem>>)
        %dma_wait3A_539 = tpu.memref_slice %arg3[%add3A_532] : memref<320000xi32, #tpu.memory_space<hbm>> -> memref<80xi32, #tpu.memory_space<hbm>>
        %dma_wait3A_540 = tpu.memref_slice %arg3[%add3A_532] : memref<320000xi32, #tpu.memory_space<hbm>> -> memref<80xi32, #tpu.memory_space<hbm>>
        tpu.wait_dma2 semaphore(%run_scoped3A : memref<!tpu.dma_semaphore, #tpu.memory_space<semaphore_mem>>) src(%dma_wait3A_540 : memref<80xi32, #tpu.memory_space<hbm>>) dst(%arg6 : memref<80xi32, #tpu.memory_space<vmem>>)
        tpu.yield
      }) : () -> ()
      "tpu.region"() ({
        %run_scoped3A = tpu.sem_alloc : memref<!tpu.dma_semaphore, #tpu.memory_space<semaphore_mem>>
        %dma_start3A_537 = tpu.memref_slice %arg4[%add3A_532] : memref<320000xi32, #tpu.memory_space<hbm>> -> memref<80xi32, #tpu.memory_space<hbm>>
        %dma_start3A_538 = tpu.memref_slice %arg4[%add3A_532] : memref<320000xi32, #tpu.memory_space<hbm>> -> memref<80xi32, #tpu.memory_space<hbm>>
        tpu.enqueue_dma source(%dma_start3A_538 : memref<80xi32, #tpu.memory_space<hbm>>) target(%arg7 : memref<80xi32, #tpu.memory_space<vmem>>) target_semaphore(%run_scoped3A : memref<!tpu.dma_semaphore, #tpu.memory_space<semaphore_mem>>)
        %dma_wait3A_539 = tpu.memref_slice %arg4[%add3A_532] : memref<320000xi32, #tpu.memory_space<hbm>> -> memref<80xi32, #tpu.memory_space<hbm>>
        %dma_wait3A_540 = tpu.memref_slice %arg4[%add3A_532] : memref<320000xi32, #tpu.memory_space<hbm>> -> memref<80xi32, #tpu.memory_space<hbm>>
        tpu.wait_dma2 semaphore(%run_scoped3A : memref<!tpu.dma_semaphore, #tpu.memory_space<semaphore_mem>>) src(%dma_wait3A_540 : memref<80xi32, #tpu.memory_space<hbm>>) dst(%arg7 : memref<80xi32, #tpu.memory_space<vmem>>)
        tpu.yield
      }) : () -> ()
      %dma_start3A = arith.constant 0 : i32
      %dma_start3A_533 = arith.constant 0 : i32
      %dma_start3A_534 = tpu.memref_slice %arg2[%dma_start3A, %dma_start3A_533] : memref<10000x128xf32, #tpu.memory_space<hbm>> -> memref<10000x128xf32, #tpu.memory_space<hbm>>
      tpu.enqueue_indirect_dma source(%dma_start3A_534 : memref<10000x128xf32, #tpu.memory_space<hbm>>) target(%arg8 : memref<80x128xf32, #tpu.memory_space<vmem>>) offsets(%arg6 : memref<80xi32, #tpu.memory_space<vmem>>) semaphore(%arg11 : memref<!tpu.dma_semaphore, #tpu.memory_space<semaphore_mem>>)
      %dma_wait3A = arith.constant 0 : i32
      %dma_wait3A_535 = arith.constant 0 : i32
      %dma_wait3A_536 = tpu.memref_slice %arg2[%dma_wait3A, %dma_wait3A_535] : memref<10000x128xf32, #tpu.memory_space<hbm>> -> memref<10000x128xf32, #tpu.memory_space<hbm>>
      tpu.wait_indirect_dma semaphore(%arg11 : memref<!tpu.dma_semaphore, #tpu.memory_space<semaphore_mem>>) src(%dma_wait3A_536 : memref<10000x128xf32, #tpu.memory_space<hbm>>) dst(%arg8 : memref<80x128xf32, #tpu.memory_space<vmem>>)
      "tpu.region"() ({
        %run_scoped3A = tpu.sem_alloc : memref<!tpu.dma_semaphore, #tpu.memory_space<semaphore_mem>>
        %dma_start3A_537 = arith.constant 0 : i32
        %dma_start3A_538 = arith.constant 0 : i32
        %dma_start3A_539 = tpu.memref_slice %arg10[%dma_start3A_537, %dma_start3A_538] : memref<10112x128xf32, #tpu.memory_space<vmem_shared>> -> memref<10112x128xf32, #tpu.memory_space<vmem_shared>>
        tpu.enqueue_indirect_dma source(%arg8 : memref<80x128xf32, #tpu.memory_space<vmem>>) target(%dma_start3A_539 : memref<10112x128xf32, #tpu.memory_space<vmem_shared>>) offsets(%arg7 : memref<80xi32, #tpu.memory_space<vmem>>) semaphore(%run_scoped3A : memref<!tpu.dma_semaphore, #tpu.memory_space<semaphore_mem>>) {add = true}
        %dma_wait3A_540 = arith.constant 0 : i32
        %dma_wait3A_541 = arith.constant 0 : i32
        %dma_wait3A_542 = tpu.memref_slice %arg10[%dma_wait3A_540, %dma_wait3A_541] : memref<10112x128xf32, #tpu.memory_space<vmem_shared>> -> memref<10112x128xf32, #tpu.memory_space<vmem_shared>>
        tpu.wait_indirect_dma semaphore(%run_scoped3A : memref<!tpu.dma_semaphore, #tpu.memory_space<semaphore_mem>>) src(%arg8 : memref<80x128xf32, #tpu.memory_space<vmem>>) dst(%dma_wait3A_542 : memref<10112x128xf32, #tpu.memory_space<vmem_shared>>)
        tpu.yield
      }) : () -> ()
    }
    %scan3A_523 = arith.constant 125 : i32
    %barrier3A_524 = arith.constant 0 : index
    tpu.barrier barrier_id(%barrier3A_524)
    %mul3A_525 = arith.constant 632 : i32
    %mul3A_526 = arith.muli %arg1, %mul3A_525 : i32
    %mul3A_527 = arith.constant 632 : i32
    %mul3A_528 = arith.muli %arg1, %mul3A_527 : i32
    "tpu.region"() ({
      %run_scoped3A = tpu.sem_alloc : memref<!tpu.dma_semaphore, #tpu.memory_space<semaphore_mem>>
      %dma_start3A = arith.constant 0 : i32
      %dma_start3A_529 = tpu.memref_slice %arg5[%arg0, %mul3A_528, %dma_start3A] : memref<2x10112x128xf32, #tpu.memory_space<hbm>> -> memref<1x632x128xf32, #tpu.memory_space<hbm>>
      %dma_start3A_530 = tpu.memref_squeeze %dma_start3A_529 : memref<1x632x128xf32, #tpu.memory_space<hbm>> -> memref<632x128xf32, #tpu.memory_space<hbm>>
      %dma_start3A_531 = arith.constant 0 : i32
      %dma_start3A_532 = tpu.memref_slice %arg10[%mul3A_526, %dma_start3A_531] : memref<10112x128xf32, #tpu.memory_space<vmem_shared>> -> memref<632x128xf32, #tpu.memory_space<vmem_shared>>
      tpu.enqueue_dma source(%dma_start3A_532 : memref<632x128xf32, #tpu.memory_space<vmem_shared>>) target(%dma_start3A_530 : memref<632x128xf32, #tpu.memory_space<hbm>>) target_semaphore(%run_scoped3A : memref<!tpu.dma_semaphore, #tpu.memory_space<semaphore_mem>>)
      %dma_wait3A = arith.constant 0 : i32
      %dma_wait3A_533 = tpu.memref_slice %arg5[%arg0, %mul3A_528, %dma_wait3A] : memref<2x10112x128xf32, #tpu.memory_space<hbm>> -> memref<1x632x128xf32, #tpu.memory_space<hbm>>
      %dma_wait3A_534 = tpu.memref_squeeze %dma_wait3A_533 : memref<1x632x128xf32, #tpu.memory_space<hbm>> -> memref<632x128xf32, #tpu.memory_space<hbm>>
      %dma_wait3A_535 = arith.constant 0 : i32
      %dma_wait3A_536 = tpu.memref_slice %arg10[%mul3A_526, %dma_wait3A_535] : memref<10112x128xf32, #tpu.memory_space<vmem_shared>> -> memref<632x128xf32, #tpu.memory_space<vmem_shared>>
      tpu.wait_dma2 semaphore(%run_scoped3A : memref<!tpu.dma_semaphore, #tpu.memory_space<semaphore_mem>>) src(%dma_wait3A_536 : memref<632x128xf32, #tpu.memory_space<vmem_shared>>) dst(%dma_wait3A_534 : memref<632x128xf32, #tpu.memory_space<hbm>>)
      tpu.yield
    }) : () -> ()
    return
  }
}

module attributes {stable_mosaic.version = 14 : i64} {
  func.func @_mm_gin_body(%arg0: i32, %arg1: memref<1000x128xf32, #tpu.memory_space<vmem>>, %arg2: memref<2x1000x128xf32, #tpu.memory_space<vmem>>, %arg3: memref<1x1xf32, #tpu.memory_space<smem>>, %arg4: memref<128x256xf32, #tpu.memory_space<vmem>>, %arg5: memref<1x256xf32, #tpu.memory_space<vmem>>, %arg6: memref<1000x256xf32, #tpu.memory_space<vmem>>, %arg7: memref<2x256xf32, #tpu.memory_space<vmem>>, %arg8: memref<2x256xf32, #tpu.memory_space<vmem>>) attributes {dimension_semantics = [#tpu.dimension_semantics<arbitrary>], iteration_bounds = array<i64: 10>, scalar_prefetch = 0 : i64, scratch_operands = 1 : i64, tpu.core_type = #tpu.core_type<tc>, window_params = [{transform_indices = @transform_0, window_bounds = array<i64: 1000, 128>}, {transform_indices = @transform_1, window_bounds = array<i64: 2, 1000, 128>}, {transform_indices = @transform_2, window_bounds = array<i64: 1, 1>}, {pipeline_mode = #tpu.pipeline_mode<synchronous>, transform_indices = @transform_3, window_bounds = array<i64: 128, 256>}, {pipeline_mode = #tpu.pipeline_mode<synchronous>, transform_indices = @transform_4, window_bounds = array<i64: 1, 256>}, {transform_indices = @transform_5, window_bounds = array<i64: 1000, 256>}, {pipeline_mode = #tpu.pipeline_mode<synchronous>, transform_indices = @transform_6, window_bounds = array<i64: 2, 256>}]} {
    %get3A = arith.constant 0 : index
    %get3A_0 = arith.constant 0 : index
    %get3A_1 = arith.constant 0 : index
    %get3A_2 = vector.load %arg2[%get3A, %get3A_0, %get3A_1] : memref<2x1000x128xf32, #tpu.memory_space<vmem>>, vector<2x1000x128xf32>
    %get3A_3 = arith.constant 0 : index
    %get3A_4 = arith.constant 0 : index
    %get3A_5 = memref.load %arg3[%get3A_3, %get3A_4] : memref<1x1xf32, #tpu.memory_space<smem>>
    %add3A = arith.constant 1.000000e+00 : f32
    %add3A_6 = arith.addf %add3A, %get3A_5 : f32
    %get3A_7 = arith.constant 0 : index
    %get3A_8 = arith.constant 0 : index
    %get3A_9 = vector.load %arg1[%get3A_7, %get3A_8] : memref<1000x128xf32, #tpu.memory_space<vmem>>, vector<1000x128xf32>
    %mul3A = vector.broadcast %add3A_6 : f32 to vector<1000x128xf32>
    %mul3A_10 = arith.mulf %mul3A, %get3A_9 : vector<1000x128xf32>
    %slice3A = vector.extract_strided_slice %get3A_2 {offsets = [0, 0, 0], sizes = [1, 1000, 128], strides = [1, 1, 1]} : vector<2x1000x128xf32> to vector<1x1000x128xf32>
    %squeeze3A = vector.shape_cast %slice3A : vector<1x1000x128xf32> to vector<1000x128xf32>
    %add3A_11 = arith.addf %mul3A_10, %squeeze3A : vector<1000x128xf32>
    %slice3A_12 = vector.extract_strided_slice %get3A_2 {offsets = [1, 0, 0], sizes = [1, 1000, 128], strides = [1, 1, 1]} : vector<2x1000x128xf32> to vector<1x1000x128xf32>
    %squeeze3A_13 = vector.shape_cast %slice3A_12 : vector<1x1000x128xf32> to vector<1000x128xf32>
    %add3A_14 = arith.addf %add3A_11, %squeeze3A_13 : vector<1000x128xf32>
    %get3A_15 = arith.constant 0 : index
    %get3A_16 = arith.constant 0 : index
    %get3A_17 = vector.load %arg4[%get3A_15, %get3A_16] : memref<128x256xf32, #tpu.memory_space<vmem>>, vector<128x256xf32>
    %dot_general3A = arith.constant dense<0.000000e+00> : vector<1000x256xf32>
    %dot_general3A_18 = tpu.matmul %add3A_14, %get3A_17, %dot_general3A {dimension_numbers = #tpu.dot_dimension_numbers<[1], [0], [0], [1], [0, 0, 1, 1], [], []>, transpose_lhs_hint = false} : vector<1000x128xf32>, vector<128x256xf32>, vector<1000x256xf32> -> vector<1000x256xf32>
    %get3A_19 = arith.constant 0 : index
    %get3A_20 = arith.constant 0 : index
    %get3A_21 = vector.load %arg5[%get3A_19, %get3A_20] : memref<1x256xf32, #tpu.memory_space<vmem>>, vector<1x256xf32>
    %add3A_22 = vector.broadcast %get3A_21 : vector<1x256xf32> to vector<1000x256xf32>
    %add3A_23 = arith.addf %dot_general3A_18, %add3A_22 : vector<1000x256xf32>
    %swap3A = arith.constant 0 : index
    %swap3A_24 = arith.constant 0 : index
    %swap3A_25 = vector.load %arg6[%swap3A, %swap3A_24] : memref<1000x256xf32, #tpu.memory_space<vmem>>, vector<1000x256xf32>
    tpu.vector_store %arg6[%swap3A, %swap3A_24], %add3A_23 {strides = array<i32>} : memref<1000x256xf32, #tpu.memory_space<vmem>>, vector<1000x256xf32>,
    %reduce_sum3A = arith.constant dense<0.000000e+00> : vector<256xf32>
    %reduce_sum3A_26 = vector.multi_reduction <add>, %add3A_23, %reduce_sum3A [0] : vector<1000x256xf32> to vector<256xf32>
    %broadcast_in_dim3A = vector.shape_cast %reduce_sum3A_26 : vector<256xf32> to vector<1x256xf32>
    %mul3A_27 = arith.mulf %add3A_23, %add3A_23 : vector<1000x256xf32>
    %reduce_sum3A_28 = arith.constant dense<0.000000e+00> : vector<256xf32>
    %reduce_sum3A_29 = vector.multi_reduction <add>, %mul3A_27, %reduce_sum3A_28 [0] : vector<1000x256xf32> to vector<256xf32>
    %broadcast_in_dim3A_30 = vector.shape_cast %reduce_sum3A_29 : vector<256xf32> to vector<1x256xf32>
    %concatenate3A = tpu.concatenate %broadcast_in_dim3A, %broadcast_in_dim3A_30 in 0 : vector<1x256xf32>, vector<1x256xf32> -> vector<2x256xf32>
    %eq3A = arith.constant 0 : i32
    %eq3A_31 = arith.cmpi eq, %arg0, %eq3A : i32
    %convert_element_type3A = arith.extui %eq3A_31 : i1 to i32
    %cond3A = arith.constant 0 : i32
    %cond3A_32 = arith.cmpi ne, %convert_element_type3A, %cond3A : i32
    scf.if %cond3A_32 {
      %broadcast_in_dim3A_45 = arith.constant 0.000000e+00 : f32
      %broadcast_in_dim3A_46 = vector.broadcast %broadcast_in_dim3A_45 : f32 to vector<2x256xf32>
      %swap3A_47 = arith.constant 0 : index
      %swap3A_48 = arith.constant 0 : index
      %swap3A_49 = vector.load %arg8[%swap3A_47, %swap3A_48] : memref<2x256xf32, #tpu.memory_space<vmem>>, vector<2x256xf32>
      tpu.vector_store %arg8[%swap3A_47, %swap3A_48], %broadcast_in_dim3A_46 {strides = array<i32>} : memref<2x256xf32, #tpu.memory_space<vmem>>, vector<2x256xf32>,
    } else {
    }
    %get3A_33 = arith.constant 0 : index
    %get3A_34 = arith.constant 0 : index
    %get3A_35 = vector.load %arg8[%get3A_33, %get3A_34] : memref<2x256xf32, #tpu.memory_space<vmem>>, vector<2x256xf32>
    %add3A_36 = arith.addf %get3A_35, %concatenate3A : vector<2x256xf32>
    %swap3A_37 = arith.constant 0 : index
    %swap3A_38 = arith.constant 0 : index
    %swap3A_39 = vector.load %arg8[%swap3A_37, %swap3A_38] : memref<2x256xf32, #tpu.memory_space<vmem>>, vector<2x256xf32>
    tpu.vector_store %arg8[%swap3A_37, %swap3A_38], %add3A_36 {strides = array<i32>} : memref<2x256xf32, #tpu.memory_space<vmem>>, vector<2x256xf32>,
    %eq3A_40 = arith.constant 9 : i32
    %eq3A_41 = arith.cmpi eq, %arg0, %eq3A_40 : i32
    %convert_element_type3A_42 = arith.extui %eq3A_41 : i1 to i32
    %cond3A_43 = arith.constant 0 : i32
    %cond3A_44 = arith.cmpi ne, %convert_element_type3A_42, %cond3A_43 : i32
    scf.if %cond3A_44 {
      %get3A_45 = arith.constant 0 : index
      %get3A_46 = arith.constant 0 : index
      %get3A_47 = vector.load %arg8[%get3A_45, %get3A_46] : memref<2x256xf32, #tpu.memory_space<vmem>>, vector<2x256xf32>
      %swap3A_48 = arith.constant 0 : index
      %swap3A_49 = arith.constant 0 : index
      %swap3A_50 = vector.load %arg7[%swap3A_48, %swap3A_49] : memref<2x256xf32, #tpu.memory_space<vmem>>, vector<2x256xf32>
      tpu.vector_store %arg7[%swap3A_48, %swap3A_49], %get3A_47 {strides = array<i32>} : memref<2x256xf32, #tpu.memory_space<vmem>>, vector<2x256xf32>,
    } else {
    }
    return
  }
  func.func @transform_0(%arg0: i32) -> (i32, i32) {
    %c0_i32 = arith.constant 0 : i32
    %c0_i32_0 = arith.constant 0 : i32
    return %arg0, %c0_i32 : i32, i32
  }
  func.func @transform_1(%arg0: i32) -> (i32, i32, i32) {
    %c0_i32 = arith.constant 0 : i32
    %c0_i32_0 = arith.constant 0 : i32
    %c0_i32_1 = arith.constant 0 : i32
    return %c0_i32, %arg0, %c0_i32_0 : i32, i32, i32
  }
  func.func @transform_2(%arg0: i32) -> (i32, i32) {
    %c0_i32 = arith.constant 0 : i32
    %c0_i32_0 = arith.constant 0 : i32
    %c0_i32_1 = arith.constant 0 : i32
    return %c0_i32, %c0_i32_0 : i32, i32
  }
  func.func @transform_3(%arg0: i32) -> (i32, i32) {
    %c0_i32 = arith.constant 0 : i32
    %c0_i32_0 = arith.constant 0 : i32
    %c0_i32_1 = arith.constant 0 : i32
    return %c0_i32, %c0_i32_0 : i32, i32
  }
  func.func @transform_4(%arg0: i32) -> (i32, i32) {
    %c0_i32 = arith.constant 0 : i32
    %c0_i32_0 = arith.constant 0 : i32
    %c0_i32_1 = arith.constant 0 : i32
    return %c0_i32, %c0_i32_0 : i32, i32
  }
  func.func @transform_5(%arg0: i32) -> (i32, i32) {
    %c0_i32 = arith.constant 0 : i32
    %c0_i32_0 = arith.constant 0 : i32
    return %arg0, %c0_i32 : i32, i32
  }
  func.func @transform_6(%arg0: i32) -> (i32, i32) {
    %c0_i32 = arith.constant 0 : i32
    %c0_i32_0 = arith.constant 0 : i32
    %c0_i32_1 = arith.constant 0 : i32
    return %c0_i32, %c0_i32_0 : i32, i32
  }
}

module attributes {stable_mosaic.version = 14 : i64} {
  func.func @_mm_in_body(%arg0: i32, %arg1: memref<1000x128xf32, #tpu.memory_space<vmem>>, %arg2: memref<128x128xf32, #tpu.memory_space<vmem>>, %arg3: memref<1x128xf32, #tpu.memory_space<vmem>>, %arg4: memref<1000x128xf32, #tpu.memory_space<vmem>>, %arg5: memref<2x128xf32, #tpu.memory_space<vmem>>, %arg6: memref<2x128xf32, #tpu.memory_space<vmem>>) attributes {dimension_semantics = [#tpu.dimension_semantics<arbitrary>], iteration_bounds = array<i64: 10>, scalar_prefetch = 0 : i64, scratch_operands = 1 : i64, tpu.core_type = #tpu.core_type<tc>, window_params = [{transform_indices = @transform_0, window_bounds = array<i64: 1000, 128>}, {pipeline_mode = #tpu.pipeline_mode<synchronous>, transform_indices = @transform_1, window_bounds = array<i64: 128, 128>}, {pipeline_mode = #tpu.pipeline_mode<synchronous>, transform_indices = @transform_2, window_bounds = array<i64: 1, 128>}, {transform_indices = @transform_3, window_bounds = array<i64: 1000, 128>}, {pipeline_mode = #tpu.pipeline_mode<synchronous>, transform_indices = @transform_4, window_bounds = array<i64: 2, 128>}]} {
    %get3A = arith.constant 0 : index
    %get3A_0 = arith.constant 0 : index
    %get3A_1 = vector.load %arg1[%get3A, %get3A_0] : memref<1000x128xf32, #tpu.memory_space<vmem>>, vector<1000x128xf32>
    %get3A_2 = arith.constant 0 : index
    %get3A_3 = arith.constant 0 : index
    %get3A_4 = vector.load %arg2[%get3A_2, %get3A_3] : memref<128x128xf32, #tpu.memory_space<vmem>>, vector<128x128xf32>
    %dot_general3A = arith.constant dense<0.000000e+00> : vector<1000x128xf32>
    %dot_general3A_5 = tpu.matmul %get3A_1, %get3A_4, %dot_general3A {dimension_numbers = #tpu.dot_dimension_numbers<[1], [0], [0], [1], [0, 0, 1, 1], [], []>, transpose_lhs_hint = false} : vector<1000x128xf32>, vector<128x128xf32>, vector<1000x128xf32> -> vector<1000x128xf32>
    %get3A_6 = arith.constant 0 : index
    %get3A_7 = arith.constant 0 : index
    %get3A_8 = vector.load %arg3[%get3A_6, %get3A_7] : memref<1x128xf32, #tpu.memory_space<vmem>>, vector<1x128xf32>
    %add3A = vector.broadcast %get3A_8 : vector<1x128xf32> to vector<1000x128xf32>
    %add3A_9 = arith.addf %dot_general3A_5, %add3A : vector<1000x128xf32>
    %swap3A = arith.constant 0 : index
    %swap3A_10 = arith.constant 0 : index
    %swap3A_11 = vector.load %arg4[%swap3A, %swap3A_10] : memref<1000x128xf32, #tpu.memory_space<vmem>>, vector<1000x128xf32>
    tpu.vector_store %arg4[%swap3A, %swap3A_10], %add3A_9 {strides = array<i32>} : memref<1000x128xf32, #tpu.memory_space<vmem>>, vector<1000x128xf32>,
    %reduce_sum3A = arith.constant dense<0.000000e+00> : vector<128xf32>
    %reduce_sum3A_12 = vector.multi_reduction <add>, %add3A_9, %reduce_sum3A [0] : vector<1000x128xf32> to vector<128xf32>
    %broadcast_in_dim3A = vector.shape_cast %reduce_sum3A_12 : vector<128xf32> to vector<1x128xf32>
    %mul3A = arith.mulf %add3A_9, %add3A_9 : vector<1000x128xf32>
    %reduce_sum3A_13 = arith.constant dense<0.000000e+00> : vector<128xf32>
    %reduce_sum3A_14 = vector.multi_reduction <add>, %mul3A, %reduce_sum3A_13 [0] : vector<1000x128xf32> to vector<128xf32>
    %broadcast_in_dim3A_15 = vector.shape_cast %reduce_sum3A_14 : vector<128xf32> to vector<1x128xf32>
    %concatenate3A = tpu.concatenate %broadcast_in_dim3A, %broadcast_in_dim3A_15 in 0 : vector<1x128xf32>, vector<1x128xf32> -> vector<2x128xf32>
    %eq3A = arith.constant 0 : i32
    %eq3A_16 = arith.cmpi eq, %arg0, %eq3A : i32
    %convert_element_type3A = arith.extui %eq3A_16 : i1 to i32
    %cond3A = arith.constant 0 : i32
    %cond3A_17 = arith.cmpi ne, %convert_element_type3A, %cond3A : i32
    scf.if %cond3A_17 {
      %broadcast_in_dim3A_30 = arith.constant 0.000000e+00 : f32
      %broadcast_in_dim3A_31 = vector.broadcast %broadcast_in_dim3A_30 : f32 to vector<2x128xf32>
      %swap3A_32 = arith.constant 0 : index
      %swap3A_33 = arith.constant 0 : index
      %swap3A_34 = vector.load %arg6[%swap3A_32, %swap3A_33] : memref<2x128xf32, #tpu.memory_space<vmem>>, vector<2x128xf32>
      tpu.vector_store %arg6[%swap3A_32, %swap3A_33], %broadcast_in_dim3A_31 {strides = array<i32>} : memref<2x128xf32, #tpu.memory_space<vmem>>, vector<2x128xf32>,
    } else {
    }
    %get3A_18 = arith.constant 0 : index
    %get3A_19 = arith.constant 0 : index
    %get3A_20 = vector.load %arg6[%get3A_18, %get3A_19] : memref<2x128xf32, #tpu.memory_space<vmem>>, vector<2x128xf32>
    %add3A_21 = arith.addf %get3A_20, %concatenate3A : vector<2x128xf32>
    %swap3A_22 = arith.constant 0 : index
    %swap3A_23 = arith.constant 0 : index
    %swap3A_24 = vector.load %arg6[%swap3A_22, %swap3A_23] : memref<2x128xf32, #tpu.memory_space<vmem>>, vector<2x128xf32>
    tpu.vector_store %arg6[%swap3A_22, %swap3A_23], %add3A_21 {strides = array<i32>} : memref<2x128xf32, #tpu.memory_space<vmem>>, vector<2x128xf32>,
    %eq3A_25 = arith.constant 9 : i32
    %eq3A_26 = arith.cmpi eq, %arg0, %eq3A_25 : i32
    %convert_element_type3A_27 = arith.extui %eq3A_26 : i1 to i32
    %cond3A_28 = arith.constant 0 : i32
    %cond3A_29 = arith.cmpi ne, %convert_element_type3A_27, %cond3A_28 : i32
    scf.if %cond3A_29 {
      %get3A_30 = arith.constant 0 : index
      %get3A_31 = arith.constant 0 : index
      %get3A_32 = vector.load %arg6[%get3A_30, %get3A_31] : memref<2x128xf32, #tpu.memory_space<vmem>>, vector<2x128xf32>
      %swap3A_33 = arith.constant 0 : index
      %swap3A_34 = arith.constant 0 : index
      %swap3A_35 = vector.load %arg5[%swap3A_33, %swap3A_34] : memref<2x128xf32, #tpu.memory_space<vmem>>, vector<2x128xf32>
      tpu.vector_store %arg5[%swap3A_33, %swap3A_34], %get3A_32 {strides = array<i32>} : memref<2x128xf32, #tpu.memory_space<vmem>>, vector<2x128xf32>,
    } else {
    }
    return
  }
  func.func @transform_0(%arg0: i32) -> (i32, i32) {
    %c0_i32 = arith.constant 0 : i32
    %c0_i32_0 = arith.constant 0 : i32
    return %arg0, %c0_i32 : i32, i32
  }
  func.func @transform_1(%arg0: i32) -> (i32, i32) {
    %c0_i32 = arith.constant 0 : i32
    %c0_i32_0 = arith.constant 0 : i32
    %c0_i32_1 = arith.constant 0 : i32
    return %c0_i32, %c0_i32_0 : i32, i32
  }
  func.func @transform_2(%arg0: i32) -> (i32, i32) {
    %c0_i32 = arith.constant 0 : i32
    %c0_i32_0 = arith.constant 0 : i32
    %c0_i32_1 = arith.constant 0 : i32
    return %c0_i32, %c0_i32_0 : i32, i32
  }
  func.func @transform_3(%arg0: i32) -> (i32, i32) {
    %c0_i32 = arith.constant 0 : i32
    %c0_i32_0 = arith.constant 0 : i32
    return %arg0, %c0_i32 : i32, i32
  }
  func.func @transform_4(%arg0: i32) -> (i32, i32) {
    %c0_i32 = arith.constant 0 : i32
    %c0_i32_0 = arith.constant 0 : i32
    %c0_i32_1 = arith.constant 0 : i32
    return %c0_i32, %c0_i32_0 : i32, i32
  }
}

module attributes {stable_mosaic.version = 14 : i64} {
  func.func @_bn_relu_body(%arg0: i32, %arg1: memref<1000x128xf32, #tpu.memory_space<vmem>>, %arg2: memref<2x128xf32, #tpu.memory_space<vmem>>, %arg3: memref<1x128xf32, #tpu.memory_space<vmem>>, %arg4: memref<1x128xf32, #tpu.memory_space<vmem>>, %arg5: memref<1000x128xf32, #tpu.memory_space<vmem>>) attributes {dimension_semantics = [#tpu.dimension_semantics<arbitrary>], iteration_bounds = array<i64: 10>, scalar_prefetch = 0 : i64, scratch_operands = 0 : i64, tpu.core_type = #tpu.core_type<tc>, window_params = [{transform_indices = @transform_0, window_bounds = array<i64: 1000, 128>}, {pipeline_mode = #tpu.pipeline_mode<synchronous>, transform_indices = @transform_1, window_bounds = array<i64: 2, 128>}, {pipeline_mode = #tpu.pipeline_mode<synchronous>, transform_indices = @transform_2, window_bounds = array<i64: 1, 128>}, {pipeline_mode = #tpu.pipeline_mode<synchronous>, transform_indices = @transform_3, window_bounds = array<i64: 1, 128>}, {transform_indices = @transform_4, window_bounds = array<i64: 1000, 128>}]} {
    %get3A = arith.constant 0 : index
    %get3A_0 = arith.constant 0 : index
    %get3A_1 = vector.load %arg2[%get3A, %get3A_0] : memref<2x128xf32, #tpu.memory_space<vmem>>, vector<2x128xf32>
    %get3A_2 = arith.constant 0 : index
    %get3A_3 = arith.constant 0 : index
    %get3A_4 = vector.load %arg3[%get3A_2, %get3A_3] : memref<1x128xf32, #tpu.memory_space<vmem>>, vector<1x128xf32>
    %get3A_5 = arith.constant 0 : index
    %get3A_6 = arith.constant 0 : index
    %get3A_7 = vector.load %arg4[%get3A_5, %get3A_6] : memref<1x128xf32, #tpu.memory_space<vmem>>, vector<1x128xf32>
    %slice3A = vector.extract_strided_slice %get3A_1 {offsets = [0, 0], sizes = [1, 128], strides = [1, 1]} : vector<2x128xf32> to vector<1x128xf32>
    %div3A = arith.constant 1.000000e+04 : f32
    %div3A_8 = vector.broadcast %div3A : f32 to vector<1x128xf32>
    %div3A_9 = arith.divf %slice3A, %div3A_8 : vector<1x128xf32>
    %slice3A_10 = vector.extract_strided_slice %get3A_1 {offsets = [1, 0], sizes = [1, 128], strides = [1, 1]} : vector<2x128xf32> to vector<1x128xf32>
    %div3A_11 = arith.constant 1.000000e+04 : f32
    %div3A_12 = vector.broadcast %div3A_11 : f32 to vector<1x128xf32>
    %div3A_13 = arith.divf %slice3A_10, %div3A_12 : vector<1x128xf32>
    %mul3A = arith.mulf %div3A_9, %div3A_9 : vector<1x128xf32>
    %sub3A = arith.subf %div3A_13, %mul3A : vector<1x128xf32>
    %add3A = arith.constant 9.99999974E-6 : f32
    %add3A_14 = vector.broadcast %add3A : f32 to vector<1x128xf32>
    %add3A_15 = arith.addf %sub3A, %add3A_14 : vector<1x128xf32>
    %rsqrt3A = math.rsqrt %add3A_15 : vector<1x128xf32>
    %mul3A_16 = arith.mulf %get3A_4, %rsqrt3A : vector<1x128xf32>
    %mul3A_17 = arith.mulf %div3A_9, %mul3A_16 : vector<1x128xf32>
    %sub3A_18 = arith.subf %get3A_7, %mul3A_17 : vector<1x128xf32>
    %get3A_19 = arith.constant 0 : index
    %get3A_20 = arith.constant 0 : index
    %get3A_21 = vector.load %arg1[%get3A_19, %get3A_20] : memref<1000x128xf32, #tpu.memory_space<vmem>>, vector<1000x128xf32>
    %mul3A_22 = vector.broadcast %mul3A_16 : vector<1x128xf32> to vector<1000x128xf32>
    %mul3A_23 = arith.mulf %get3A_21, %mul3A_22 : vector<1000x128xf32>
    %add3A_24 = vector.broadcast %sub3A_18 : vector<1x128xf32> to vector<1000x128xf32>
    %add3A_25 = arith.addf %mul3A_23, %add3A_24 : vector<1000x128xf32>
    %max3A = arith.constant 0.000000e+00 : f32
    %max3A_26 = vector.broadcast %max3A : f32 to vector<1000x128xf32>
    %max3A_27 = arith.maximumf %add3A_25, %max3A_26 : vector<1000x128xf32>
    %swap3A = arith.constant 0 : index
    %swap3A_28 = arith.constant 0 : index
    %swap3A_29 = vector.load %arg5[%swap3A, %swap3A_28] : memref<1000x128xf32, #tpu.memory_space<vmem>>, vector<1000x128xf32>
    tpu.vector_store %arg5[%swap3A, %swap3A_28], %max3A_27 {strides = array<i32>} : memref<1000x128xf32, #tpu.memory_space<vmem>>, vector<1000x128xf32>,
    return
  }
  func.func @transform_0(%arg0: i32) -> (i32, i32) {
    %c0_i32 = arith.constant 0 : i32
    %c0_i32_0 = arith.constant 0 : i32
    return %arg0, %c0_i32 : i32, i32
  }
  func.func @transform_1(%arg0: i32) -> (i32, i32) {
    %c0_i32 = arith.constant 0 : i32
    %c0_i32_0 = arith.constant 0 : i32
    %c0_i32_1 = arith.constant 0 : i32
    return %c0_i32, %c0_i32_0 : i32, i32
  }
  func.func @transform_2(%arg0: i32) -> (i32, i32) {
    %c0_i32 = arith.constant 0 : i32
    %c0_i32_0 = arith.constant 0 : i32
    %c0_i32_1 = arith.constant 0 : i32
    return %c0_i32, %c0_i32_0 : i32, i32
  }
  func.func @transform_3(%arg0: i32) -> (i32, i32) {
    %c0_i32 = arith.constant 0 : i32
    %c0_i32_0 = arith.constant 0 : i32
    %c0_i32_1 = arith.constant 0 : i32
    return %c0_i32, %c0_i32_0 : i32, i32
  }
  func.func @transform_4(%arg0: i32) -> (i32, i32) {
    %c0_i32 = arith.constant 0 : i32
    %c0_i32_0 = arith.constant 0 : i32
    return %arg0, %c0_i32 : i32, i32
  }
}

module attributes {stable_mosaic.version = 14 : i64} {
  func.func @_bn_mm_body(%arg0: i32, %arg1: memref<1000x256xf32, #tpu.memory_space<vmem>>, %arg2: memref<2x256xf32, #tpu.memory_space<vmem>>, %arg3: memref<1x256xf32, #tpu.memory_space<vmem>>, %arg4: memref<1x256xf32, #tpu.memory_space<vmem>>, %arg5: memref<256x128xf32, #tpu.memory_space<vmem>>, %arg6: memref<1x128xf32, #tpu.memory_space<vmem>>, %arg7: memref<1000x128xf32, #tpu.memory_space<vmem>>, %arg8: memref<2x128xf32, #tpu.memory_space<vmem>>, %arg9: memref<2x128xf32, #tpu.memory_space<vmem>>) attributes {dimension_semantics = [#tpu.dimension_semantics<arbitrary>], iteration_bounds = array<i64: 10>, scalar_prefetch = 0 : i64, scratch_operands = 1 : i64, tpu.core_type = #tpu.core_type<tc>, window_params = [{transform_indices = @transform_0, window_bounds = array<i64: 1000, 256>}, {pipeline_mode = #tpu.pipeline_mode<synchronous>, transform_indices = @transform_1, window_bounds = array<i64: 2, 256>}, {pipeline_mode = #tpu.pipeline_mode<synchronous>, transform_indices = @transform_2, window_bounds = array<i64: 1, 256>}, {pipeline_mode = #tpu.pipeline_mode<synchronous>, transform_indices = @transform_3, window_bounds = array<i64: 1, 256>}, {pipeline_mode = #tpu.pipeline_mode<synchronous>, transform_indices = @transform_4, window_bounds = array<i64: 256, 128>}, {pipeline_mode = #tpu.pipeline_mode<synchronous>, transform_indices = @transform_5, window_bounds = array<i64: 1, 128>}, {transform_indices = @transform_6, window_bounds = array<i64: 1000, 128>}, {pipeline_mode = #tpu.pipeline_mode<synchronous>, transform_indices = @transform_7, window_bounds = array<i64: 2, 128>}]} {
    %get3A = arith.constant 0 : index
    %get3A_0 = arith.constant 0 : index
    %get3A_1 = vector.load %arg2[%get3A, %get3A_0] : memref<2x256xf32, #tpu.memory_space<vmem>>, vector<2x256xf32>
    %get3A_2 = arith.constant 0 : index
    %get3A_3 = arith.constant 0 : index
    %get3A_4 = vector.load %arg3[%get3A_2, %get3A_3] : memref<1x256xf32, #tpu.memory_space<vmem>>, vector<1x256xf32>
    %get3A_5 = arith.constant 0 : index
    %get3A_6 = arith.constant 0 : index
    %get3A_7 = vector.load %arg4[%get3A_5, %get3A_6] : memref<1x256xf32, #tpu.memory_space<vmem>>, vector<1x256xf32>
    %slice3A = vector.extract_strided_slice %get3A_1 {offsets = [0, 0], sizes = [1, 256], strides = [1, 1]} : vector<2x256xf32> to vector<1x256xf32>
    %div3A = arith.constant 1.000000e+04 : f32
    %div3A_8 = vector.broadcast %div3A : f32 to vector<1x256xf32>
    %div3A_9 = arith.divf %slice3A, %div3A_8 : vector<1x256xf32>
    %slice3A_10 = vector.extract_strided_slice %get3A_1 {offsets = [1, 0], sizes = [1, 256], strides = [1, 1]} : vector<2x256xf32> to vector<1x256xf32>
    %div3A_11 = arith.constant 1.000000e+04 : f32
    %div3A_12 = vector.broadcast %div3A_11 : f32 to vector<1x256xf32>
    %div3A_13 = arith.divf %slice3A_10, %div3A_12 : vector<1x256xf32>
    %mul3A = arith.mulf %div3A_9, %div3A_9 : vector<1x256xf32>
    %sub3A = arith.subf %div3A_13, %mul3A : vector<1x256xf32>
    %add3A = arith.constant 9.99999974E-6 : f32
    %add3A_14 = vector.broadcast %add3A : f32 to vector<1x256xf32>
    %add3A_15 = arith.addf %sub3A, %add3A_14 : vector<1x256xf32>
    %rsqrt3A = math.rsqrt %add3A_15 : vector<1x256xf32>
    %mul3A_16 = arith.mulf %get3A_4, %rsqrt3A : vector<1x256xf32>
    %mul3A_17 = arith.mulf %div3A_9, %mul3A_16 : vector<1x256xf32>
    %sub3A_18 = arith.subf %get3A_7, %mul3A_17 : vector<1x256xf32>
    %get3A_19 = arith.constant 0 : index
    %get3A_20 = arith.constant 0 : index
    %get3A_21 = vector.load %arg1[%get3A_19, %get3A_20] : memref<1000x256xf32, #tpu.memory_space<vmem>>, vector<1000x256xf32>
    %mul3A_22 = vector.broadcast %mul3A_16 : vector<1x256xf32> to vector<1000x256xf32>
    %mul3A_23 = arith.mulf %get3A_21, %mul3A_22 : vector<1000x256xf32>
    %add3A_24 = vector.broadcast %sub3A_18 : vector<1x256xf32> to vector<1000x256xf32>
    %add3A_25 = arith.addf %mul3A_23, %add3A_24 : vector<1000x256xf32>
    %max3A = arith.constant 0.000000e+00 : f32
    %max3A_26 = vector.broadcast %max3A : f32 to vector<1000x256xf32>
    %max3A_27 = arith.maximumf %add3A_25, %max3A_26 : vector<1000x256xf32>
    %get3A_28 = arith.constant 0 : index
    %get3A_29 = arith.constant 0 : index
    %get3A_30 = vector.load %arg5[%get3A_28, %get3A_29] : memref<256x128xf32, #tpu.memory_space<vmem>>, vector<256x128xf32>
    %dot_general3A = arith.constant dense<0.000000e+00> : vector<1000x128xf32>
    %dot_general3A_31 = tpu.matmul %max3A_27, %get3A_30, %dot_general3A {dimension_numbers = #tpu.dot_dimension_numbers<[1], [0], [0], [1], [0, 0, 1, 1], [], []>, transpose_lhs_hint = false} : vector<1000x256xf32>, vector<256x128xf32>, vector<1000x128xf32> -> vector<1000x128xf32>
    %get3A_32 = arith.constant 0 : index
    %get3A_33 = arith.constant 0 : index
    %get3A_34 = vector.load %arg6[%get3A_32, %get3A_33] : memref<1x128xf32, #tpu.memory_space<vmem>>, vector<1x128xf32>
    %add3A_35 = vector.broadcast %get3A_34 : vector<1x128xf32> to vector<1000x128xf32>
    %add3A_36 = arith.addf %dot_general3A_31, %add3A_35 : vector<1000x128xf32>
    %swap3A = arith.constant 0 : index
    %swap3A_37 = arith.constant 0 : index
    %swap3A_38 = vector.load %arg7[%swap3A, %swap3A_37] : memref<1000x128xf32, #tpu.memory_space<vmem>>, vector<1000x128xf32>
    tpu.vector_store %arg7[%swap3A, %swap3A_37], %add3A_36 {strides = array<i32>} : memref<1000x128xf32, #tpu.memory_space<vmem>>, vector<1000x128xf32>,
    %reduce_sum3A = arith.constant dense<0.000000e+00> : vector<128xf32>
    %reduce_sum3A_39 = vector.multi_reduction <add>, %add3A_36, %reduce_sum3A [0] : vector<1000x128xf32> to vector<128xf32>
    %broadcast_in_dim3A = vector.shape_cast %reduce_sum3A_39 : vector<128xf32> to vector<1x128xf32>
    %mul3A_40 = arith.mulf %add3A_36, %add3A_36 : vector<1000x128xf32>
    %reduce_sum3A_41 = arith.constant dense<0.000000e+00> : vector<128xf32>
    %reduce_sum3A_42 = vector.multi_reduction <add>, %mul3A_40, %reduce_sum3A_41 [0] : vector<1000x128xf32> to vector<128xf32>
    %broadcast_in_dim3A_43 = vector.shape_cast %reduce_sum3A_42 : vector<128xf32> to vector<1x128xf32>
    %concatenate3A = tpu.concatenate %broadcast_in_dim3A, %broadcast_in_dim3A_43 in 0 : vector<1x128xf32>, vector<1x128xf32> -> vector<2x128xf32>
    %eq3A = arith.constant 0 : i32
    %eq3A_44 = arith.cmpi eq, %arg0, %eq3A : i32
    %convert_element_type3A = arith.extui %eq3A_44 : i1 to i32
    %cond3A = arith.constant 0 : i32
    %cond3A_45 = arith.cmpi ne, %convert_element_type3A, %cond3A : i32
    scf.if %cond3A_45 {
      %broadcast_in_dim3A_58 = arith.constant 0.000000e+00 : f32
      %broadcast_in_dim3A_59 = vector.broadcast %broadcast_in_dim3A_58 : f32 to vector<2x128xf32>
      %swap3A_60 = arith.constant 0 : index
      %swap3A_61 = arith.constant 0 : index
      %swap3A_62 = vector.load %arg9[%swap3A_60, %swap3A_61] : memref<2x128xf32, #tpu.memory_space<vmem>>, vector<2x128xf32>
      tpu.vector_store %arg9[%swap3A_60, %swap3A_61], %broadcast_in_dim3A_59 {strides = array<i32>} : memref<2x128xf32, #tpu.memory_space<vmem>>, vector<2x128xf32>,
    } else {
    }
    %get3A_46 = arith.constant 0 : index
    %get3A_47 = arith.constant 0 : index
    %get3A_48 = vector.load %arg9[%get3A_46, %get3A_47] : memref<2x128xf32, #tpu.memory_space<vmem>>, vector<2x128xf32>
    %add3A_49 = arith.addf %get3A_48, %concatenate3A : vector<2x128xf32>
    %swap3A_50 = arith.constant 0 : index
    %swap3A_51 = arith.constant 0 : index
    %swap3A_52 = vector.load %arg9[%swap3A_50, %swap3A_51] : memref<2x128xf32, #tpu.memory_space<vmem>>, vector<2x128xf32>
    tpu.vector_store %arg9[%swap3A_50, %swap3A_51], %add3A_49 {strides = array<i32>} : memref<2x128xf32, #tpu.memory_space<vmem>>, vector<2x128xf32>,
    %eq3A_53 = arith.constant 9 : i32
    %eq3A_54 = arith.cmpi eq, %arg0, %eq3A_53 : i32
    %convert_element_type3A_55 = arith.extui %eq3A_54 : i1 to i32
    %cond3A_56 = arith.constant 0 : i32
    %cond3A_57 = arith.cmpi ne, %convert_element_type3A_55, %cond3A_56 : i32
    scf.if %cond3A_57 {
      %get3A_58 = arith.constant 0 : index
      %get3A_59 = arith.constant 0 : index
      %get3A_60 = vector.load %arg9[%get3A_58, %get3A_59] : memref<2x128xf32, #tpu.memory_space<vmem>>, vector<2x128xf32>
      %swap3A_61 = arith.constant 0 : index
      %swap3A_62 = arith.constant 0 : index
      %swap3A_63 = vector.load %arg8[%swap3A_61, %swap3A_62] : memref<2x128xf32, #tpu.memory_space<vmem>>, vector<2x128xf32>
      tpu.vector_store %arg8[%swap3A_61, %swap3A_62], %get3A_60 {strides = array<i32>} : memref<2x128xf32, #tpu.memory_space<vmem>>, vector<2x128xf32>,
    } else {
    }
    return
  }
  func.func @transform_0(%arg0: i32) -> (i32, i32) {
    %c0_i32 = arith.constant 0 : i32
    %c0_i32_0 = arith.constant 0 : i32
    return %arg0, %c0_i32 : i32, i32
  }
  func.func @transform_1(%arg0: i32) -> (i32, i32) {
    %c0_i32 = arith.constant 0 : i32
    %c0_i32_0 = arith.constant 0 : i32
    %c0_i32_1 = arith.constant 0 : i32
    return %c0_i32, %c0_i32_0 : i32, i32
  }
  func.func @transform_2(%arg0: i32) -> (i32, i32) {
    %c0_i32 = arith.constant 0 : i32
    %c0_i32_0 = arith.constant 0 : i32
    %c0_i32_1 = arith.constant 0 : i32
    return %c0_i32, %c0_i32_0 : i32, i32
  }
  func.func @transform_3(%arg0: i32) -> (i32, i32) {
    %c0_i32 = arith.constant 0 : i32
    %c0_i32_0 = arith.constant 0 : i32
    %c0_i32_1 = arith.constant 0 : i32
    return %c0_i32, %c0_i32_0 : i32, i32
  }
  func.func @transform_4(%arg0: i32) -> (i32, i32) {
    %c0_i32 = arith.constant 0 : i32
    %c0_i32_0 = arith.constant 0 : i32
    %c0_i32_1 = arith.constant 0 : i32
    return %c0_i32, %c0_i32_0 : i32, i32
  }
  func.func @transform_5(%arg0: i32) -> (i32, i32) {
    %c0_i32 = arith.constant 0 : i32
    %c0_i32_0 = arith.constant 0 : i32
    %c0_i32_1 = arith.constant 0 : i32
    return %c0_i32, %c0_i32_0 : i32, i32
  }
  func.func @transform_6(%arg0: i32) -> (i32, i32) {
    %c0_i32 = arith.constant 0 : i32
    %c0_i32_0 = arith.constant 0 : i32
    return %arg0, %c0_i32 : i32, i32
  }
  func.func @transform_7(%arg0: i32) -> (i32, i32) {
    %c0_i32 = arith.constant 0 : i32
    %c0_i32_0 = arith.constant 0 : i32
    %c0_i32_1 = arith.constant 0 : i32
    return %c0_i32, %c0_i32_0 : i32, i32
  }
}

module attributes {stable_mosaic.version = 14 : i64} {
  func.func @_bn_relu_res_body(%arg0: i32, %arg1: memref<1000x128xf32, #tpu.memory_space<vmem>>, %arg2: memref<2x128xf32, #tpu.memory_space<vmem>>, %arg3: memref<1x128xf32, #tpu.memory_space<vmem>>, %arg4: memref<1x128xf32, #tpu.memory_space<vmem>>, %arg5: memref<1000x128xf32, #tpu.memory_space<vmem>>, %arg6: memref<1000x128xf32, #tpu.memory_space<vmem>>) attributes {dimension_semantics = [#tpu.dimension_semantics<arbitrary>], iteration_bounds = array<i64: 10>, scalar_prefetch = 0 : i64, scratch_operands = 0 : i64, tpu.core_type = #tpu.core_type<tc>, window_params = [{transform_indices = @transform_0, window_bounds = array<i64: 1000, 128>}, {pipeline_mode = #tpu.pipeline_mode<synchronous>, transform_indices = @transform_1, window_bounds = array<i64: 2, 128>}, {pipeline_mode = #tpu.pipeline_mode<synchronous>, transform_indices = @transform_2, window_bounds = array<i64: 1, 128>}, {pipeline_mode = #tpu.pipeline_mode<synchronous>, transform_indices = @transform_3, window_bounds = array<i64: 1, 128>}, {transform_indices = @transform_4, window_bounds = array<i64: 1000, 128>}, {transform_indices = @transform_5, window_bounds = array<i64: 1000, 128>}]} {
    %get3A = arith.constant 0 : index
    %get3A_0 = arith.constant 0 : index
    %get3A_1 = vector.load %arg2[%get3A, %get3A_0] : memref<2x128xf32, #tpu.memory_space<vmem>>, vector<2x128xf32>
    %get3A_2 = arith.constant 0 : index
    %get3A_3 = arith.constant 0 : index
    %get3A_4 = vector.load %arg3[%get3A_2, %get3A_3] : memref<1x128xf32, #tpu.memory_space<vmem>>, vector<1x128xf32>
    %get3A_5 = arith.constant 0 : index
    %get3A_6 = arith.constant 0 : index
    %get3A_7 = vector.load %arg4[%get3A_5, %get3A_6] : memref<1x128xf32, #tpu.memory_space<vmem>>, vector<1x128xf32>
    %slice3A = vector.extract_strided_slice %get3A_1 {offsets = [0, 0], sizes = [1, 128], strides = [1, 1]} : vector<2x128xf32> to vector<1x128xf32>
    %div3A = arith.constant 1.000000e+04 : f32
    %div3A_8 = vector.broadcast %div3A : f32 to vector<1x128xf32>
    %div3A_9 = arith.divf %slice3A, %div3A_8 : vector<1x128xf32>
    %slice3A_10 = vector.extract_strided_slice %get3A_1 {offsets = [1, 0], sizes = [1, 128], strides = [1, 1]} : vector<2x128xf32> to vector<1x128xf32>
    %div3A_11 = arith.constant 1.000000e+04 : f32
    %div3A_12 = vector.broadcast %div3A_11 : f32 to vector<1x128xf32>
    %div3A_13 = arith.divf %slice3A_10, %div3A_12 : vector<1x128xf32>
    %mul3A = arith.mulf %div3A_9, %div3A_9 : vector<1x128xf32>
    %sub3A = arith.subf %div3A_13, %mul3A : vector<1x128xf32>
    %add3A = arith.constant 9.99999974E-6 : f32
    %add3A_14 = vector.broadcast %add3A : f32 to vector<1x128xf32>
    %add3A_15 = arith.addf %sub3A, %add3A_14 : vector<1x128xf32>
    %rsqrt3A = math.rsqrt %add3A_15 : vector<1x128xf32>
    %mul3A_16 = arith.mulf %get3A_4, %rsqrt3A : vector<1x128xf32>
    %mul3A_17 = arith.mulf %div3A_9, %mul3A_16 : vector<1x128xf32>
    %sub3A_18 = arith.subf %get3A_7, %mul3A_17 : vector<1x128xf32>
    %get3A_19 = arith.constant 0 : index
    %get3A_20 = arith.constant 0 : index
    %get3A_21 = vector.load %arg1[%get3A_19, %get3A_20] : memref<1000x128xf32, #tpu.memory_space<vmem>>, vector<1000x128xf32>
    %mul3A_22 = vector.broadcast %mul3A_16 : vector<1x128xf32> to vector<1000x128xf32>
    %mul3A_23 = arith.mulf %get3A_21, %mul3A_22 : vector<1000x128xf32>
    %add3A_24 = vector.broadcast %sub3A_18 : vector<1x128xf32> to vector<1000x128xf32>
    %add3A_25 = arith.addf %mul3A_23, %add3A_24 : vector<1000x128xf32>
    %max3A = arith.constant 0.000000e+00 : f32
    %max3A_26 = vector.broadcast %max3A : f32 to vector<1000x128xf32>
    %max3A_27 = arith.maximumf %add3A_25, %max3A_26 : vector<1000x128xf32>
    %get3A_28 = arith.constant 0 : index
    %get3A_29 = arith.constant 0 : index
    %get3A_30 = vector.load %arg5[%get3A_28, %get3A_29] : memref<1000x128xf32, #tpu.memory_space<vmem>>, vector<1000x128xf32>
    %add3A_31 = arith.addf %max3A_27, %get3A_30 : vector<1000x128xf32>
    %swap3A = arith.constant 0 : index
    %swap3A_32 = arith.constant 0 : index
    %swap3A_33 = vector.load %arg6[%swap3A, %swap3A_32] : memref<1000x128xf32, #tpu.memory_space<vmem>>, vector<1000x128xf32>
    tpu.vector_store %arg6[%swap3A, %swap3A_32], %add3A_31 {strides = array<i32>} : memref<1000x128xf32, #tpu.memory_space<vmem>>, vector<1000x128xf32>,
    return
  }
  func.func @transform_0(%arg0: i32) -> (i32, i32) {
    %c0_i32 = arith.constant 0 : i32
    %c0_i32_0 = arith.constant 0 : i32
    return %arg0, %c0_i32 : i32, i32
  }
  func.func @transform_1(%arg0: i32) -> (i32, i32) {
    %c0_i32 = arith.constant 0 : i32
    %c0_i32_0 = arith.constant 0 : i32
    %c0_i32_1 = arith.constant 0 : i32
    return %c0_i32, %c0_i32_0 : i32, i32
  }
  func.func @transform_2(%arg0: i32) -> (i32, i32) {
    %c0_i32 = arith.constant 0 : i32
    %c0_i32_0 = arith.constant 0 : i32
    %c0_i32_1 = arith.constant 0 : i32
    return %c0_i32, %c0_i32_0 : i32, i32
  }
  func.func @transform_3(%arg0: i32) -> (i32, i32) {
    %c0_i32 = arith.constant 0 : i32
    %c0_i32_0 = arith.constant 0 : i32
    %c0_i32_1 = arith.constant 0 : i32
    return %c0_i32, %c0_i32_0 : i32, i32
  }
  func.func @transform_4(%arg0: i32) -> (i32, i32) {
    %c0_i32 = arith.constant 0 : i32
    %c0_i32_0 = arith.constant 0 : i32
    return %arg0, %c0_i32 : i32, i32
  }
  func.func @transform_5(%arg0: i32) -> (i32, i32) {
    %c0_i32 = arith.constant 0 : i32
    %c0_i32_0 = arith.constant 0 : i32
    return %arg0, %c0_i32 : i32, i32
  }
}

module attributes {stable_mosaic.version = 14 : i64} {
  func.func @_pool_body(%arg0: i32, %arg1: memref<1000x128xf32, #tpu.memory_space<vmem>>, %arg2: memref<1x1x1000xi32, #tpu.memory_space<vmem>>, %arg3: memref<256x128xf32, #tpu.memory_space<vmem>>, %arg4: memref<1x128xf32, #tpu.memory_space<vmem>>, %arg5: memref<128x128xf32, #tpu.memory_space<vmem>>, %arg6: memref<1x128xf32, #tpu.memory_space<vmem>>, %arg7: memref<256x128xf32, #tpu.memory_space<vmem>>, %arg8: memref<1x128xf32, #tpu.memory_space<vmem>>, %arg9: memref<64x128xf32, #tpu.memory_space<vmem>>, %arg10: memref<64x128xf32, #tpu.memory_space<vmem>>, %arg11: memref<128x128xf32, #tpu.memory_space<vmem>>, %arg12: memref<128x128xf32, #tpu.memory_space<vmem>>) attributes {dimension_semantics = [#tpu.dimension_semantics<arbitrary>], iteration_bounds = array<i64: 10>, scalar_prefetch = 0 : i64, scratch_operands = 2 : i64, tpu.core_type = #tpu.core_type<tc>, window_params = [{transform_indices = @transform_0, window_bounds = array<i64: 1000, 128>}, {transform_indices = @transform_1, window_bounds = array<i64: 1, 1, 1000>}, {pipeline_mode = #tpu.pipeline_mode<synchronous>, transform_indices = @transform_2, window_bounds = array<i64: 256, 128>}, {pipeline_mode = #tpu.pipeline_mode<synchronous>, transform_indices = @transform_3, window_bounds = array<i64: 1, 128>}, {pipeline_mode = #tpu.pipeline_mode<synchronous>, transform_indices = @transform_4, window_bounds = array<i64: 128, 128>}, {pipeline_mode = #tpu.pipeline_mode<synchronous>, transform_indices = @transform_5, window_bounds = array<i64: 1, 128>}, {pipeline_mode = #tpu.pipeline_mode<synchronous>, transform_indices = @transform_6, window_bounds = array<i64: 256, 128>}, {pipeline_mode = #tpu.pipeline_mode<synchronous>, transform_indices = @transform_7, window_bounds = array<i64: 1, 128>}, {pipeline_mode = #tpu.pipeline_mode<synchronous>, transform_indices = @transform_8, window_bounds = array<i64: 64, 128>}, {pipeline_mode = #tpu.pipeline_mode<synchronous>, transform_indices = @transform_9, window_bounds = array<i64: 64, 128>}]} {
    %get3A = arith.constant 0 : index
    %get3A_0 = arith.constant 0 : index
    %get3A_1 = arith.constant 0 : index
    %get3A_2 = vector.load %arg2[%get3A, %get3A_0, %get3A_1] : memref<1x1x1000xi32, #tpu.memory_space<vmem>>, vector<1x1x1000xi32>
    %get3A_3 = vector.shape_cast %get3A_2 : vector<1x1x1000xi32> to vector<1000xi32>
    %broadcast_in_dim3A = vector.shape_cast %get3A_3 : vector<1000xi32> to vector<1000x1xi32>
    %iota3A = tpu.iota {dimensions = array<i32: 1>} : vector<1x128xi32>
    %eq3A = vector.broadcast %broadcast_in_dim3A : vector<1000x1xi32> to vector<1000x128xi32>
    %eq3A_4 = vector.broadcast %iota3A : vector<1x128xi32> to vector<1000x128xi32>
    %eq3A_5 = arith.cmpi eq, %eq3A, %eq3A_4 : vector<1000x128xi32>
    %convert_element_type3A = arith.extui %eq3A_5 : vector<1000x128xi1> to vector<1000x128xi32>
    %convert_element_type3A_6 = arith.sitofp %convert_element_type3A : vector<1000x128xi32> to vector<1000x128xf32>
    %get3A_7 = arith.constant 0 : index
    %get3A_8 = arith.constant 0 : index
    %get3A_9 = vector.load %arg1[%get3A_7, %get3A_8] : memref<1000x128xf32, #tpu.memory_space<vmem>>, vector<1000x128xf32>
    %dot_general3A = arith.constant dense<0.000000e+00> : vector<128x128xf32>
    %dot_general3A_10 = tpu.matmul %convert_element_type3A_6, %get3A_9, %dot_general3A {dimension_numbers = #tpu.dot_dimension_numbers<[0], [0], [1], [1], [0, 1, 1, 1], [], []>, transpose_lhs_hint = false} : vector<1000x128xf32>, vector<1000x128xf32>, vector<128x128xf32> -> vector<128x128xf32>
    %broadcast_in_dim3A_11 = arith.constant 1.000000e+00 : f32
    %broadcast_in_dim3A_12 = vector.broadcast %broadcast_in_dim3A_11 : f32 to vector<1000x128xf32>
    %dot_general3A_13 = arith.constant dense<0.000000e+00> : vector<128x128xf32>
    %dot_general3A_14 = tpu.matmul %convert_element_type3A_6, %broadcast_in_dim3A_12, %dot_general3A_13 {dimension_numbers = #tpu.dot_dimension_numbers<[0], [0], [1], [1], [0, 1, 1, 1], [], []>, transpose_lhs_hint = false} : vector<1000x128xf32>, vector<1000x128xf32>, vector<128x128xf32> -> vector<128x128xf32>
    %eq3A_15 = arith.constant 0 : i32
    %eq3A_16 = arith.cmpi eq, %arg0, %eq3A_15 : i32
    %convert_element_type3A_17 = arith.extui %eq3A_16 : i1 to i32
    %cond3A = arith.constant 0 : i32
    %cond3A_18 = arith.cmpi ne, %convert_element_type3A_17, %cond3A : i32
    scf.if %cond3A_18 {
      %broadcast_in_dim3A_36 = arith.constant 0.000000e+00 : f32
      %broadcast_in_dim3A_37 = vector.broadcast %broadcast_in_dim3A_36 : f32 to vector<128x128xf32>
      %swap3A_38 = arith.constant 0 : index
      %swap3A_39 = arith.constant 0 : index
      %swap3A_40 = vector.load %arg11[%swap3A_38, %swap3A_39] : memref<128x128xf32, #tpu.memory_space<vmem>>, vector<128x128xf32>
      tpu.vector_store %arg11[%swap3A_38, %swap3A_39], %broadcast_in_dim3A_37 {strides = array<i32>} : memref<128x128xf32, #tpu.memory_space<vmem>>, vector<128x128xf32>,
      %broadcast_in_dim3A_41 = arith.constant 0.000000e+00 : f32
      %broadcast_in_dim3A_42 = vector.broadcast %broadcast_in_dim3A_41 : f32 to vector<128x128xf32>
      %swap3A_43 = arith.constant 0 : index
      %swap3A_44 = arith.constant 0 : index
      %swap3A_45 = vector.load %arg12[%swap3A_43, %swap3A_44] : memref<128x128xf32, #tpu.memory_space<vmem>>, vector<128x128xf32>
      tpu.vector_store %arg12[%swap3A_43, %swap3A_44], %broadcast_in_dim3A_42 {strides = array<i32>} : memref<128x128xf32, #tpu.memory_space<vmem>>, vector<128x128xf32>,
    } else {
    }
    %get3A_19 = arith.constant 0 : index
    %get3A_20 = arith.constant 0 : index
    %get3A_21 = vector.load %arg11[%get3A_19, %get3A_20] : memref<128x128xf32, #tpu.memory_space<vmem>>, vector<128x128xf32>
    %add3A = arith.addf %get3A_21, %dot_general3A_10 : vector<128x128xf32>
    %swap3A = arith.constant 0 : index
    %swap3A_22 = arith.constant 0 : index
    %swap3A_23 = vector.load %arg11[%swap3A, %swap3A_22] : memref<128x128xf32, #tpu.memory_space<vmem>>, vector<128x128xf32>
    tpu.vector_store %arg11[%swap3A, %swap3A_22], %add3A {strides = array<i32>} : memref<128x128xf32, #tpu.memory_space<vmem>>, vector<128x128xf32>,
    %get3A_24 = arith.constant 0 : index
    %get3A_25 = arith.constant 0 : index
    %get3A_26 = vector.load %arg12[%get3A_24, %get3A_25] : memref<128x128xf32, #tpu.memory_space<vmem>>, vector<128x128xf32>
    %add3A_27 = arith.addf %get3A_26, %dot_general3A_14 : vector<128x128xf32>
    %swap3A_28 = arith.constant 0 : index
    %swap3A_29 = arith.constant 0 : index
    %swap3A_30 = vector.load %arg12[%swap3A_28, %swap3A_29] : memref<128x128xf32, #tpu.memory_space<vmem>>, vector<128x128xf32>
    tpu.vector_store %arg12[%swap3A_28, %swap3A_29], %add3A_27 {strides = array<i32>} : memref<128x128xf32, #tpu.memory_space<vmem>>, vector<128x128xf32>,
    %eq3A_31 = arith.constant 9 : i32
    %eq3A_32 = arith.cmpi eq, %arg0, %eq3A_31 : i32
    %convert_element_type3A_33 = arith.extui %eq3A_32 : i1 to i32
    %cond3A_34 = arith.constant 0 : i32
    %cond3A_35 = arith.cmpi ne, %convert_element_type3A_33, %cond3A_34 : i32
    scf.if %cond3A_35 {
      %get3A_36 = arith.constant 0 : index
      %get3A_37 = arith.constant 0 : index
      %get3A_38 = vector.load %arg11[%get3A_36, %get3A_37] : memref<128x128xf32, #tpu.memory_space<vmem>>, vector<64x128xf32>
      %get3A_39 = arith.constant 0 : index
      %get3A_40 = arith.constant 0 : index
      %get3A_41 = vector.load %arg12[%get3A_39, %get3A_40] : memref<128x128xf32, #tpu.memory_space<vmem>>, vector<64x128xf32>
      %max3A = arith.constant 1.000000e+00 : f32
      %max3A_42 = vector.broadcast %max3A : f32 to vector<64x128xf32>
      %max3A_43 = arith.maximumf %get3A_41, %max3A_42 : vector<64x128xf32>
      %div3A = arith.divf %get3A_38, %max3A_43 : vector<64x128xf32>
      %concatenate3A = tpu.concatenate %div3A, %get3A_38 in 1 : vector<64x128xf32>, vector<64x128xf32> -> vector<64x256xf32>
      %get3A_44 = arith.constant 0 : index
      %get3A_45 = arith.constant 0 : index
      %get3A_46 = vector.load %arg3[%get3A_44, %get3A_45] : memref<256x128xf32, #tpu.memory_space<vmem>>, vector<256x128xf32>
      %dot_general3A_47 = arith.constant dense<0.000000e+00> : vector<64x128xf32>
      %dot_general3A_48 = tpu.matmul %concatenate3A, %get3A_46, %dot_general3A_47 {dimension_numbers = #tpu.dot_dimension_numbers<[1], [0], [0], [1], [0, 0, 1, 1], [], []>, transpose_lhs_hint = false} : vector<64x256xf32>, vector<256x128xf32>, vector<64x128xf32> -> vector<64x128xf32>
      %get3A_49 = arith.constant 0 : index
      %get3A_50 = arith.constant 0 : index
      %get3A_51 = vector.load %arg4[%get3A_49, %get3A_50] : memref<1x128xf32, #tpu.memory_space<vmem>>, vector<1x128xf32>
      %add3A_52 = vector.broadcast %get3A_51 : vector<1x128xf32> to vector<64x128xf32>
      %add3A_53 = arith.addf %dot_general3A_48, %add3A_52 : vector<64x128xf32>
      %max3A_54 = arith.constant 0.000000e+00 : f32
      %max3A_55 = vector.broadcast %max3A_54 : f32 to vector<64x128xf32>
      %max3A_56 = arith.maximumf %add3A_53, %max3A_55 : vector<64x128xf32>
      %get3A_57 = arith.constant 0 : index
      %get3A_58 = arith.constant 0 : index
      %get3A_59 = vector.load %arg5[%get3A_57, %get3A_58] : memref<128x128xf32, #tpu.memory_space<vmem>>, vector<128x128xf32>
      %dot_general3A_60 = arith.constant dense<0.000000e+00> : vector<64x128xf32>
      %dot_general3A_61 = tpu.matmul %max3A_56, %get3A_59, %dot_general3A_60 {dimension_numbers = #tpu.dot_dimension_numbers<[1], [0], [0], [1], [0, 0, 1, 1], [], []>, transpose_lhs_hint = false} : vector<64x128xf32>, vector<128x128xf32>, vector<64x128xf32> -> vector<64x128xf32>
      %get3A_62 = arith.constant 0 : index
      %get3A_63 = arith.constant 0 : index
      %get3A_64 = vector.load %arg6[%get3A_62, %get3A_63] : memref<1x128xf32, #tpu.memory_space<vmem>>, vector<1x128xf32>
      %add3A_65 = vector.broadcast %get3A_64 : vector<1x128xf32> to vector<64x128xf32>
      %add3A_66 = arith.addf %dot_general3A_61, %add3A_65 : vector<64x128xf32>
      %swap3A_67 = arith.constant 0 : index
      %swap3A_68 = arith.constant 0 : index
      %swap3A_69 = vector.load %arg9[%swap3A_67, %swap3A_68] : memref<64x128xf32, #tpu.memory_space<vmem>>, vector<64x128xf32>
      tpu.vector_store %arg9[%swap3A_67, %swap3A_68], %add3A_66 {strides = array<i32>} : memref<64x128xf32, #tpu.memory_space<vmem>>, vector<64x128xf32>,
      %get3A_70 = arith.constant 0 : index
      %get3A_71 = arith.constant 0 : index
      %get3A_72 = vector.load %arg7[%get3A_70, %get3A_71] : memref<256x128xf32, #tpu.memory_space<vmem>>, vector<256x128xf32>
      %dot_general3A_73 = arith.constant dense<0.000000e+00> : vector<64x128xf32>
      %dot_general3A_74 = tpu.matmul %concatenate3A, %get3A_72, %dot_general3A_73 {dimension_numbers = #tpu.dot_dimension_numbers<[1], [0], [0], [1], [0, 0, 1, 1], [], []>, transpose_lhs_hint = false} : vector<64x256xf32>, vector<256x128xf32>, vector<64x128xf32> -> vector<64x128xf32>
      %get3A_75 = arith.constant 0 : index
      %get3A_76 = arith.constant 0 : index
      %get3A_77 = vector.load %arg8[%get3A_75, %get3A_76] : memref<1x128xf32, #tpu.memory_space<vmem>>, vector<1x128xf32>
      %add3A_78 = vector.broadcast %get3A_77 : vector<1x128xf32> to vector<64x128xf32>
      %add3A_79 = arith.addf %dot_general3A_74, %add3A_78 : vector<64x128xf32>
      %logistic3A = arith.negf %add3A_79 : vector<64x128xf32>
      %logistic3A_80 = math.exp %logistic3A : vector<64x128xf32>
      %logistic3A_81 = arith.constant 1.000000e+00 : f32
      %logistic3A_82 = vector.broadcast %logistic3A_81 : f32 to vector<64x128xf32>
      %logistic3A_83 = arith.addf %logistic3A_82, %logistic3A_80 : vector<64x128xf32>
      %logistic3A_84 = arith.divf %logistic3A_82, %logistic3A_83 : vector<64x128xf32>
      %swap3A_85 = arith.constant 0 : index
      %swap3A_86 = arith.constant 0 : index
      %swap3A_87 = vector.load %arg10[%swap3A_85, %swap3A_86] : memref<64x128xf32, #tpu.memory_space<vmem>>, vector<64x128xf32>
      tpu.vector_store %arg10[%swap3A_85, %swap3A_86], %logistic3A_84 {strides = array<i32>} : memref<64x128xf32, #tpu.memory_space<vmem>>, vector<64x128xf32>,
    } else {
    }
    return
  }
  func.func @transform_0(%arg0: i32) -> (i32, i32) {
    %c0_i32 = arith.constant 0 : i32
    %c0_i32_0 = arith.constant 0 : i32
    return %arg0, %c0_i32 : i32, i32
  }
  func.func @transform_1(%arg0: i32) -> (i32, i32, i32) {
    %c0_i32 = arith.constant 0 : i32
    %c0_i32_0 = arith.constant 0 : i32
    %c0_i32_1 = arith.constant 0 : i32
    return %arg0, %c0_i32, %c0_i32_0 : i32, i32, i32
  }
  func.func @transform_2(%arg0: i32) -> (i32, i32) {
    %c0_i32 = arith.constant 0 : i32
    %c0_i32_0 = arith.constant 0 : i32
    %c0_i32_1 = arith.constant 0 : i32
    return %c0_i32, %c0_i32_0 : i32, i32
  }
  func.func @transform_3(%arg0: i32) -> (i32, i32) {
    %c0_i32 = arith.constant 0 : i32
    %c0_i32_0 = arith.constant 0 : i32
    %c0_i32_1 = arith.constant 0 : i32
    return %c0_i32, %c0_i32_0 : i32, i32
  }
  func.func @transform_4(%arg0: i32) -> (i32, i32) {
    %c0_i32 = arith.constant 0 : i32
    %c0_i32_0 = arith.constant 0 : i32
    %c0_i32_1 = arith.constant 0 : i32
    return %c0_i32, %c0_i32_0 : i32, i32
  }
  func.func @transform_5(%arg0: i32) -> (i32, i32) {
    %c0_i32 = arith.constant 0 : i32
    %c0_i32_0 = arith.constant 0 : i32
    %c0_i32_1 = arith.constant 0 : i32
    return %c0_i32, %c0_i32_0 : i32, i32
  }
  func.func @transform_6(%arg0: i32) -> (i32, i32) {
    %c0_i32 = arith.constant 0 : i32
    %c0_i32_0 = arith.constant 0 : i32
    %c0_i32_1 = arith.constant 0 : i32
    return %c0_i32, %c0_i32_0 : i32, i32
  }
  func.func @transform_7(%arg0: i32) -> (i32, i32) {
    %c0_i32 = arith.constant 0 : i32
    %c0_i32_0 = arith.constant 0 : i32
    %c0_i32_1 = arith.constant 0 : i32
    return %c0_i32, %c0_i32_0 : i32, i32
  }
  func.func @transform_8(%arg0: i32) -> (i32, i32) {
    %c0_i32 = arith.constant 0 : i32
    %c0_i32_0 = arith.constant 0 : i32
    %c0_i32_1 = arith.constant 0 : i32
    return %c0_i32, %c0_i32_0 : i32, i32
  }
  func.func @transform_9(%arg0: i32) -> (i32, i32) {
    %c0_i32 = arith.constant 0 : i32
    %c0_i32_0 = arith.constant 0 : i32
    %c0_i32_1 = arith.constant 0 : i32
    return %c0_i32, %c0_i32_0 : i32, i32
  }
}

</mosaic_0001>

<sc_bundles>
// kernel: kernel.17.cloned.1.call-start
scs
__scs_entry_jumppad:
0x0: {  	(pc) =	sbr.rel $0x88, $3  }
0x1: {  	(tag) =	ssettag $0x0;
	lr =	simm.s32 $0x1  }
0x2: {  	[smem:$0x3F79] =	sst lr;
	_ =	strace $0xD0000000  }
0x3: {  	_ = 	snop  }
0x4: {  	_ = 	snop  }
0x5: {  	_ = 	snop  }
0x6: {  	_ = 	snop  }
0x7: {  	_ = 	snop  }
__scs_overlays_trampoline_lowered:
0x8: {  	[smem:$0x3F88] =	sst s0  }
0x9: {  	[smem:$0x3F89] =	sst s1  }
0xa: {  	[smem:$0x3F8A] =	sst s2  }
0xb: {  	[smem:$0x3F8B] =	sst s3  }
0xc: {  	[smem:$0x3F8C] =	sst s4  }
0xd: {  	[smem:$0x3F8D] =	sst s5  }
0xe: {  	[smem:$0x3F8E] =	sst s6  }
0xf: {  	[smem:$0x3F8F] =	sst s7  }
0x10: {  	[smem:$0x3F90] =	sst s8  }
0x11: {  	[smem:$0x3F91] =	sst s9;
	s0 =	simm.s32 @!p0 $0x0  }
0x12: {  	s1 =	sld [smem:$0x3F77];
	s0 =	simm.s32 @p0 $0x1  }
0x13: {  	[smem:$0x3F92] =	sst s0;
	s0 =	simm.s32 @!p1 $0x0  }
0x14: {  	s2 =	sld [smem:$0x3F76];
	s0 =	simm.s32 @p1 $0x1  }
0x15: {  	[smem:$0x3F93] =	sst s0;
	s0 =	simm.s32 @!p2 $0x0  }
0x16: {  	s3 =	sld [smem:$0x3FDB];
	s0 =	simm.s32 @p2 $0x1  }
0x17: {  	s4 =	simm.s32 $0x1BF5;
	[smem:$0x3F95] =	sst s0  }
0x18: {  	s0 =	sld [smem:$0x3F78];
	_ =	swait.ge [sflag:s4], $0x0  }
0x19: {  	s7 =	sld [smem:$0x3F79]  }
0x1a: {  	s8 =	sadd.s32 $0xFFFFE003, lr  }
0x1b: {  	s9 =	sadd.s32 $0xFFFFFEF7, lr;
	s5 =	simm.s32 $0xFFFFFFFF;
	p2 =	slt.u32 s8, $0xFFFFF086  }
0x1c: {  	p1 =	slt.u32 s9, $0xF7A;
	s5 =	simm.s32 @!p2 $0x0  }
0x1d: {  	s5 =	simm.s32 @p1 $0x1;
	p0 =	seq.s32 s7, s2  }
0x1e: {  	s7 =	smul.u32 @!p0 $0xF7A, s2;
	p2 =	seq.s32 @!p0 s5, $0x0  }
0x1f: {  	s9 =	smul.u32 $0xF7A, s1;
	s8 =	simm.s32 @!p0 $0x1BF5;
	p2 =	por !p2, p0  }
0x20: {  	[sflag:s8] =	ssyncset.s32 @!p0 $0xFFFFF086;
	s6 =	sadd.s32 @!p0 s3, s7;
	s7 =	simm.s32 @!p0 $0x108  }
0x21: {  	s3 =	sadd.s32 s3, s9;
	s6 =	sadd.s32 @!p0 $0x88, s6;
	s7 =	simm.s32 @p2 $0x1082  }
0x22: {  	[simem:s7], [sflag:s8] =	dma.local @!p0 [hbm:s6], $0xF7A  }
0x23: {  	s9 =	sor.u32 $0xD0000000, s2;
	s6 =	simm.s32 $0x108;
	_ =	swait.ge @!p0 [sflag:s8], $0x0  }
0x24: {  	s3 =	sadd.s32 $0x88, s3;
	s6 =	simm.s32 @!p1 $0x1082;
	[sflag:s4] =	ssyncset.s32 $0xFFFFF086  }
0x25: {  	[simem:s6], [sflag:s4] =	dma.local [hbm:s3], $0xF7A  }
0x26: {  	[smem:$0x3F79] =	sst s1;
	(tag) =	ssettag s2;
	_ =	strace s9  }
0x27: {  	s1 =	sld [smem:$0x3F89]  }
0x28: {  	s2 =	sld [smem:$0x3F8A]  }
0x29: {  	s4 =	sld [smem:$0x3F8C]  }
0x2a: {  	p0 =	seq.s32 s5, $0x0;
	s5 =	sld [smem:$0x3F8D]  }
0x2b: {  	s6 =	sld [smem:$0x3F8E]  }
0x2c: {  	s7 =	sld [smem:$0x3F8F]  }
0x2d: {  	s3 =	simm.s32 $0x108;
	s8 =	sld [smem:$0x3F90]  }
0x2e: {  	s3 =	simm.s32 @!p0 $0x1082;
	s9 =	sld [smem:$0x3F91]  }
0x2f: {  	lr =	sadd.s32 s0, s3;
	s0 =	sld [smem:$0x3F88]  }
0x30: {  	s3 =	sld [smem:$0x3F8B]  }
0x31: {  	[smem:$0x3F94] =	sst s10  }
0x32: {  	s10 =	sld [smem:$0x3F92];
	_ =	sdelay $0x3  }
0x33: {  	p0 =	seq.s32 s10, $0x1;
	s10 =	sld [smem:$0x3F94];
	_ =	sdelay $0x3  }
0x34: {  	[smem:$0x3F94] =	sst s10  }
0x35: {  	s10 =	sld [smem:$0x3F93];
	_ =	sdelay $0x3  }
0x36: {  	p1 =	seq.s32 s10, $0x1;
	s10 =	sld [smem:$0x3F94];
	_ =	sdelay $0x3  }
0x37: {  	[smem:$0x3F94] =	sst s10  }
0x38: {  	s10 =	sld [smem:$0x3F95]  }
0x39: {  	_ = 	snop;
	(pc) =	sbr.ind lr, $3  }
0x3a: {  	_ = 	snop  }
0x3b: {  	_ = 	snop  }
0x3c: {  	p2 =	seq.s32 s10, $0x1;
	s10 =	sld [smem:$0x3F94]  }
0x3d: {  	_ =	shalt  }
0x3e: {  	_ =	shalt  }
0x3f: {  	_ =	shalt  }
0x40: {  	_ =	shalt  }
0x41: {  	_ =	shalt  }
0x42: {  	_ =	shalt  }
0x43: {  	_ =	shalt  }
0x44: {  	_ =	shalt  }
0x45: {  	_ =	shalt  }
0x46: {  	_ =	shalt  }
0x47: {  	_ =	shalt  }
0x48: {  	_ =	shalt  }
0x49: {  	_ =	shalt  }
0x4a: {  	_ =	shalt  }
0x4b: {  	_ =	shalt  }
0x4c: {  	_ =	shalt  }
0x4d: {  	_ =	shalt  }
0x4e: {  	_ =	shalt  }
0x4f: {  	_ =	shalt  }
0x50: {  	_ =	shalt  }
0x51: {  	_ =	shalt  }
0x52: {  	_ =	shalt  }
0x53: {  	_ =	shalt  }
0x54: {  	_ =	shalt  }
0x55: {  	_ =	shalt  }
0x56: {  	_ =	shalt  }
0x57: {  	_ =	shalt  }
0x58: {  	_ =	shalt  }
0x59: {  	_ =	shalt  }
0x5a: {  	_ =	shalt  }
0x5b: {  	_ =	shalt  }
0x5c: {  	_ =	shalt  }
0x5d: {  	_ =	shalt  }
0x5e: {  	_ =	shalt  }
0x5f: {  	_ =	shalt  }
0x60: {  	_ =	shalt  }
0x61: {  	_ =	shalt  }
0x62: {  	_ =	shalt  }
0x63: {  	_ =	shalt  }
0x64: {  	_ =	shalt  }
0x65: {  	_ =	shalt  }
0x66: {  	_ =	shalt  }
0x67: {  	_ =	shalt  }
0x68: {  	_ =	shalt  }
0x69: {  	_ =	shalt  }
0x6a: {  	_ =	shalt  }
0x6b: {  	_ =	shalt  }
0x6c: {  	_ =	shalt  }
0x6d: {  	_ =	shalt  }
0x6e: {  	_ =	shalt  }
0x6f: {  	_ =	shalt  }
0x70: {  	_ =	shalt  }
0x71: {  	_ =	shalt  }
0x72: {  	_ =	shalt  }
0x73: {  	_ =	shalt  }
0x74: {  	_ =	shalt  }
0x75: {  	_ =	shalt  }
0x76: {  	_ =	shalt  }
0x77: {  	_ =	shalt  }
0x78: {  	_ =	shalt  }
0x79: {  	_ =	shalt  }
0x7a: {  	_ =	shalt  }
0x7b: {  	_ =	shalt  }
0x7c: {  	_ =	shalt  }
0x7d: {  	_ =	shalt  }
0x7e: {  	_ =	shalt  }
0x7f: {  	_ =	shalt  }
0x80: {  	_ =	shalt  }
0x81: {  	_ =	shalt  }
0x82: {  	_ =	shalt  }
0x83: {  	_ =	shalt  }
0x84: {  	_ =	shalt  }
0x85: {  	_ =	shalt  }
0x86: {  	_ =	shalt  }
0x87: {  	_ =	shalt  }
.Lfunc_end0:
.L_simem_size_0:
called_computation_lowered:
.L_overlay_start_0:
0x88: {  	s2 =	sld [smem:$0x3FD9]  }
0x89: {  	s3 =	sld [smem:$0x3FFE];
	_ =	sdelay $0x1  }
0x8a: {  	s1 =	srdreg.scid  }
0x8b: {  	s0 =	sand.u32 $0x1, s1  }
0x8c: {  	s16 =	sshll.u32 s0, $0xA;
	s2 =	sadd.s32 s3, s2  }
0x8d: {  	s2 =	sadd.s32 s2, s16  }
0x8e: {  	[smem:$0x3FA0] =	sst s2  }
0x8f: {  	_ = 	snop  }
0x90: {  	(tm) =	ssettm $0x1  }
0x91: {  	s17 =	sld [smem:$0x3FFB];
	_ =	sdelay $0x3  }
0x92: {  	_ =	strace s17  }
0x93: {  	s2 =	sld [smem:$0x3FFC];
	_ =	sdelay $0x3  }
0x94: {  	_ =	strace s2  }
0x95: {  	s2 =	sld [smem:$0x3FFD];
	_ =	sdelay $0x3  }
0x96: {  	_ =	strace s2  }
0x97: {  	_ =	strace $0x8FFFFFFF  }
0x98: {  	s18 =	sld [smem:$0x3FDB];
	_ =	sdelay $0x1  }
0x99: {  	s19 =	simm.s32 $_scs_section_size  }
0x9a: {  	s4 =	simm.s32 $_size__tile_overlayer_lowered;
	s5 =	simm.s32 $_tile_overlayer_lowered  }
0x9b: {  	s22 =	simm.s32 $0x1BFF;
	s21 =	sshll.u32 s5, $0x1;
	s2 =	sadd.s32 s19, s18  }
0x9c: {  	s6 =	simm.s32 $0x0;
	s20 =	sshll.u32 s4, $0x1;
	s4 =	sadd.s32 s21, s2  }
0x9d: {  	[timem:s6], [sflag:s22] =	dma.local [hbm:s4], s20  }
0x9e: {  	_ =	swait.ge [sflag:s22], s20  }
0x9f: {  	s3 =	ssub.s32 $0x0, s20;
	[sflag:s22] =	ssyncset.done $0x0  }
0xa0: {  	[sflag:s22] =	ssyncadd.s32 s3;
	_ =	sdelay $0x1  }
0xa1: {  	s23 =	simm.s32 $0x1B8B  }
0xa2: {  	_ =	swait.ge [sflag:s23], $0x1  }
0xa3: {  	[sflag:s23] =	ssyncset.done $0x0  }
0xa4: {  	s25 =	simm.s32 $0x1B8E;
	s24 =	sld [smem:$0x3FFE];
	[sflag:s23] =	ssyncadd.s32 $0xFFFFFFFF  }
0xa5: {  	s26 =	simm.s32 $execute0_lowered;
	[smem:$0x3FD2] =	sst s25  }
0xa6: {  	s4 =	sshll.u32 s26, $0x1;
	_ =	strace $0x80000046;
	[dreg:$0x1] =	wrdreg $0xFFFFFFFF  }
0xa7: {  	s28 =	simm.s32 $_size_execute0_lowered;
	s2 =	sadd.s32 s2, s4;
	[dreg:$0x0] =	wrdreg $0x0  }
0xa8: {  	s4 =	sshll.u32 s28, $0x1;
	[dreg:$0x2] =	wrdreg s2  }
0xa9: {  	[dreg:$0x3] =	wrdreg s4  }
0xaa: {  	[dreg:$0x4] =	wrdreg $0xC0  }
0xab: {  	_ =	task [dreg:s6], $0x5FFFF  }
0xac: {  	[dreg:$0x1] =	wrdreg $0xFFFFFFFF  }
0xad: {  	[dreg:$0x0] =	wrdreg $0x60  }
0xae: {  	[dreg:$0x2] =	wrdreg s24  }
0xaf: {  	[dreg:$0x3] =	wrdreg $0x2D000  }
0xb0: {  	[dreg:$0x4] =	wrdreg $0x9  }
0xb1: {  	_ =	task.clear_ibuf [dreg:s6], $0x5FFFF;
	_ =	strace $0x90000046  }
0xb2: {  	s29 =	simm.s32 $0x9;
	_ =	strace $0x80000048  }
0xb3: {  	_ =	swait.ge [sflag:s29], $0x1  }
0xb4: {  	[sflag:s29] =	ssyncadd.s32 $0xFFFFFFFF  }
0xb5: {  	_ =	strace $0x90000048  }
0xb6: {  	_ =	sfence  }
0xb7: {  	s30 =	sld [smem:$0x0];
	_ =	sdelay $0x2  }
0xb8: {  	s31 =	sshll.u32 s1, $0xD;
	s1 =	sshrl.u32 s1, $0x2  }
0xb9: {  	s3 =	sand.u32 $0x4000, s31;
	s1 =	sadd.s32 s1, s30  }
0xba: {  	s0 =	sor.u32 s3, s0;
	s1 =	sshll.u32 s1, $0x11  }
0xbb: {  	s0 =	sor.u32 s1, s0  }
0xbc: {  	s0 =	sadd.s32 $0x8F2B, s0  }
0xbd: {  	[sflag:s0] =	ssyncadd.remote.s32 $0x1  }
0xbe: {  	_ =	sfence.sel $0xFFFF  }
0xbf: {  	[dreg:$0x0] =	wrdreg $0xFFFFFFFF;
	(pc) =	sbr.abs _section_cstart, $3  }
0xc0: {  	[dreg:$0x1] =	wrdreg $0xFFFFFFFF  }
0xc1: {  	_ =	task.clear_ibuf [dreg:s6], $0x2FFFF;
	_ =	strace $0x9FFFFFFF  }
0xc2: {  	(tm) =	ssettm $0x7FFFFFFF  }
0xc3: {  	_ =	shalt  }
tec
execute0_lowered:
.L_overlay_start_1:
0x0: {  	(tag) =	ssettag $0x1  }
0x1: {  	s5 =	rddreg [dreg:$0x0]  }
0x2: {  	s2 =	rddreg [dreg:$0x1]  }
0x3: {  	s0 =	srdreg.scid;
	s1 =	rddreg [dreg:$0x2]  }
0x4: {  	s3 =	simm.s32 $0x0;
	s11 =	simm.s32 $0x2;
	s6 =	sand.u32 $0x1, s0  }
0x5: {  	s12 =	simm.s32 $0x80;
	s0 =	stileid.u32;
	s4 =	smul.u32 $0x27100, s6  }
0x6: {  	s13 =	simm.s32 $0x50;
	s14 =	simm.s32 $0x100;
	s7 =	smul.u32 $0x2710, s0  }
0x7: {  	s15 =	simm.s32 $0x1;
	[smem:$0x7FF] =	sst s3;
	s8 =	smul.u32 $0x13C000, s6  }
0x8: {  	s18 =	simm.s32 $0x0;
	s9 =	smul.u32 $0x13C00, s0;
	_ =	strace $0x80000047  }
0x9: {  	s6 =	ssub.s32 $0x2, s6;
	s28 =	smul.u32 $0x4F000, s0;
	s16 =	sshll.u32 s0, $0x6  }
0xa: {  	s30 =	sshrl.u32 s6, $0x1;
	s16 =	sor.u32 $0x1C02, s16;
	s7 =	sadd.s32 s7, s4  }
0xb: {  	s4 =	sadd.s32 $0x1A400, s5;
	s8 =	sadd.s32 s9, s8;
	s31 =	sshrl.u32 s28, $0x2  }
0xc: {  	s7 =	sshrl.u32 s7, $0x3;
	s29 =	sshrl.u32 s8, $0x3;
	s8 =	ssub.s32 s6, s30  }
0xd: {  	s10 =	sadd.s32 s7, s5;
	s7 =	sadd.s32 s29, s5;
	s5 =	sadd.s32 s31, s2  }
0xe: {  	s6 =	sadd.s32 $0x41600, s7;
	s7 =	smax.u32 s8, $0x1;
	s8 =	sadd.s32 $0x6800, s10  }
0xf: {  	v0 =	vimm.f32 $0.0e+00;
	s9 =	sadd.s32 $0x10600, s10;
	s10 =	simm.s32 $0x2900;
	s17 =	sshrl.u32 s5, $0x3  }
.LBB2_1:
0x10: {  	[tilespmem:$0x2900] =	vst v0  }
0x11: {  	[tilespmem:$0x2910] =	vst v0  }
0x12: {  	[tilespmem:$0x2920] =	vst v0  }
0x13: {  	[tilespmem:$0x2930] =	vst v0  }
0x14: {  	[tilespmem:$0x2940] =	vst v0  }
0x15: {  	[tilespmem:$0x2950] =	vst v0  }
0x16: {  	[tilespmem:$0x2960] =	vst v0  }
0x17: {  	[tilespmem:$0x2970] =	vst v0  }
0x18: {  	[tilespmem:$0x2980] =	vst v0  }
0x19: {  	[tilespmem:$0x2990] =	vst v0  }
0x1a: {  	[tilespmem:$0x29A0] =	vst v0  }
0x1b: {  	[tilespmem:$0x29B0] =	vst v0  }
0x1c: {  	[tilespmem:$0x29C0] =	vst v0  }
0x1d: {  	[tilespmem:$0x29D0] =	vst v0  }
0x1e: {  	[tilespmem:$0x29E0] =	vst v0  }
0x1f: {  	[tilespmem:$0x29F0] =	vst v0  }
0x20: {  	[tilespmem:$0x2A00] =	vst v0  }
0x21: {  	[tilespmem:$0x2A10] =	vst v0  }
0x22: {  	[tilespmem:$0x2A20] =	vst v0  }
0x23: {  	[tilespmem:$0x2A30] =	vst v0  }
0x24: {  	[tilespmem:$0x2A40] =	vst v0  }
0x25: {  	[tilespmem:$0x2A50] =	vst v0  }
0x26: {  	[tilespmem:$0x2A60] =	vst v0  }
0x27: {  	[tilespmem:$0x2A70] =	vst v0  }
0x28: {  	[tilespmem:$0x2A80] =	vst v0  }
0x29: {  	[tilespmem:$0x2A90] =	vst v0  }
0x2a: {  	[tilespmem:$0x2AA0] =	vst v0  }
0x2b: {  	[tilespmem:$0x2AB0] =	vst v0  }
0x2c: {  	[tilespmem:$0x2AC0] =	vst v0  }
0x2d: {  	[tilespmem:$0x2AD0] =	vst v0  }
0x2e: {  	[tilespmem:$0x2AE0] =	vst v0  }
0x2f: {  	[tilespmem:$0x2AF0] =	vst v0  }
0x30: {  	[tilespmem:$0x2B00] =	vst v0  }
0x31: {  	[tilespmem:$0x2B10] =	vst v0  }
0x32: {  	[tilespmem:$0x2B20] =	vst v0  }
0x33: {  	[tilespmem:$0x2B30] =	vst v0  }
0x34: {  	[tilespmem:$0x2B40] =	vst v0  }
0x35: {  	[tilespmem:$0x2B50] =	vst v0  }
0x36: {  	[tilespmem:$0x2B60] =	vst v0  }
0x37: {  	[tilespmem:$0x2B70] =	vst v0  }
0x38: {  	[tilespmem:$0x2B80] =	vst v0  }
0x39: {  	[tilespmem:$0x2B90] =	vst v0  }
0x3a: {  	[tilespmem:$0x2BA0] =	vst v0  }
0x3b: {  	[tilespmem:$0x2BB0] =	vst v0  }
0x3c: {  	[tilespmem:$0x2BC0] =	vst v0  }
0x3d: {  	[tilespmem:$0x2BD0] =	vst v0  }
0x3e: {  	[tilespmem:$0x2BE0] =	vst v0  }
0x3f: {  	[tilespmem:$0x2BF0] =	vst v0  }
0x40: {  	[tilespmem:$0x2C00] =	vst v0  }
0x41: {  	[tilespmem:$0x2C10] =	vst v0  }
0x42: {  	[tilespmem:$0x2C20] =	vst v0  }
0x43: {  	[tilespmem:$0x2C30] =	vst v0  }
0x44: {  	[tilespmem:$0x2C40] =	vst v0  }
0x45: {  	[tilespmem:$0x2C50] =	vst v0  }
0x46: {  	[tilespmem:$0x2C60] =	vst v0  }
0x47: {  	[tilespmem:$0x2C70] =	vst v0  }
0x48: {  	[tilespmem:$0x2C80] =	vst v0  }
0x49: {  	[tilespmem:$0x2C90] =	vst v0  }
0x4a: {  	[tilespmem:$0x2CA0] =	vst v0  }
0x4b: {  	[tilespmem:$0x2CB0] =	vst v0  }
0x4c: {  	[tilespmem:$0x2CC0] =	vst v0  }
0x4d: {  	[tilespmem:$0x2CD0] =	vst v0  }
0x4e: {  	[tilespmem:$0x2CE0] =	vst v0  }
0x4f: {  	[tilespmem:$0x2CF0] =	vst v0;
	s19 =	sadd.s32 $0x0, s5  }
0x50: {  	[spmem:s19] =	stream.linear.scatter [tilespmem:s10], [sflag:$0x2], $0x400, $0x38;
	[tilespmem:$0x16900] =	vst v63  }
0x51: {  	s19 =	simm.s32 $0x1000;
	_ =	swait.ge [sflag:s11], $0x400  }
.LBB2_2:
0x52: {  	s20 =	sshra.s32 s19, $0x2;
	[sflag:s11] =	ssyncset.done $0x0;
	p0 =	sne.s32 s19, $0x4E000  }
.Ltmp0:
0x53: {  	s20 =	sadd.s32 s20, s5;
	[sflag:s11] =	ssyncadd.s32 $0xFFFFFC00;
	(pc) =	sbr.rel @p0 .LBB2_2-.Ltmp0, $3  }
0x54: {  	[spmem:s20] =	stream.linear.scatter [tilespmem:s10], [sflag:$0x2], $0x400, $0x38;
	[tilespmem:$0x16900] =	vst v63  }
0x55: {  	s19 =	sadd.s32 $0x1000, s19;
	_ =	sdelay $0x1  }
0x56: {  	_ =	swait.ge [sflag:s11], $0x400  }
0x57: {  	[sflag:s11] =	ssyncset.done $0x0  }
0x58: {  	[sflag:s11] =	ssyncadd.s32 $0xFFFFFC00  }
0x59: {  	s19 =	sadd.s32 $0x0, s9;
	[bflag:$0x0] =	sbarrier.arrive $0xFFFF  }
0x5a: {  	[tilespmem:s3], [sflag:$0x2] =	stream.linear.gather [hbm4b:s19+s3], $0x50, $0x38;
	[tilespmem:$0x16900] =	vst v63  }
0x5b: {  	_ =	swait.ge [sflag:s11], $0x50  }
0x5c: {  	[sflag:s11] =	ssyncset.done $0x0  }
0x5d: {  	s31 =	sadd.s32 $0x0, s8;
	[sflag:s11] =	ssyncadd.s32 $0xFFFFFFB0  }
0x5e: {  	[tilespmem:s12], [sflag:$0x2] =	stream.linear.gather [hbm4b:s31+s3], $0x50, $0x38;
	[tilespmem:$0x16900] =	vst v63  }
0x5f: {  	_ =	swait.ge [sflag:s11], $0x50  }
0x60: {  	[sflag:s11] =	ssyncset.done $0x0  }
0x61: {  	[sflag:s11] =	ssyncadd.s32 $0xFFFFFFB0  }
0x62: {  	[tilespmem:s14], [sflag:$0x1] =	stream.indirect.gather [hbm4b:s4+s13], $0x80, s3, s13, $0xb8;
	[tilespmem:$0x16900] =	vst v63  }
0x63: {  	_ =	swait.ge [sflag:s15], $0x2800  }
0x64: {  	[sflag:s15] =	ssyncset.done $0x0  }
0x65: {  	[sflag:s15] =	ssyncadd.s32 $0xFFFFD800  }
0x66: {  	[spmem:s2] =	stream.indirect.scatter.add.f32 [tilespmem:s14], [sflag:$0x2], $0x80, s12, s13, $0xb8;
	[tilespmem:$0x16900] =	vst v63  }
0x67: {  	_ =	swait.ge [sflag:s11], $0x2800  }
0x68: {  	s20 =	simm.s32 $0x14;
	s19 =	simm.s32 $0xA;
	[sflag:s11] =	ssyncset.done $0x0  }
.LBB2_4:
0x69: {  	s21 =	sadd.s32 s19, s9  }
0x6a: {  	[sflag:s11] =	ssyncadd.s32 $0xFFFFD800;
	s22 =	smov.u32 s20;
	s23 =	sadd.s32 $0xA, s20  }
0x6b: {  	[tilespmem:s3], [sflag:$0x2] =	stream.linear.gather [hbm4b:s21+s3], $0x50, $0x38;
	[tilespmem:$0x16900] =	vst v63  }
0x6c: {  	p0 =	sne.s32 s20, $0x4D8;
	_ =	swait.ge [sflag:s11], $0x50  }
0x6d: {  	[sflag:s11] =	ssyncset.done $0x0  }
0x6e: {  	s20 =	sadd.s32 s19, s8;
	s19 =	smov.u32 s22;
	[sflag:s11] =	ssyncadd.s32 $0xFFFFFFB0  }
0x6f: {  	[tilespmem:s12], [sflag:$0x2] =	stream.linear.gather [hbm4b:s20+s3], $0x50, $0x38;
	[tilespmem:$0x16900] =	vst v63  }
0x70: {  	_ =	swait.ge [sflag:s11], $0x50  }
0x71: {  	[sflag:s11] =	ssyncset.done $0x0  }
0x72: {  	[sflag:s11] =	ssyncadd.s32 $0xFFFFFFB0  }
0x73: {  	[tilespmem:s14], [sflag:$0x1] =	stream.indirect.gather [hbm4b:s4+s13], $0x80, s3, s13, $0xb8;
	[tilespmem:$0x16900] =	vst v63  }
0x74: {  	_ =	swait.ge [sflag:s15], $0x2800  }
.Ltmp1:
0x75: {  	[sflag:s15] =	ssyncset.done $0x0;
	(pc) =	sbr.rel @p0 .LBB2_4-.Ltmp1, $4  }
0x76: {  	[sflag:s15] =	ssyncadd.s32 $0xFFFFD800  }
0x77: {  	[spmem:s2] =	stream.indirect.scatter.add.f32 [tilespmem:s14], [sflag:$0x2], $0x80, s12, s13, $0xb8;
	[tilespmem:$0x16900] =	vst v63  }
0x78: {  	_ =	swait.ge [sflag:s11], $0x2800  }
0x79: {  	s20 =	smov.u32 s23;
	[sflag:s11] =	ssyncset.done $0x0  }
0x7a: {  	s20 =	sadd.s32 s19, s9;
	[sflag:s11] =	ssyncadd.s32 $0xFFFFD800  }
0x7b: {  	[tilespmem:s3], [sflag:$0x2] =	stream.linear.gather [hbm4b:s20+s3], $0x50, $0x38;
	[tilespmem:$0x16900] =	vst v63  }
0x7c: {  	_ =	swait.ge [sflag:s11], $0x50  }
0x7d: {  	[sflag:s11] =	ssyncset.done $0x0  }
0x7e: {  	s31 =	sadd.s32 s19, s8;
	[sflag:s11] =	ssyncadd.s32 $0xFFFFFFB0  }
0x7f: {  	[tilespmem:s12], [sflag:$0x2] =	stream.linear.gather [hbm4b:s31+s3], $0x50, $0x38;
	[tilespmem:$0x16900] =	vst v63  }
0x80: {  	_ =	swait.ge [sflag:s11], $0x50  }
0x81: {  	[sflag:s11] =	ssyncset.done $0x0  }
0x82: {  	[sflag:s11] =	ssyncadd.s32 $0xFFFFFFB0  }
0x83: {  	[tilespmem:s14], [sflag:$0x1] =	stream.indirect.gather [hbm4b:s4+s13], $0x80, s3, s13, $0xb8;
	[tilespmem:$0x16900] =	vst v63  }
0x84: {  	_ =	swait.ge [sflag:s15], $0x2800  }
0x85: {  	[sflag:s15] =	ssyncset.done $0x0  }
0x86: {  	[sflag:s15] =	ssyncadd.s32 $0xFFFFD800  }
0x87: {  	[spmem:s2] =	stream.indirect.scatter.add.f32 [tilespmem:s14], [sflag:$0x2], $0x80, s12, s13, $0xb8;
	[tilespmem:$0x16900] =	vst v63  }
0x88: {  	_ =	swait.ge [sflag:s11], $0x2800  }
0x89: {  	s18 =	sadd.s32 $0x1, s18;
	[sflag:s11] =	ssyncset.done $0x0  }
0x8a: {  	p0 =	sne.s32 s18, s7;
	[sflag:s11] =	ssyncadd.s32 $0xFFFFD800  }
.Ltmp2:
0x8b: {  	[bflag:$0x0] =	sbarrier.arrive $0xFFFF;
	(pc) =	sbr.rel @p0 .LBB2_1-.Ltmp2, $4  }
0x8c: {  	[hbm:s6], [sflag:s16] =	dma.local [spmem:s17], $0x2780  }
0x8d: {  	_ =	swait.ge [sflag:s11], $0x2780  }
0x8e: {  	[sflag:s11] =	ssyncset.done $0x0  }
0x8f: {  	[sflag:s11] =	ssyncadd.s32 $0xFFFFD880  }
0x90: {  	_ =	sfence.sel $0x180000  }
0x91: {  	[bflag:$0x0] =	sbarrier.arrive $0xFFFF  }
0x92: {  	p0 =	sne.s32 s0, $0x0;
	_ =	strace $0x90000047  }
0x93: {  	s0 =	sadd.s32 @!p0 $0x100000, s1;
	[bflag:$0x2] =	sbarrier.arrive $0xFFFF  }
0x94: {  	[sflag:s0] =	ssyncadd.tile.s32 @!p0 $0x1;
	_ =	shalt  }
.Lfunc_end2:
_tile_overlayer_lowered:
.L_overlay_start_2:
0x95: {  	(tag) =	ssettag $0x2  }
0x96: {  	s0 =	rddreg [dreg:$0x0];
	s2 =	stileid.u32  }
0x97: {  	s1 =	rddreg [dreg:$0x1];
	p0 =	sne.s32 s2, $0x0  }
0x98: {  	s3 =	rddreg [dreg:$0x2];
	[bflag:$0x3] =	sbarrier.arrive $0xFFFF;
	s2 =	simm.s32 @!p0 $0x1C02  }
0x99: {  	[timem:s3], [sflag:s2] =	dma.local @!p0 [hbm:s0], s1  }
0x9a: {  	s0 =	simm.s32 @!p0 $0x2  }
0x9b: {  	_ =	swait.ge @!p0 [sflag:s0], s1  }
0x9c: {  	s1 =	ssub.s32 @!p0 $0x0, s1;
	[sflag:s0] =	ssyncset.done @!p0 $0x0  }
0x9d: {  	[sflag:s0] =	ssyncadd.s32 @!p0 s1  }
0x9e: {  	[bflag:$0x3] =	sbarrier.arrive $0xFFFF  }
0x9f: {  	_ =	shalt  }

// kernel: kernel.20.cloned.1.call-start
scs
__scs_entry_jumppad:
0x0: {  	(pc) =	sbr.rel $0x88, $3  }
0x1: {  	(tag) =	ssettag $0x0;
	lr =	simm.s32 $0x1  }
0x2: {  	[smem:$0x3F79] =	sst lr;
	_ =	strace $0xD0000000  }
0x3: {  	_ = 	snop  }
0x4: {  	_ = 	snop  }
0x5: {  	_ = 	snop  }
0x6: {  	_ = 	snop  }
0x7: {  	_ = 	snop  }
__scs_overlays_trampoline_lowered:
0x8: {  	[smem:$0x3F88] =	sst s0  }
0x9: {  	[smem:$0x3F89] =	sst s1  }
0xa: {  	[smem:$0x3F8A] =	sst s2  }
0xb: {  	[smem:$0x3F8B] =	sst s3  }
0xc: {  	[smem:$0x3F8C] =	sst s4  }
0xd: {  	[smem:$0x3F8D] =	sst s5  }
0xe: {  	[smem:$0x3F8E] =	sst s6  }
0xf: {  	[smem:$0x3F8F] =	sst s7  }
0x10: {  	[smem:$0x3F90] =	sst s8  }
0x11: {  	[smem:$0x3F91] =	sst s9;
	s0 =	simm.s32 @!p0 $0x0  }
0x12: {  	s1 =	sld [smem:$0x3F77];
	s0 =	simm.s32 @p0 $0x1  }
0x13: {  	[smem:$0x3F92] =	sst s0;
	s0 =	simm.s32 @!p1 $0x0  }
0x14: {  	s2 =	sld [smem:$0x3F76];
	s0 =	simm.s32 @p1 $0x1  }
0x15: {  	[smem:$0x3F93] =	sst s0;
	s0 =	simm.s32 @!p2 $0x0  }
0x16: {  	s3 =	sld [smem:$0x3FDB];
	s0 =	simm.s32 @p2 $0x1  }
0x17: {  	s4 =	simm.s32 $0x1BF5;
	[smem:$0x3F95] =	sst s0  }
0x18: {  	s0 =	sld [smem:$0x3F78];
	_ =	swait.ge [sflag:s4], $0x0  }
0x19: {  	s7 =	sld [smem:$0x3F79]  }
0x1a: {  	s8 =	sadd.s32 $0xFFFFE003, lr  }
0x1b: {  	s9 =	sadd.s32 $0xFFFFFEF7, lr;
	s5 =	simm.s32 $0xFFFFFFFF;
	p2 =	slt.u32 s8, $0xFFFFF086  }
0x1c: {  	p1 =	slt.u32 s9, $0xF7A;
	s5 =	simm.s32 @!p2 $0x0  }
0x1d: {  	s5 =	simm.s32 @p1 $0x1;
	p0 =	seq.s32 s7, s2  }
0x1e: {  	s7 =	smul.u32 @!p0 $0xF7A, s2;
	p2 =	seq.s32 @!p0 s5, $0x0  }
0x1f: {  	s9 =	smul.u32 $0xF7A, s1;
	s8 =	simm.s32 @!p0 $0x1BF5;
	p2 =	por !p2, p0  }
0x20: {  	[sflag:s8] =	ssyncset.s32 @!p0 $0xFFFFF086;
	s6 =	sadd.s32 @!p0 s3, s7;
	s7 =	simm.s32 @!p0 $0x108  }
0x21: {  	s3 =	sadd.s32 s3, s9;
	s6 =	sadd.s32 @!p0 $0x88, s6;
	s7 =	simm.s32 @p2 $0x1082  }
0x22: {  	[simem:s7], [sflag:s8] =	dma.local @!p0 [hbm:s6], $0xF7A  }
0x23: {  	s9 =	sor.u32 $0xD0000000, s2;
	s6 =	simm.s32 $0x108;
	_ =	swait.ge @!p0 [sflag:s8], $0x0  }
0x24: {  	s3 =	sadd.s32 $0x88, s3;
	s6 =	simm.s32 @!p1 $0x1082;
	[sflag:s4] =	ssyncset.s32 $0xFFFFF086  }
0x25: {  	[simem:s6], [sflag:s4] =	dma.local [hbm:s3], $0xF7A  }
0x26: {  	[smem:$0x3F79] =	sst s1;
	(tag) =	ssettag s2;
	_ =	strace s9  }
0x27: {  	s1 =	sld [smem:$0x3F89]  }
0x28: {  	s2 =	sld [smem:$0x3F8A]  }
0x29: {  	s4 =	sld [smem:$0x3F8C]  }
0x2a: {  	p0 =	seq.s32 s5, $0x0;
	s5 =	sld [smem:$0x3F8D]  }
0x2b: {  	s6 =	sld [smem:$0x3F8E]  }
0x2c: {  	s7 =	sld [smem:$0x3F8F]  }
0x2d: {  	s3 =	simm.s32 $0x108;
	s8 =	sld [smem:$0x3F90]  }
0x2e: {  	s3 =	simm.s32 @!p0 $0x1082;
	s9 =	sld [smem:$0x3F91]  }
0x2f: {  	lr =	sadd.s32 s0, s3;
	s0 =	sld [smem:$0x3F88]  }
0x30: {  	s3 =	sld [smem:$0x3F8B]  }
0x31: {  	[smem:$0x3F94] =	sst s10  }
0x32: {  	s10 =	sld [smem:$0x3F92];
	_ =	sdelay $0x3  }
0x33: {  	p0 =	seq.s32 s10, $0x1;
	s10 =	sld [smem:$0x3F94];
	_ =	sdelay $0x3  }
0x34: {  	[smem:$0x3F94] =	sst s10  }
0x35: {  	s10 =	sld [smem:$0x3F93];
	_ =	sdelay $0x3  }
0x36: {  	p1 =	seq.s32 s10, $0x1;
	s10 =	sld [smem:$0x3F94];
	_ =	sdelay $0x3  }
0x37: {  	[smem:$0x3F94] =	sst s10  }
0x38: {  	s10 =	sld [smem:$0x3F95]  }
0x39: {  	_ = 	snop;
	(pc) =	sbr.ind lr, $3  }
0x3a: {  	_ = 	snop  }
0x3b: {  	_ = 	snop  }
0x3c: {  	p2 =	seq.s32 s10, $0x1;
	s10 =	sld [smem:$0x3F94]  }
0x3d: {  	_ =	shalt  }
0x3e: {  	_ =	shalt  }
0x3f: {  	_ =	shalt  }
0x40: {  	_ =	shalt  }
0x41: {  	_ =	shalt  }
0x42: {  	_ =	shalt  }
0x43: {  	_ =	shalt  }
0x44: {  	_ =	shalt  }
0x45: {  	_ =	shalt  }
0x46: {  	_ =	shalt  }
0x47: {  	_ =	shalt  }
0x48: {  	_ =	shalt  }
0x49: {  	_ =	shalt  }
0x4a: {  	_ =	shalt  }
0x4b: {  	_ =	shalt  }
0x4c: {  	_ =	shalt  }
0x4d: {  	_ =	shalt  }
0x4e: {  	_ =	shalt  }
0x4f: {  	_ =	shalt  }
0x50: {  	_ =	shalt  }
0x51: {  	_ =	shalt  }
0x52: {  	_ =	shalt  }
0x53: {  	_ =	shalt  }
0x54: {  	_ =	shalt  }
0x55: {  	_ =	shalt  }
0x56: {  	_ =	shalt  }
0x57: {  	_ =	shalt  }
0x58: {  	_ =	shalt  }
0x59: {  	_ =	shalt  }
0x5a: {  	_ =	shalt  }
0x5b: {  	_ =	shalt  }
0x5c: {  	_ =	shalt  }
0x5d: {  	_ =	shalt  }
0x5e: {  	_ =	shalt  }
0x5f: {  	_ =	shalt  }
0x60: {  	_ =	shalt  }
0x61: {  	_ =	shalt  }
0x62: {  	_ =	shalt  }
0x63: {  	_ =	shalt  }
0x64: {  	_ =	shalt  }
0x65: {  	_ =	shalt  }
0x66: {  	_ =	shalt  }
0x67: {  	_ =	shalt  }
0x68: {  	_ =	shalt  }
0x69: {  	_ =	shalt  }
0x6a: {  	_ =	shalt  }
0x6b: {  	_ =	shalt  }
0x6c: {  	_ =	shalt  }
0x6d: {  	_ =	shalt  }
0x6e: {  	_ =	shalt  }
0x6f: {  	_ =	shalt  }
0x70: {  	_ =	shalt  }
0x71: {  	_ =	shalt  }
0x72: {  	_ =	shalt  }
0x73: {  	_ =	shalt  }
0x74: {  	_ =	shalt  }
0x75: {  	_ =	shalt  }
0x76: {  	_ =	shalt  }
0x77: {  	_ =	shalt  }
0x78: {  	_ =	shalt  }
0x79: {  	_ =	shalt  }
0x7a: {  	_ =	shalt  }
0x7b: {  	_ =	shalt  }
0x7c: {  	_ =	shalt  }
0x7d: {  	_ =	shalt  }
0x7e: {  	_ =	shalt  }
0x7f: {  	_ =	shalt  }
0x80: {  	_ =	shalt  }
0x81: {  	_ =	shalt  }
0x82: {  	_ =	shalt  }
0x83: {  	_ =	shalt  }
0x84: {  	_ =	shalt  }
0x85: {  	_ =	shalt  }
0x86: {  	_ =	shalt  }
0x87: {  	_ =	shalt  }
.Lfunc_end0:
.L_simem_size_0:
called_computation.1_lowered:
.L_overlay_start_0:
0x88: {  	s2 =	sld [smem:$0x3FD9]  }
0x89: {  	s3 =	sld [smem:$0x3FFE];
	_ =	sdelay $0x1  }
0x8a: {  	s1 =	srdreg.scid  }
0x8b: {  	s0 =	sand.u32 $0x1, s1  }
0x8c: {  	s16 =	sshll.u32 s0, $0xA;
	s2 =	sadd.s32 s3, s2  }
0x8d: {  	s2 =	sadd.s32 s2, s16  }
0x8e: {  	[smem:$0x3FA0] =	sst s2  }
0x8f: {  	_ = 	snop  }
0x90: {  	(tm) =	ssettm $0x1  }
0x91: {  	s17 =	sld [smem:$0x3FFB];
	_ =	sdelay $0x3  }
0x92: {  	_ =	strace s17  }
0x93: {  	s2 =	sld [smem:$0x3FFC];
	_ =	sdelay $0x3  }
0x94: {  	_ =	strace s2  }
0x95: {  	s2 =	sld [smem:$0x3FFD];
	_ =	sdelay $0x3  }
0x96: {  	_ =	strace s2  }
0x97: {  	_ =	strace $0x8FFFFFFF  }
0x98: {  	s18 =	sld [smem:$0x3FDB];
	_ =	sdelay $0x1  }
0x99: {  	s19 =	simm.s32 $_scs_section_size  }
0x9a: {  	s4 =	simm.s32 $_size__tile_overlayer_lowered;
	s5 =	simm.s32 $_tile_overlayer_lowered  }
0x9b: {  	s22 =	simm.s32 $0x1BFF;
	s21 =	sshll.u32 s5, $0x1;
	s2 =	sadd.s32 s19, s18  }
0x9c: {  	s6 =	simm.s32 $0x0;
	s20 =	sshll.u32 s4, $0x1;
	s4 =	sadd.s32 s21, s2  }
0x9d: {  	[timem:s6], [sflag:s22] =	dma.local [hbm:s4], s20  }
0x9e: {  	_ =	swait.ge [sflag:s22], s20  }
0x9f: {  	s3 =	ssub.s32 $0x0, s20;
	[sflag:s22] =	ssyncset.done $0x0  }
0xa0: {  	[sflag:s22] =	ssyncadd.s32 s3;
	_ =	sdelay $0x1  }
0xa1: {  	s23 =	simm.s32 $0x1B8B  }
0xa2: {  	_ =	swait.ge [sflag:s23], $0x1  }
0xa3: {  	[sflag:s23] =	ssyncset.done $0x0  }
0xa4: {  	s25 =	simm.s32 $0x1B8E;
	s24 =	sld [smem:$0x3FFE];
	[sflag:s23] =	ssyncadd.s32 $0xFFFFFFFF  }
0xa5: {  	s26 =	simm.s32 $execute0_lowered;
	[smem:$0x3FD2] =	sst s25  }
0xa6: {  	s4 =	sshll.u32 s26, $0x1;
	_ =	strace $0x80000049;
	[dreg:$0x1] =	wrdreg $0xFFFFFFFF  }
0xa7: {  	s28 =	simm.s32 $_size_execute0_lowered;
	s2 =	sadd.s32 s2, s4;
	[dreg:$0x0] =	wrdreg $0x0  }
0xa8: {  	s4 =	sshll.u32 s28, $0x1;
	[dreg:$0x2] =	wrdreg s2  }
0xa9: {  	[dreg:$0x3] =	wrdreg s4  }
0xaa: {  	[dreg:$0x4] =	wrdreg $0xC0  }
0xab: {  	_ =	task [dreg:s6], $0x5FFFF  }
0xac: {  	[dreg:$0x1] =	wrdreg $0xFFFFFFFF  }
0xad: {  	[dreg:$0x0] =	wrdreg $0x60  }
0xae: {  	[dreg:$0x2] =	wrdreg s24  }
0xaf: {  	[dreg:$0x3] =	wrdreg $0x2D000  }
0xb0: {  	[dreg:$0x4] =	wrdreg $0x9  }
0xb1: {  	_ =	task.clear_ibuf [dreg:s6], $0x5FFFF;
	_ =	strace $0x90000049  }
0xb2: {  	s29 =	simm.s32 $0x9;
	_ =	strace $0x8000004B  }
0xb3: {  	_ =	swait.ge [sflag:s29], $0x1  }
0xb4: {  	[sflag:s29] =	ssyncadd.s32 $0xFFFFFFFF  }
0xb5: {  	_ =	strace $0x9000004B  }
0xb6: {  	_ =	sfence  }
0xb7: {  	s30 =	sld [smem:$0x0];
	_ =	sdelay $0x2  }
0xb8: {  	s31 =	sshll.u32 s1, $0xD;
	s1 =	sshrl.u32 s1, $0x2  }
0xb9: {  	s3 =	sand.u32 $0x4000, s31;
	s1 =	sadd.s32 s1, s30  }
0xba: {  	s0 =	sor.u32 s3, s0;
	s1 =	sshll.u32 s1, $0x11  }
0xbb: {  	s0 =	sor.u32 s1, s0  }
0xbc: {  	s0 =	sadd.s32 $0x8F2B, s0  }
0xbd: {  	[sflag:s0] =	ssyncadd.remote.s32 $0x1  }
0xbe: {  	_ =	sfence.sel $0xFFFF  }
0xbf: {  	[dreg:$0x0] =	wrdreg $0xFFFFFFFF;
	(pc) =	sbr.abs _section_cstart, $3  }
0xc0: {  	[dreg:$0x1] =	wrdreg $0xFFFFFFFF  }
0xc1: {  	_ =	task.clear_ibuf [dreg:s6], $0x2FFFF;
	_ =	strace $0x9FFFFFFF  }
0xc2: {  	(tm) =	ssettm $0x7FFFFFFF  }
0xc3: {  	_ =	shalt  }
tec
execute0_lowered:
.L_overlay_start_1:
0x0: {  	(tag) =	ssettag $0x1  }
0x1: {  	s5 =	rddreg [dreg:$0x0]  }
0x2: {  	s2 =	rddreg [dreg:$0x1]  }
0x3: {  	s0 =	srdreg.scid;
	s1 =	rddreg [dreg:$0x2]  }
0x4: {  	s3 =	simm.s32 $0x0;
	s11 =	simm.s32 $0x2;
	s6 =	sand.u32 $0x1, s0  }
0x5: {  	s12 =	simm.s32 $0x80;
	s0 =	stileid.u32;
	s4 =	smul.u32 $0x27100, s6  }
0x6: {  	s13 =	simm.s32 $0x50;
	s14 =	simm.s32 $0x100;
	s7 =	smul.u32 $0x2710, s0  }
0x7: {  	s15 =	simm.s32 $0x1;
	[smem:$0x7FF] =	sst s3;
	s8 =	smul.u32 $0x13C000, s6  }
0x8: {  	s18 =	simm.s32 $0x0;
	s9 =	smul.u32 $0x13C00, s0;
	_ =	strace $0x8000004A  }
0x9: {  	s6 =	ssub.s32 $0x2, s6;
	s28 =	smul.u32 $0x4F000, s0;
	s16 =	sshll.u32 s0, $0x6  }
0xa: {  	s30 =	sshrl.u32 s6, $0x1;
	s16 =	sor.u32 $0x1C02, s16;
	s7 =	sadd.s32 s7, s4  }
0xb: {  	s4 =	sadd.s32 $0x1A400, s5;
	s8 =	sadd.s32 s9, s8;
	s31 =	sshrl.u32 s28, $0x2  }
0xc: {  	s7 =	sshrl.u32 s7, $0x3;
	s29 =	sshrl.u32 s8, $0x3;
	s8 =	ssub.s32 s6, s30  }
0xd: {  	s10 =	sadd.s32 s7, s5;
	s7 =	sadd.s32 s29, s5;
	s5 =	sadd.s32 s31, s2  }
0xe: {  	s6 =	sadd.s32 $0x41600, s7;
	s7 =	smax.u32 s8, $0x1;
	s8 =	sadd.s32 $0x6800, s10  }
0xf: {  	v0 =	vimm.f32 $0.0e+00;
	s9 =	sadd.s32 $0x10600, s10;
	s10 =	simm.s32 $0x2900;
	s17 =	sshrl.u32 s5, $0x3  }
.LBB2_1:
0x10: {  	[tilespmem:$0x2900] =	vst v0  }
0x11: {  	[tilespmem:$0x2910] =	vst v0  }
0x12: {  	[tilespmem:$0x2920] =	vst v0  }
0x13: {  	[tilespmem:$0x2930] =	vst v0  }
0x14: {  	[tilespmem:$0x2940] =	vst v0  }
0x15: {  	[tilespmem:$0x2950] =	vst v0  }
0x16: {  	[tilespmem:$0x2960] =	vst v0  }
0x17: {  	[tilespmem:$0x2970] =	vst v0  }
0x18: {  	[tilespmem:$0x2980] =	vst v0  }
0x19: {  	[tilespmem:$0x2990] =	vst v0  }
0x1a: {  	[tilespmem:$0x29A0] =	vst v0  }
0x1b: {  	[tilespmem:$0x29B0] =	vst v0  }
0x1c: {  	[tilespmem:$0x29C0] =	vst v0  }
0x1d: {  	[tilespmem:$0x29D0] =	vst v0  }
0x1e: {  	[tilespmem:$0x29E0] =	vst v0  }
0x1f: {  	[tilespmem:$0x29F0] =	vst v0  }
0x20: {  	[tilespmem:$0x2A00] =	vst v0  }
0x21: {  	[tilespmem:$0x2A10] =	vst v0  }
0x22: {  	[tilespmem:$0x2A20] =	vst v0  }
0x23: {  	[tilespmem:$0x2A30] =	vst v0  }
0x24: {  	[tilespmem:$0x2A40] =	vst v0  }
0x25: {  	[tilespmem:$0x2A50] =	vst v0  }
0x26: {  	[tilespmem:$0x2A60] =	vst v0  }
0x27: {  	[tilespmem:$0x2A70] =	vst v0  }
0x28: {  	[tilespmem:$0x2A80] =	vst v0  }
0x29: {  	[tilespmem:$0x2A90] =	vst v0  }
0x2a: {  	[tilespmem:$0x2AA0] =	vst v0  }
0x2b: {  	[tilespmem:$0x2AB0] =	vst v0  }
0x2c: {  	[tilespmem:$0x2AC0] =	vst v0  }
0x2d: {  	[tilespmem:$0x2AD0] =	vst v0  }
0x2e: {  	[tilespmem:$0x2AE0] =	vst v0  }
0x2f: {  	[tilespmem:$0x2AF0] =	vst v0  }
0x30: {  	[tilespmem:$0x2B00] =	vst v0  }
0x31: {  	[tilespmem:$0x2B10] =	vst v0  }
0x32: {  	[tilespmem:$0x2B20] =	vst v0  }
0x33: {  	[tilespmem:$0x2B30] =	vst v0  }
0x34: {  	[tilespmem:$0x2B40] =	vst v0  }
0x35: {  	[tilespmem:$0x2B50] =	vst v0  }
0x36: {  	[tilespmem:$0x2B60] =	vst v0  }
0x37: {  	[tilespmem:$0x2B70] =	vst v0  }
0x38: {  	[tilespmem:$0x2B80] =	vst v0  }
0x39: {  	[tilespmem:$0x2B90] =	vst v0  }
0x3a: {  	[tilespmem:$0x2BA0] =	vst v0  }
0x3b: {  	[tilespmem:$0x2BB0] =	vst v0  }
0x3c: {  	[tilespmem:$0x2BC0] =	vst v0  }
0x3d: {  	[tilespmem:$0x2BD0] =	vst v0  }
0x3e: {  	[tilespmem:$0x2BE0] =	vst v0  }
0x3f: {  	[tilespmem:$0x2BF0] =	vst v0  }
0x40: {  	[tilespmem:$0x2C00] =	vst v0  }
0x41: {  	[tilespmem:$0x2C10] =	vst v0  }
0x42: {  	[tilespmem:$0x2C20] =	vst v0  }
0x43: {  	[tilespmem:$0x2C30] =	vst v0  }
0x44: {  	[tilespmem:$0x2C40] =	vst v0  }
0x45: {  	[tilespmem:$0x2C50] =	vst v0  }
0x46: {  	[tilespmem:$0x2C60] =	vst v0  }
0x47: {  	[tilespmem:$0x2C70] =	vst v0  }
0x48: {  	[tilespmem:$0x2C80] =	vst v0  }
0x49: {  	[tilespmem:$0x2C90] =	vst v0  }
0x4a: {  	[tilespmem:$0x2CA0] =	vst v0  }
0x4b: {  	[tilespmem:$0x2CB0] =	vst v0  }
0x4c: {  	[tilespmem:$0x2CC0] =	vst v0  }
0x4d: {  	[tilespmem:$0x2CD0] =	vst v0  }
0x4e: {  	[tilespmem:$0x2CE0] =	vst v0  }
0x4f: {  	[tilespmem:$0x2CF0] =	vst v0;
	s19 =	sadd.s32 $0x0, s5  }
0x50: {  	[spmem:s19] =	stream.linear.scatter [tilespmem:s10], [sflag:$0x2], $0x400, $0x38;
	[tilespmem:$0x16900] =	vst v63  }
0x51: {  	s19 =	simm.s32 $0x1000;
	_ =	swait.ge [sflag:s11], $0x400  }
.LBB2_2:
0x52: {  	s20 =	sshra.s32 s19, $0x2;
	[sflag:s11] =	ssyncset.done $0x0;
	p0 =	sne.s32 s19, $0x4E000  }
.Ltmp0:
0x53: {  	s20 =	sadd.s32 s20, s5;
	[sflag:s11] =	ssyncadd.s32 $0xFFFFFC00;
	(pc) =	sbr.rel @p0 .LBB2_2-.Ltmp0, $3  }
0x54: {  	[spmem:s20] =	stream.linear.scatter [tilespmem:s10], [sflag:$0x2], $0x400, $0x38;
	[tilespmem:$0x16900] =	vst v63  }
0x55: {  	s19 =	sadd.s32 $0x1000, s19;
	_ =	sdelay $0x1  }
0x56: {  	_ =	swait.ge [sflag:s11], $0x400  }
0x57: {  	[sflag:s11] =	ssyncset.done $0x0  }
0x58: {  	[sflag:s11] =	ssyncadd.s32 $0xFFFFFC00  }
0x59: {  	s19 =	sadd.s32 $0x0, s9;
	[bflag:$0x0] =	sbarrier.arrive $0xFFFF  }
0x5a: {  	[tilespmem:s3], [sflag:$0x2] =	stream.linear.gather [hbm4b:s19+s3], $0x50, $0x38;
	[tilespmem:$0x16900] =	vst v63  }
0x5b: {  	_ =	swait.ge [sflag:s11], $0x50  }
0x5c: {  	[sflag:s11] =	ssyncset.done $0x0  }
0x5d: {  	s31 =	sadd.s32 $0x0, s8;
	[sflag:s11] =	ssyncadd.s32 $0xFFFFFFB0  }
0x5e: {  	[tilespmem:s12], [sflag:$0x2] =	stream.linear.gather [hbm4b:s31+s3], $0x50, $0x38;
	[tilespmem:$0x16900] =	vst v63  }
0x5f: {  	_ =	swait.ge [sflag:s11], $0x50  }
0x60: {  	[sflag:s11] =	ssyncset.done $0x0  }
0x61: {  	[sflag:s11] =	ssyncadd.s32 $0xFFFFFFB0  }
0x62: {  	[tilespmem:s14], [sflag:$0x1] =	stream.indirect.gather [hbm4b:s4+s13], $0x80, s3, s13, $0xb8;
	[tilespmem:$0x16900] =	vst v63  }
0x63: {  	_ =	swait.ge [sflag:s15], $0x2800  }
0x64: {  	[sflag:s15] =	ssyncset.done $0x0  }
0x65: {  	[sflag:s15] =	ssyncadd.s32 $0xFFFFD800  }
0x66: {  	[spmem:s2] =	stream.indirect.scatter.add.f32 [tilespmem:s14], [sflag:$0x2], $0x80, s12, s13, $0xb8;
	[tilespmem:$0x16900] =	vst v63  }
0x67: {  	_ =	swait.ge [sflag:s11], $0x2800  }
0x68: {  	s20 =	simm.s32 $0x14;
	s19 =	simm.s32 $0xA;
	[sflag:s11] =	ssyncset.done $0x0  }
.LBB2_4:
0x69: {  	s21 =	sadd.s32 s19, s9  }
0x6a: {  	[sflag:s11] =	ssyncadd.s32 $0xFFFFD800;
	s22 =	smov.u32 s20;
	s23 =	sadd.s32 $0xA, s20  }
0x6b: {  	[tilespmem:s3], [sflag:$0x2] =	stream.linear.gather [hbm4b:s21+s3], $0x50, $0x38;
	[tilespmem:$0x16900] =	vst v63  }
0x6c: {  	p0 =	sne.s32 s20, $0x4D8;
	_ =	swait.ge [sflag:s11], $0x50  }
0x6d: {  	[sflag:s11] =	ssyncset.done $0x0  }
0x6e: {  	s20 =	sadd.s32 s19, s8;
	s19 =	smov.u32 s22;
	[sflag:s11] =	ssyncadd.s32 $0xFFFFFFB0  }
0x6f: {  	[tilespmem:s12], [sflag:$0x2] =	stream.linear.gather [hbm4b:s20+s3], $0x50, $0x38;
	[tilespmem:$0x16900] =	vst v63  }
0x70: {  	_ =	swait.ge [sflag:s11], $0x50  }
0x71: {  	[sflag:s11] =	ssyncset.done $0x0  }
0x72: {  	[sflag:s11] =	ssyncadd.s32 $0xFFFFFFB0  }
0x73: {  	[tilespmem:s14], [sflag:$0x1] =	stream.indirect.gather [hbm4b:s4+s13], $0x80, s3, s13, $0xb8;
	[tilespmem:$0x16900] =	vst v63  }
0x74: {  	_ =	swait.ge [sflag:s15], $0x2800  }
.Ltmp1:
0x75: {  	[sflag:s15] =	ssyncset.done $0x0;
	(pc) =	sbr.rel @p0 .LBB2_4-.Ltmp1, $4  }
0x76: {  	[sflag:s15] =	ssyncadd.s32 $0xFFFFD800  }
0x77: {  	[spmem:s2] =	stream.indirect.scatter.add.f32 [tilespmem:s14], [sflag:$0x2], $0x80, s12, s13, $0xb8;
	[tilespmem:$0x16900] =	vst v63  }
0x78: {  	_ =	swait.ge [sflag:s11], $0x2800  }
0x79: {  	s20 =	smov.u32 s23;
	[sflag:s11] =	ssyncset.done $0x0  }
0x7a: {  	s20 =	sadd.s32 s19, s9;
	[sflag:s11] =	ssyncadd.s32 $0xFFFFD800  }
0x7b: {  	[tilespmem:s3], [sflag:$0x2] =	stream.linear.gather [hbm4b:s20+s3], $0x50, $0x38;
	[tilespmem:$0x16900] =	vst v63  }
0x7c: {  	_ =	swait.ge [sflag:s11], $0x50  }
0x7d: {  	[sflag:s11] =	ssyncset.done $0x0  }
0x7e: {  	s31 =	sadd.s32 s19, s8;
	[sflag:s11] =	ssyncadd.s32 $0xFFFFFFB0  }
0x7f: {  	[tilespmem:s12], [sflag:$0x2] =	stream.linear.gather [hbm4b:s31+s3], $0x50, $0x38;
	[tilespmem:$0x16900] =	vst v63  }
0x80: {  	_ =	swait.ge [sflag:s11], $0x50  }
0x81: {  	[sflag:s11] =	ssyncset.done $0x0  }
0x82: {  	[sflag:s11] =	ssyncadd.s32 $0xFFFFFFB0  }
0x83: {  	[tilespmem:s14], [sflag:$0x1] =	stream.indirect.gather [hbm4b:s4+s13], $0x80, s3, s13, $0xb8;
	[tilespmem:$0x16900] =	vst v63  }
0x84: {  	_ =	swait.ge [sflag:s15], $0x2800  }
0x85: {  	[sflag:s15] =	ssyncset.done $0x0  }
0x86: {  	[sflag:s15] =	ssyncadd.s32 $0xFFFFD800  }
0x87: {  	[spmem:s2] =	stream.indirect.scatter.add.f32 [tilespmem:s14], [sflag:$0x2], $0x80, s12, s13, $0xb8;
	[tilespmem:$0x16900] =	vst v63  }
0x88: {  	_ =	swait.ge [sflag:s11], $0x2800  }
0x89: {  	s18 =	sadd.s32 $0x1, s18;
	[sflag:s11] =	ssyncset.done $0x0  }
0x8a: {  	p0 =	sne.s32 s18, s7;
	[sflag:s11] =	ssyncadd.s32 $0xFFFFD800  }
.Ltmp2:
0x8b: {  	[bflag:$0x0] =	sbarrier.arrive $0xFFFF;
	(pc) =	sbr.rel @p0 .LBB2_1-.Ltmp2, $4  }
0x8c: {  	[hbm:s6], [sflag:s16] =	dma.local [spmem:s17], $0x2780  }
0x8d: {  	_ =	swait.ge [sflag:s11], $0x2780  }
0x8e: {  	[sflag:s11] =	ssyncset.done $0x0  }
0x8f: {  	[sflag:s11] =	ssyncadd.s32 $0xFFFFD880  }
0x90: {  	_ =	sfence.sel $0x180000  }
0x91: {  	[bflag:$0x0] =	sbarrier.arrive $0xFFFF  }
0x92: {  	p0 =	sne.s32 s0, $0x0;
	_ =	strace $0x9000004A  }
0x93: {  	s0 =	sadd.s32 @!p0 $0x100000, s1;
	[bflag:$0x2] =	sbarrier.arrive $0xFFFF  }
0x94: {  	[sflag:s0] =	ssyncadd.tile.s32 @!p0 $0x1;
	_ =	shalt  }
.Lfunc_end2:
_tile_overlayer_lowered:
.L_overlay_start_2:
0x95: {  	(tag) =	ssettag $0x2  }
0x96: {  	s0 =	rddreg [dreg:$0x0];
	s2 =	stileid.u32  }
0x97: {  	s1 =	rddreg [dreg:$0x1];
	p0 =	sne.s32 s2, $0x0  }
0x98: {  	s3 =	rddreg [dreg:$0x2];
	[bflag:$0x3] =	sbarrier.arrive $0xFFFF;
	s2 =	simm.s32 @!p0 $0x1C02  }
0x99: {  	[timem:s3], [sflag:s2] =	dma.local @!p0 [hbm:s0], s1  }
0x9a: {  	s0 =	simm.s32 @!p0 $0x2  }
0x9b: {  	_ =	swait.ge @!p0 [sflag:s0], s1  }
0x9c: {  	s1 =	ssub.s32 @!p0 $0x0, s1;
	[sflag:s0] =	ssyncset.done @!p0 $0x0  }
0x9d: {  	[sflag:s0] =	ssyncadd.s32 @!p0 s1  }
0x9e: {  	[bflag:$0x3] =	sbarrier.arrive $0xFFFF  }
0x9f: {  	_ =	shalt  }

// kernel: kernel.23.cloned.1.call-start
scs
__scs_entry_jumppad:
0x0: {  	(pc) =	sbr.rel $0x88, $3  }
0x1: {  	(tag) =	ssettag $0x0;
	lr =	simm.s32 $0x1  }
0x2: {  	[smem:$0x3F79] =	sst lr;
	_ =	strace $0xD0000000  }
0x3: {  	_ = 	snop  }
0x4: {  	_ = 	snop  }
0x5: {  	_ = 	snop  }
0x6: {  	_ = 	snop  }
0x7: {  	_ = 	snop  }
__scs_overlays_trampoline_lowered:
0x8: {  	[smem:$0x3F88] =	sst s0  }
0x9: {  	[smem:$0x3F89] =	sst s1  }
0xa: {  	[smem:$0x3F8A] =	sst s2  }
0xb: {  	[smem:$0x3F8B] =	sst s3  }
0xc: {  	[smem:$0x3F8C] =	sst s4  }
0xd: {  	[smem:$0x3F8D] =	sst s5  }
0xe: {  	[smem:$0x3F8E] =	sst s6  }
0xf: {  	[smem:$0x3F8F] =	sst s7  }
0x10: {  	[smem:$0x3F90] =	sst s8  }
0x11: {  	[smem:$0x3F91] =	sst s9;
	s0 =	simm.s32 @!p0 $0x0  }
0x12: {  	s1 =	sld [smem:$0x3F77];
	s0 =	simm.s32 @p0 $0x1  }
0x13: {  	[smem:$0x3F92] =	sst s0;
	s0 =	simm.s32 @!p1 $0x0  }
0x14: {  	s2 =	sld [smem:$0x3F76];
	s0 =	simm.s32 @p1 $0x1  }
0x15: {  	[smem:$0x3F93] =	sst s0;
	s0 =	simm.s32 @!p2 $0x0  }
0x16: {  	s3 =	sld [smem:$0x3FDB];
	s0 =	simm.s32 @p2 $0x1  }
0x17: {  	s4 =	simm.s32 $0x1BF5;
	[smem:$0x3F95] =	sst s0  }
0x18: {  	s0 =	sld [smem:$0x3F78];
	_ =	swait.ge [sflag:s4], $0x0  }
0x19: {  	s7 =	sld [smem:$0x3F79]  }
0x1a: {  	s8 =	sadd.s32 $0xFFFFE003, lr  }
0x1b: {  	s9 =	sadd.s32 $0xFFFFFEF7, lr;
	s5 =	simm.s32 $0xFFFFFFFF;
	p2 =	slt.u32 s8, $0xFFFFF086  }
0x1c: {  	p1 =	slt.u32 s9, $0xF7A;
	s5 =	simm.s32 @!p2 $0x0  }
0x1d: {  	s5 =	simm.s32 @p1 $0x1;
	p0 =	seq.s32 s7, s2  }
0x1e: {  	s7 =	smul.u32 @!p0 $0xF7A, s2;
	p2 =	seq.s32 @!p0 s5, $0x0  }
0x1f: {  	s9 =	smul.u32 $0xF7A, s1;
	s8 =	simm.s32 @!p0 $0x1BF5;
	p2 =	por !p2, p0  }
0x20: {  	[sflag:s8] =	ssyncset.s32 @!p0 $0xFFFFF086;
	s6 =	sadd.s32 @!p0 s3, s7;
	s7 =	simm.s32 @!p0 $0x108  }
0x21: {  	s3 =	sadd.s32 s3, s9;
	s6 =	sadd.s32 @!p0 $0x88, s6;
	s7 =	simm.s32 @p2 $0x1082  }
0x22: {  	[simem:s7], [sflag:s8] =	dma.local @!p0 [hbm:s6], $0xF7A  }
0x23: {  	s9 =	sor.u32 $0xD0000000, s2;
	s6 =	simm.s32 $0x108;
	_ =	swait.ge @!p0 [sflag:s8], $0x0  }
0x24: {  	s3 =	sadd.s32 $0x88, s3;
	s6 =	simm.s32 @!p1 $0x1082;
	[sflag:s4] =	ssyncset.s32 $0xFFFFF086  }
0x25: {  	[simem:s6], [sflag:s4] =	dma.local [hbm:s3], $0xF7A  }
0x26: {  	[smem:$0x3F79] =	sst s1;
	(tag) =	ssettag s2;
	_ =	strace s9  }
0x27: {  	s1 =	sld [smem:$0x3F89]  }
0x28: {  	s2 =	sld [smem:$0x3F8A]  }
0x29: {  	s4 =	sld [smem:$0x3F8C]  }
0x2a: {  	p0 =	seq.s32 s5, $0x0;
	s5 =	sld [smem:$0x3F8D]  }
0x2b: {  	s6 =	sld [smem:$0x3F8E]  }
0x2c: {  	s7 =	sld [smem:$0x3F8F]  }
0x2d: {  	s3 =	simm.s32 $0x108;
	s8 =	sld [smem:$0x3F90]  }
0x2e: {  	s3 =	simm.s32 @!p0 $0x1082;
	s9 =	sld [smem:$0x3F91]  }
0x2f: {  	lr =	sadd.s32 s0, s3;
	s0 =	sld [smem:$0x3F88]  }
0x30: {  	s3 =	sld [smem:$0x3F8B]  }
0x31: {  	[smem:$0x3F94] =	sst s10  }
0x32: {  	s10 =	sld [smem:$0x3F92];
	_ =	sdelay $0x3  }
0x33: {  	p0 =	seq.s32 s10, $0x1;
	s10 =	sld [smem:$0x3F94];
	_ =	sdelay $0x3  }
0x34: {  	[smem:$0x3F94] =	sst s10  }
0x35: {  	s10 =	sld [smem:$0x3F93];
	_ =	sdelay $0x3  }
0x36: {  	p1 =	seq.s32 s10, $0x1;
	s10 =	sld [smem:$0x3F94];
	_ =	sdelay $0x3  }
0x37: {  	[smem:$0x3F94] =	sst s10  }
0x38: {  	s10 =	sld [smem:$0x3F95]  }
0x39: {  	_ = 	snop;
	(pc) =	sbr.ind lr, $3  }
0x3a: {  	_ = 	snop  }
0x3b: {  	_ = 	snop  }
0x3c: {  	p2 =	seq.s32 s10, $0x1;
	s10 =	sld [smem:$0x3F94]  }
0x3d: {  	_ =	shalt  }
0x3e: {  	_ =	shalt  }
0x3f: {  	_ =	shalt  }
0x40: {  	_ =	shalt  }
0x41: {  	_ =	shalt  }
0x42: {  	_ =	shalt  }
0x43: {  	_ =	shalt  }
0x44: {  	_ =	shalt  }
0x45: {  	_ =	shalt  }
0x46: {  	_ =	shalt  }
0x47: {  	_ =	shalt  }
0x48: {  	_ =	shalt  }
0x49: {  	_ =	shalt  }
0x4a: {  	_ =	shalt  }
0x4b: {  	_ =	shalt  }
0x4c: {  	_ =	shalt  }
0x4d: {  	_ =	shalt  }
0x4e: {  	_ =	shalt  }
0x4f: {  	_ =	shalt  }
0x50: {  	_ =	shalt  }
0x51: {  	_ =	shalt  }
0x52: {  	_ =	shalt  }
0x53: {  	_ =	shalt  }
0x54: {  	_ =	shalt  }
0x55: {  	_ =	shalt  }
0x56: {  	_ =	shalt  }
0x57: {  	_ =	shalt  }
0x58: {  	_ =	shalt  }
0x59: {  	_ =	shalt  }
0x5a: {  	_ =	shalt  }
0x5b: {  	_ =	shalt  }
0x5c: {  	_ =	shalt  }
0x5d: {  	_ =	shalt  }
0x5e: {  	_ =	shalt  }
0x5f: {  	_ =	shalt  }
0x60: {  	_ =	shalt  }
0x61: {  	_ =	shalt  }
0x62: {  	_ =	shalt  }
0x63: {  	_ =	shalt  }
0x64: {  	_ =	shalt  }
0x65: {  	_ =	shalt  }
0x66: {  	_ =	shalt  }
0x67: {  	_ =	shalt  }
0x68: {  	_ =	shalt  }
0x69: {  	_ =	shalt  }
0x6a: {  	_ =	shalt  }
0x6b: {  	_ =	shalt  }
0x6c: {  	_ =	shalt  }
0x6d: {  	_ =	shalt  }
0x6e: {  	_ =	shalt  }
0x6f: {  	_ =	shalt  }
0x70: {  	_ =	shalt  }
0x71: {  	_ =	shalt  }
0x72: {  	_ =	shalt  }
0x73: {  	_ =	shalt  }
0x74: {  	_ =	shalt  }
0x75: {  	_ =	shalt  }
0x76: {  	_ =	shalt  }
0x77: {  	_ =	shalt  }
0x78: {  	_ =	shalt  }
0x79: {  	_ =	shalt  }
0x7a: {  	_ =	shalt  }
0x7b: {  	_ =	shalt  }
0x7c: {  	_ =	shalt  }
0x7d: {  	_ =	shalt  }
0x7e: {  	_ =	shalt  }
0x7f: {  	_ =	shalt  }
0x80: {  	_ =	shalt  }
0x81: {  	_ =	shalt  }
0x82: {  	_ =	shalt  }
0x83: {  	_ =	shalt  }
0x84: {  	_ =	shalt  }
0x85: {  	_ =	shalt  }
0x86: {  	_ =	shalt  }
0x87: {  	_ =	shalt  }
.Lfunc_end0:
.L_simem_size_0:
called_computation.2_lowered:
.L_overlay_start_0:
0x88: {  	s2 =	sld [smem:$0x3FD9]  }
0x89: {  	s3 =	sld [smem:$0x3FFE];
	_ =	sdelay $0x1  }
0x8a: {  	s1 =	srdreg.scid  }
0x8b: {  	s0 =	sand.u32 $0x1, s1  }
0x8c: {  	s16 =	sshll.u32 s0, $0xA;
	s2 =	sadd.s32 s3, s2  }
0x8d: {  	s2 =	sadd.s32 s2, s16  }
0x8e: {  	[smem:$0x3FA0] =	sst s2  }
0x8f: {  	_ = 	snop  }
0x90: {  	(tm) =	ssettm $0x1  }
0x91: {  	s17 =	sld [smem:$0x3FFB];
	_ =	sdelay $0x3  }
0x92: {  	_ =	strace s17  }
0x93: {  	s2 =	sld [smem:$0x3FFC];
	_ =	sdelay $0x3  }
0x94: {  	_ =	strace s2  }
0x95: {  	s2 =	sld [smem:$0x3FFD];
	_ =	sdelay $0x3  }
0x96: {  	_ =	strace s2  }
0x97: {  	_ =	strace $0x8FFFFFFF  }
0x98: {  	s18 =	sld [smem:$0x3FDB];
	_ =	sdelay $0x1  }
0x99: {  	s19 =	simm.s32 $_scs_section_size  }
0x9a: {  	s4 =	simm.s32 $_size__tile_overlayer_lowered;
	s5 =	simm.s32 $_tile_overlayer_lowered  }
0x9b: {  	s22 =	simm.s32 $0x1BFF;
	s21 =	sshll.u32 s5, $0x1;
	s2 =	sadd.s32 s19, s18  }
0x9c: {  	s6 =	simm.s32 $0x0;
	s20 =	sshll.u32 s4, $0x1;
	s4 =	sadd.s32 s21, s2  }
0x9d: {  	[timem:s6], [sflag:s22] =	dma.local [hbm:s4], s20  }
0x9e: {  	_ =	swait.ge [sflag:s22], s20  }
0x9f: {  	s3 =	ssub.s32 $0x0, s20;
	[sflag:s22] =	ssyncset.done $0x0  }
0xa0: {  	[sflag:s22] =	ssyncadd.s32 s3;
	_ =	sdelay $0x1  }
0xa1: {  	s23 =	simm.s32 $0x1B8B  }
0xa2: {  	_ =	swait.ge [sflag:s23], $0x1  }
0xa3: {  	[sflag:s23] =	ssyncset.done $0x0  }
0xa4: {  	s25 =	simm.s32 $0x1B8E;
	s24 =	sld [smem:$0x3FFE];
	[sflag:s23] =	ssyncadd.s32 $0xFFFFFFFF  }
0xa5: {  	s26 =	simm.s32 $execute0_lowered;
	[smem:$0x3FD2] =	sst s25  }
0xa6: {  	s4 =	sshll.u32 s26, $0x1;
	_ =	strace $0x8000004C;
	[dreg:$0x1] =	wrdreg $0xFFFFFFFF  }
0xa7: {  	s28 =	simm.s32 $_size_execute0_lowered;
	s2 =	sadd.s32 s2, s4;
	[dreg:$0x0] =	wrdreg $0x0  }
0xa8: {  	s4 =	sshll.u32 s28, $0x1;
	[dreg:$0x2] =	wrdreg s2  }
0xa9: {  	[dreg:$0x3] =	wrdreg s4  }
0xaa: {  	[dreg:$0x4] =	wrdreg $0xC0  }
0xab: {  	_ =	task [dreg:s6], $0x5FFFF  }
0xac: {  	[dreg:$0x1] =	wrdreg $0xFFFFFFFF  }
0xad: {  	[dreg:$0x0] =	wrdreg $0x60  }
0xae: {  	[dreg:$0x2] =	wrdreg s24  }
0xaf: {  	[dreg:$0x3] =	wrdreg $0x2D000  }
0xb0: {  	[dreg:$0x4] =	wrdreg $0x9  }
0xb1: {  	_ =	task.clear_ibuf [dreg:s6], $0x5FFFF;
	_ =	strace $0x9000004C  }
0xb2: {  	s29 =	simm.s32 $0x9;
	_ =	strace $0x8000004E  }
0xb3: {  	_ =	swait.ge [sflag:s29], $0x1  }
0xb4: {  	[sflag:s29] =	ssyncadd.s32 $0xFFFFFFFF  }
0xb5: {  	_ =	strace $0x9000004E  }
0xb6: {  	_ =	sfence  }
0xb7: {  	s30 =	sld [smem:$0x0];
	_ =	sdelay $0x2  }
0xb8: {  	s31 =	sshll.u32 s1, $0xD;
	s1 =	sshrl.u32 s1, $0x2  }
0xb9: {  	s3 =	sand.u32 $0x4000, s31;
	s1 =	sadd.s32 s1, s30  }
0xba: {  	s0 =	sor.u32 s3, s0;
	s1 =	sshll.u32 s1, $0x11  }
0xbb: {  	s0 =	sor.u32 s1, s0  }
0xbc: {  	s0 =	sadd.s32 $0x8F2B, s0  }
0xbd: {  	[sflag:s0] =	ssyncadd.remote.s32 $0x1  }
0xbe: {  	_ =	sfence.sel $0xFFFF  }
0xbf: {  	[dreg:$0x0] =	wrdreg $0xFFFFFFFF;
	(pc) =	sbr.abs _section_cstart, $3  }
0xc0: {  	[dreg:$0x1] =	wrdreg $0xFFFFFFFF  }
0xc1: {  	_ =	task.clear_ibuf [dreg:s6], $0x2FFFF;
	_ =	strace $0x9FFFFFFF  }
0xc2: {  	(tm) =	ssettm $0x7FFFFFFF  }
0xc3: {  	_ =	shalt  }
tec
execute0_lowered:
.L_overlay_start_1:
0x0: {  	(tag) =	ssettag $0x1  }
0x1: {  	s5 =	rddreg [dreg:$0x0]  }
0x2: {  	s2 =	rddreg [dreg:$0x1]  }
0x3: {  	s0 =	srdreg.scid;
	s1 =	rddreg [dreg:$0x2]  }
0x4: {  	s3 =	simm.s32 $0x0;
	s11 =	simm.s32 $0x2;
	s6 =	sand.u32 $0x1, s0  }
0x5: {  	s12 =	simm.s32 $0x80;
	s0 =	stileid.u32;
	s4 =	smul.u32 $0x27100, s6  }
0x6: {  	s13 =	simm.s32 $0x50;
	s14 =	simm.s32 $0x100;
	s7 =	smul.u32 $0x2710, s0  }
0x7: {  	s15 =	simm.s32 $0x1;
	[smem:$0x7FF] =	sst s3;
	s8 =	smul.u32 $0x13C000, s6  }
0x8: {  	s18 =	simm.s32 $0x0;
	s9 =	smul.u32 $0x13C00, s0;
	_ =	strace $0x8000004D  }
0x9: {  	s6 =	ssub.s32 $0x2, s6;
	s28 =	smul.u32 $0x4F000, s0;
	s16 =	sshll.u32 s0, $0x6  }
0xa: {  	s30 =	sshrl.u32 s6, $0x1;
	s16 =	sor.u32 $0x1C02, s16;
	s7 =	sadd.s32 s7, s4  }
0xb: {  	s4 =	sadd.s32 $0x1A400, s5;
	s8 =	sadd.s32 s9, s8;
	s31 =	sshrl.u32 s28, $0x2  }
0xc: {  	s7 =	sshrl.u32 s7, $0x3;
	s29 =	sshrl.u32 s8, $0x3;
	s8 =	ssub.s32 s6, s30  }
0xd: {  	s10 =	sadd.s32 s7, s5;
	s7 =	sadd.s32 s29, s5;
	s5 =	sadd.s32 s31, s2  }
0xe: {  	s6 =	sadd.s32 $0x41600, s7;
	s7 =	smax.u32 s8, $0x1;
	s8 =	sadd.s32 $0x6800, s10  }
0xf: {  	v0 =	vimm.f32 $0.0e+00;
	s9 =	sadd.s32 $0x10600, s10;
	s10 =	simm.s32 $0x2900;
	s17 =	sshrl.u32 s5, $0x3  }
.LBB2_1:
0x10: {  	[tilespmem:$0x2900] =	vst v0  }
0x11: {  	[tilespmem:$0x2910] =	vst v0  }
0x12: {  	[tilespmem:$0x2920] =	vst v0  }
0x13: {  	[tilespmem:$0x2930] =	vst v0  }
0x14: {  	[tilespmem:$0x2940] =	vst v0  }
0x15: {  	[tilespmem:$0x2950] =	vst v0  }
0x16: {  	[tilespmem:$0x2960] =	vst v0  }
0x17: {  	[tilespmem:$0x2970] =	vst v0  }
0x18: {  	[tilespmem:$0x2980] =	vst v0  }
0x19: {  	[tilespmem:$0x2990] =	vst v0  }
0x1a: {  	[tilespmem:$0x29A0] =	vst v0  }
0x1b: {  	[tilespmem:$0x29B0] =	vst v0  }
0x1c: {  	[tilespmem:$0x29C0] =	vst v0  }
0x1d: {  	[tilespmem:$0x29D0] =	vst v0  }
0x1e: {  	[tilespmem:$0x29E0] =	vst v0  }
0x1f: {  	[tilespmem:$0x29F0] =	vst v0  }
0x20: {  	[tilespmem:$0x2A00] =	vst v0  }
0x21: {  	[tilespmem:$0x2A10] =	vst v0  }
0x22: {  	[tilespmem:$0x2A20] =	vst v0  }
0x23: {  	[tilespmem:$0x2A30] =	vst v0  }
0x24: {  	[tilespmem:$0x2A40] =	vst v0  }
0x25: {  	[tilespmem:$0x2A50] =	vst v0  }
0x26: {  	[tilespmem:$0x2A60] =	vst v0  }
0x27: {  	[tilespmem:$0x2A70] =	vst v0  }
0x28: {  	[tilespmem:$0x2A80] =	vst v0  }
0x29: {  	[tilespmem:$0x2A90] =	vst v0  }
0x2a: {  	[tilespmem:$0x2AA0] =	vst v0  }
0x2b: {  	[tilespmem:$0x2AB0] =	vst v0  }
0x2c: {  	[tilespmem:$0x2AC0] =	vst v0  }
0x2d: {  	[tilespmem:$0x2AD0] =	vst v0  }
0x2e: {  	[tilespmem:$0x2AE0] =	vst v0  }
0x2f: {  	[tilespmem:$0x2AF0] =	vst v0  }
0x30: {  	[tilespmem:$0x2B00] =	vst v0  }
0x31: {  	[tilespmem:$0x2B10] =	vst v0  }
0x32: {  	[tilespmem:$0x2B20] =	vst v0  }
0x33: {  	[tilespmem:$0x2B30] =	vst v0  }
0x34: {  	[tilespmem:$0x2B40] =	vst v0  }
0x35: {  	[tilespmem:$0x2B50] =	vst v0  }
0x36: {  	[tilespmem:$0x2B60] =	vst v0  }
0x37: {  	[tilespmem:$0x2B70] =	vst v0  }
0x38: {  	[tilespmem:$0x2B80] =	vst v0  }
0x39: {  	[tilespmem:$0x2B90] =	vst v0  }
0x3a: {  	[tilespmem:$0x2BA0] =	vst v0  }
0x3b: {  	[tilespmem:$0x2BB0] =	vst v0  }
0x3c: {  	[tilespmem:$0x2BC0] =	vst v0  }
0x3d: {  	[tilespmem:$0x2BD0] =	vst v0  }
0x3e: {  	[tilespmem:$0x2BE0] =	vst v0  }
0x3f: {  	[tilespmem:$0x2BF0] =	vst v0  }
0x40: {  	[tilespmem:$0x2C00] =	vst v0  }
0x41: {  	[tilespmem:$0x2C10] =	vst v0  }
0x42: {  	[tilespmem:$0x2C20] =	vst v0  }
0x43: {  	[tilespmem:$0x2C30] =	vst v0  }
0x44: {  	[tilespmem:$0x2C40] =	vst v0  }
0x45: {  	[tilespmem:$0x2C50] =	vst v0  }
0x46: {  	[tilespmem:$0x2C60] =	vst v0  }
0x47: {  	[tilespmem:$0x2C70] =	vst v0  }
0x48: {  	[tilespmem:$0x2C80] =	vst v0  }
0x49: {  	[tilespmem:$0x2C90] =	vst v0  }
0x4a: {  	[tilespmem:$0x2CA0] =	vst v0  }
0x4b: {  	[tilespmem:$0x2CB0] =	vst v0  }
0x4c: {  	[tilespmem:$0x2CC0] =	vst v0  }
0x4d: {  	[tilespmem:$0x2CD0] =	vst v0  }
0x4e: {  	[tilespmem:$0x2CE0] =	vst v0  }
0x4f: {  	[tilespmem:$0x2CF0] =	vst v0;
	s19 =	sadd.s32 $0x0, s5  }
0x50: {  	[spmem:s19] =	stream.linear.scatter [tilespmem:s10], [sflag:$0x2], $0x400, $0x38;
	[tilespmem:$0x16900] =	vst v63  }
0x51: {  	s19 =	simm.s32 $0x1000;
	_ =	swait.ge [sflag:s11], $0x400  }
.LBB2_2:
0x52: {  	s20 =	sshra.s32 s19, $0x2;
	[sflag:s11] =	ssyncset.done $0x0;
	p0 =	sne.s32 s19, $0x4E000  }
.Ltmp0:
0x53: {  	s20 =	sadd.s32 s20, s5;
	[sflag:s11] =	ssyncadd.s32 $0xFFFFFC00;
	(pc) =	sbr.rel @p0 .LBB2_2-.Ltmp0, $3  }
0x54: {  	[spmem:s20] =	stream.linear.scatter [tilespmem:s10], [sflag:$0x2], $0x400, $0x38;
	[tilespmem:$0x16900] =	vst v63  }
0x55: {  	s19 =	sadd.s32 $0x1000, s19;
	_ =	sdelay $0x1  }
0x56: {  	_ =	swait.ge [sflag:s11], $0x400  }
0x57: {  	[sflag:s11] =	ssyncset.done $0x0  }
0x58: {  	[sflag:s11] =	ssyncadd.s32 $0xFFFFFC00  }
0x59: {  	s19 =	sadd.s32 $0x0, s9;
	[bflag:$0x0] =	sbarrier.arrive $0xFFFF  }
0x5a: {  	[tilespmem:s3], [sflag:$0x2] =	stream.linear.gather [hbm4b:s19+s3], $0x50, $0x38;
	[tilespmem:$0x16900] =	vst v63  }
0x5b: {  	_ =	swait.ge [sflag:s11], $0x50  }
0x5c: {  	[sflag:s11] =	ssyncset.done $0x0  }
0x5d: {  	s31 =	sadd.s32 $0x0, s8;
	[sflag:s11] =	ssyncadd.s32 $0xFFFFFFB0  }
0x5e: {  	[tilespmem:s12], [sflag:$0x2] =	stream.linear.gather [hbm4b:s31+s3], $0x50, $0x38;
	[tilespmem:$0x16900] =	vst v63  }
0x5f: {  	_ =	swait.ge [sflag:s11], $0x50  }
0x60: {  	[sflag:s11] =	ssyncset.done $0x0  }
0x61: {  	[sflag:s11] =	ssyncadd.s32 $0xFFFFFFB0  }
0x62: {  	[tilespmem:s14], [sflag:$0x1] =	stream.indirect.gather [hbm4b:s4+s13], $0x80, s3, s13, $0xb8;
	[tilespmem:$0x16900] =	vst v63  }
0x63: {  	_ =	swait.ge [sflag:s15], $0x2800  }
0x64: {  	[sflag:s15] =	ssyncset.done $0x0  }
0x65: {  	[sflag:s15] =	ssyncadd.s32 $0xFFFFD800  }
0x66: {  	[spmem:s2] =	stream.indirect.scatter.add.f32 [tilespmem:s14], [sflag:$0x2], $0x80, s12, s13, $0xb8;
	[tilespmem:$0x16900] =	vst v63  }
0x67: {  	_ =	swait.ge [sflag:s11], $0x2800  }
0x68: {  	s20 =	simm.s32 $0x14;
	s19 =	simm.s32 $0xA;
	[sflag:s11] =	ssyncset.done $0x0  }
.LBB2_4:
0x69: {  	s21 =	sadd.s32 s19, s9  }
0x6a: {  	[sflag:s11] =	ssyncadd.s32 $0xFFFFD800;
	s22 =	smov.u32 s20;
	s23 =	sadd.s32 $0xA, s20  }
0x6b: {  	[tilespmem:s3], [sflag:$0x2] =	stream.linear.gather [hbm4b:s21+s3], $0x50, $0x38;
	[tilespmem:$0x16900] =	vst v63  }
0x6c: {  	p0 =	sne.s32 s20, $0x4D8;
	_ =	swait.ge [sflag:s11], $0x50  }
0x6d: {  	[sflag:s11] =	ssyncset.done $0x0  }
0x6e: {  	s20 =	sadd.s32 s19, s8;
	s19 =	smov.u32 s22;
	[sflag:s11] =	ssyncadd.s32 $0xFFFFFFB0  }
0x6f: {  	[tilespmem:s12], [sflag:$0x2] =	stream.linear.gather [hbm4b:s20+s3], $0x50, $0x38;
	[tilespmem:$0x16900] =	vst v63  }
0x70: {  	_ =	swait.ge [sflag:s11], $0x50  }
0x71: {  	[sflag:s11] =	ssyncset.done $0x0  }
0x72: {  	[sflag:s11] =	ssyncadd.s32 $0xFFFFFFB0  }
0x73: {  	[tilespmem:s14], [sflag:$0x1] =	stream.indirect.gather [hbm4b:s4+s13], $0x80, s3, s13, $0xb8;
	[tilespmem:$0x16900] =	vst v63  }
0x74: {  	_ =	swait.ge [sflag:s15], $0x2800  }
.Ltmp1:
0x75: {  	[sflag:s15] =	ssyncset.done $0x0;
	(pc) =	sbr.rel @p0 .LBB2_4-.Ltmp1, $4  }
0x76: {  	[sflag:s15] =	ssyncadd.s32 $0xFFFFD800  }
0x77: {  	[spmem:s2] =	stream.indirect.scatter.add.f32 [tilespmem:s14], [sflag:$0x2], $0x80, s12, s13, $0xb8;
	[tilespmem:$0x16900] =	vst v63  }
0x78: {  	_ =	swait.ge [sflag:s11], $0x2800  }
0x79: {  	s20 =	smov.u32 s23;
	[sflag:s11] =	ssyncset.done $0x0  }
0x7a: {  	s20 =	sadd.s32 s19, s9;
	[sflag:s11] =	ssyncadd.s32 $0xFFFFD800  }
0x7b: {  	[tilespmem:s3], [sflag:$0x2] =	stream.linear.gather [hbm4b:s20+s3], $0x50, $0x38;
	[tilespmem:$0x16900] =	vst v63  }
0x7c: {  	_ =	swait.ge [sflag:s11], $0x50  }
0x7d: {  	[sflag:s11] =	ssyncset.done $0x0  }
0x7e: {  	s31 =	sadd.s32 s19, s8;
	[sflag:s11] =	ssyncadd.s32 $0xFFFFFFB0  }
0x7f: {  	[tilespmem:s12], [sflag:$0x2] =	stream.linear.gather [hbm4b:s31+s3], $0x50, $0x38;
	[tilespmem:$0x16900] =	vst v63  }
0x80: {  	_ =	swait.ge [sflag:s11], $0x50  }
0x81: {  	[sflag:s11] =	ssyncset.done $0x0  }
0x82: {  	[sflag:s11] =	ssyncadd.s32 $0xFFFFFFB0  }
0x83: {  	[tilespmem:s14], [sflag:$0x1] =	stream.indirect.gather [hbm4b:s4+s13], $0x80, s3, s13, $0xb8;
	[tilespmem:$0x16900] =	vst v63  }
0x84: {  	_ =	swait.ge [sflag:s15], $0x2800  }
0x85: {  	[sflag:s15] =	ssyncset.done $0x0  }
0x86: {  	[sflag:s15] =	ssyncadd.s32 $0xFFFFD800  }
0x87: {  	[spmem:s2] =	stream.indirect.scatter.add.f32 [tilespmem:s14], [sflag:$0x2], $0x80, s12, s13, $0xb8;
	[tilespmem:$0x16900] =	vst v63  }
0x88: {  	_ =	swait.ge [sflag:s11], $0x2800  }
0x89: {  	s18 =	sadd.s32 $0x1, s18;
	[sflag:s11] =	ssyncset.done $0x0  }
0x8a: {  	p0 =	sne.s32 s18, s7;
	[sflag:s11] =	ssyncadd.s32 $0xFFFFD800  }
.Ltmp2:
0x8b: {  	[bflag:$0x0] =	sbarrier.arrive $0xFFFF;
	(pc) =	sbr.rel @p0 .LBB2_1-.Ltmp2, $4  }
0x8c: {  	[hbm:s6], [sflag:s16] =	dma.local [spmem:s17], $0x2780  }
0x8d: {  	_ =	swait.ge [sflag:s11], $0x2780  }
0x8e: {  	[sflag:s11] =	ssyncset.done $0x0  }
0x8f: {  	[sflag:s11] =	ssyncadd.s32 $0xFFFFD880  }
0x90: {  	_ =	sfence.sel $0x180000  }
0x91: {  	[bflag:$0x0] =	sbarrier.arrive $0xFFFF  }
0x92: {  	p0 =	sne.s32 s0, $0x0;
	_ =	strace $0x9000004D  }
0x93: {  	s0 =	sadd.s32 @!p0 $0x100000, s1;
	[bflag:$0x2] =	sbarrier.arrive $0xFFFF  }
0x94: {  	[sflag:s0] =	ssyncadd.tile.s32 @!p0 $0x1;
	_ =	shalt  }
.Lfunc_end2:
_tile_overlayer_lowered:
.L_overlay_start_2:
0x95: {  	(tag) =	ssettag $0x2  }
0x96: {  	s0 =	rddreg [dreg:$0x0];
	s2 =	stileid.u32  }
0x97: {  	s1 =	rddreg [dreg:$0x1];
	p0 =	sne.s32 s2, $0x0  }
0x98: {  	s3 =	rddreg [dreg:$0x2];
	[bflag:$0x3] =	sbarrier.arrive $0xFFFF;
	s2 =	simm.s32 @!p0 $0x1C02  }
0x99: {  	[timem:s3], [sflag:s2] =	dma.local @!p0 [hbm:s0], s1  }
0x9a: {  	s0 =	simm.s32 @!p0 $0x2  }
0x9b: {  	_ =	swait.ge @!p0 [sflag:s0], s1  }
0x9c: {  	s1 =	ssub.s32 @!p0 $0x0, s1;
	[sflag:s0] =	ssyncset.done @!p0 $0x0  }
0x9d: {  	[sflag:s0] =	ssyncadd.s32 @!p0 s1  }
0x9e: {  	[bflag:$0x3] =	sbarrier.arrive $0xFFFF  }
0x9f: {  	_ =	shalt  }

</sc_bundles>
